<compile_context>
chip_gen: v7x
topology: tpu7x:2x2x1
jax: 0.10.2.dev20260603
libtpu: 0.0.44.dev20260713+nightly
codegen_flags: <defaults>
</compile_context>

<pallas_src>
import functools

import jax
import jax.numpy as jnp
from jax import lax
from jax.experimental import pallas as pl
from jax.experimental.pallas import tpu as pltpu
from jax.experimental.pallas import tpu_sc as plsc

N = 10000
E = 320000
D = 128
R = 8
B = 4096

NC = 2
NS = 16
NW = NC * NS
DH = D // NC

K = 128
CH = 157
EPT = CH * K
EPAD = NS * EPT
NPAD = 10240
RPT = NPAD // NS

BN = 512
NB = (N + BN - 1) // BN


@functools.cache
def _sc_mesh():
    return plsc.VectorSubcoreMesh(
        core_axis_name="c", subcore_axis_name="s", num_cores=NC, num_subcores=NS)



XB = 10240


def _gidx_body(src_ref, typ_ref, out_ref):
    src = src_ref[...]
    j = jnp.bitwise_and(src, 511)
    out_ref[...] = (typ_ref[...] * XB + jnp.bitwise_and(src, ~511)
                    + 2 * jnp.bitwise_and(j, 255) + (j >> 8))


_gidx = pl.pallas_call(
    _gidx_body,
    out_shape=jax.ShapeDtypeStruct((NS * CH, K), jnp.int32),
)


def _split_write(hrel_ref, r, res):
    left, right = res[:, :DH], res[:, DH:]
    hrel_ref[0, r] = jnp.concatenate([left[:BN // 2], left[BN // 2:]], axis=1)
    hrel_ref[1, r] = jnp.concatenate([right[:BN // 2], right[BN // 2:]], axis=1)


def _dense_body(h_ref, wrel_ref, wself_ref, hrel_ref, hself_ref):
    h = h_ref[...]
    for r in range(R):
        _split_write(hrel_ref, r, jnp.dot(h, wrel_ref[r], preferred_element_type=jnp.float32))
    hself_ref[...] = jnp.dot(h, wself_ref[...], preferred_element_type=jnp.float32)


_dense = pl.pallas_call(
    _dense_body,
    grid=(NB,),
    in_specs=[
        pl.BlockSpec((BN, D), lambda i: (i, 0)),
        pl.BlockSpec((R, D, D), lambda i: (0, 0, 0)),
        pl.BlockSpec((D, D), lambda i: (0, 0)),
    ],
    out_specs=[
        pl.BlockSpec((NC, R, BN // 2, K), lambda i: (0, 0, i, 0)),
        pl.BlockSpec((BN, D), lambda i: (i, 0)),
    ],
    out_shape=[
        jax.ShapeDtypeStruct((NC, R, XB // 2, K), jnp.float32),
        jax.ShapeDtypeStruct((N, D), jnp.float32),
    ],
)


def _combine_dense_body(p_ref, degp_ref, hself_ref, b_ref, wrel_ref, wself_ref,
                        hrel_ref, hself_out_ref, degsum_ref):
    deg = jnp.maximum(jnp.sum(degp_ref[...], axis=0), 1.0)
    degsum_ref[...] = deg
    agg = jnp.concatenate([p_ref[0], p_ref[1]], axis=1)
    h = jnp.maximum(agg / deg[:, None] + hself_ref[...] + b_ref[...], 0.0)
    for r in range(R):
        _split_write(hrel_ref, r, jnp.dot(h, wrel_ref[r], preferred_element_type=jnp.float32))
    hself_out_ref[...] = jnp.dot(h, wself_ref[...], preferred_element_type=jnp.float32)


_combine_dense = pl.pallas_call(
    _combine_dense_body,
    grid=(NB,),
    in_specs=[
        pl.BlockSpec((NC, BN, DH), lambda i: (0, i, 0)),
        pl.BlockSpec((NS, BN), lambda i: (0, i)),
        pl.BlockSpec((BN, D), lambda i: (i, 0)),
        pl.BlockSpec((1, D), lambda i: (0, 0)),
        pl.BlockSpec((R, D, D), lambda i: (0, 0, 0)),
        pl.BlockSpec((D, D), lambda i: (0, 0)),
    ],
    out_specs=[
        pl.BlockSpec((NC, R, BN // 2, K), lambda i: (0, 0, i, 0)),
        pl.BlockSpec((BN, D), lambda i: (i, 0)),
        pl.BlockSpec((BN,), lambda i: (i,)),
    ],
    out_shape=[
        jax.ShapeDtypeStruct((NC, R, XB // 2, K), jnp.float32),
        jax.ShapeDtypeStruct((N, D), jnp.float32),
        jax.ShapeDtypeStruct((NPAD,), jnp.float32),
    ],
)


def _mlp_body(gph_ref, ghsa_ref, ghsb_ref, gdeg_ref, brg_ref, w1_ref, b1_ref,
              gm_ref, bt_ref, w2_ref, b2_ref, out_ref):
    g0, g1 = gph_ref[0], gph_ref[1]
    agg_a = jnp.concatenate([g0[:, :DH], g1[:, :DH]], axis=1)
    agg_b = jnp.concatenate([g0[:, DH:], g1[:, DH:]], axis=1)
    hn_a = jnp.maximum(agg_a / gdeg_ref[:, 0:1] + ghsa_ref[...] + brg_ref[...], 0.0)
    hn_b = jnp.maximum(agg_b / gdeg_ref[:, 1:2] + ghsb_ref[...] + brg_ref[...], 0.0)
    pooled = hn_a + hn_b
    h = jnp.dot(pooled, w1_ref[...], preferred_element_type=jnp.float32) + b1_ref[...]
    mean = jnp.mean(h, axis=0, keepdims=True)
    var = jnp.mean((h - mean) ** 2, axis=0, keepdims=True)
    h = (h - mean) * lax.rsqrt(var + 1e-5) * gm_ref[...] + bt_ref[...]
    h = jnp.maximum(h, 0.0)
    out_ref[...] = jnp.dot(h, w2_ref[...], preferred_element_type=jnp.float32) + b2_ref[...]


_mlp = pl.pallas_call(
    _mlp_body,
    out_shape=jax.ShapeDtypeStruct((B, D), jnp.float32),
)



IBT = 2 * B // NS
IBC = IBT // K


@functools.cache
def _make_edge_kernel(readout):
    if readout:
        out_type = [
            jax.ShapeDtypeStruct((NC, 2 * B, DH), jnp.float32),
            jax.ShapeDtypeStruct((2 * B, D), jnp.float32),
            jax.ShapeDtypeStruct((NS, IBC, K), jnp.float32),
        ]
    else:
        out_type = [
            jax.ShapeDtypeStruct((NC, NPAD, DH), jnp.float32),
            jax.ShapeDtypeStruct((NS, NPAD), jnp.float32),
        ]

    scratch = [
        pltpu.VMEM((CH, K), jnp.int32),
        pltpu.VMEM((CH, K), jnp.int32),
        pltpu.VMEM((2, K, DH), jnp.float32),
        pltpu.VMEM((NPAD,), jnp.float32),
        pltpu.VMEM_SHARED((NPAD, DH), jnp.float32),
        pltpu.SemaphoreType.DMA,
    ]
    if readout:
        scratch += [
            pltpu.VMEM((IBC, K), jnp.int32),
            pltpu.VMEM((K, D), jnp.float32),
            pltpu.VMEM((IBC, K), jnp.float32),
        ]

    def body(hrel, gidxm, dstm, *refs):
        if readout:
            (gph, ghs, gdeg, hself_hbm, degsum_hbm, rids,
             gidxb, dstb, rows, degl, agg, sem, idb, rhs, gdegb) = (
                refs[3], refs[4], refs[5], refs[0], refs[1], refs[2],
                *refs[6:])
        else:
            parts, deg_out = refs[0], refs[1]
            gidxb, dstb, rows, degl, agg, sem = refs[2:]

        c = lax.axis_index("c")
        s = lax.axis_index("s")
        hrel_c = hrel.at[c]

        pltpu.sync_copy(gidxm.at[s], gidxb)
        pltpu.sync_copy(dstm.at[s], dstb)

        zeros16 = jnp.zeros((16,), jnp.float32)

        def zrow(r, carry):
            for k in range(DH // 16):
                rows[0, r, pl.ds(k * 16, 16)] = zeros16
            return carry
        lax.fori_loop(0, K, zrow, 0)

        base = s * RPT
        for j in range(RPT // K):
            pltpu.sync_copy(rows.at[0], agg.at[pl.ds(base + j * K, K)])

        if not readout:
            @pl.when(c == 0)
            def _():
                def zdeg(i, carry):
                    degl[pl.ds(i * 16, 16)] = zeros16
                    return carry
                lax.fori_loop(0, NPAD // 16, zdeg, 0)

        plsc.subcore_barrier()

        ones16 = jnp.ones((16,), jnp.float32)
        pltpu.async_copy(hrel_c.at[gidxb.at[0]], rows.at[0], sem)

        def main_body(j, carry):
            cur = lax.rem(j, 2)
            nxt = 1 - cur
            pltpu.make_async_copy(hrel_c.at[gidxb.at[j]], rows.at[cur], sem).wait()

            @pl.when(j < CH - 1)
            def _():
                pltpu.async_copy(hrel_c.at[gidxb.at[j + 1]], rows.at[nxt], sem)

            pltpu.sync_copy(rows.at[cur], agg.at[dstb.at[j]], add=True)
            if not readout:
                @pl.when(c == 0)
                def _():
                    for k in range(8):
                        plsc.addupdate_scatter(degl, [dstb[j, pl.ds(k * 16, 16)]], ones16)
            return carry
        lax.fori_loop(0, CH, main_body, 0)

        plsc.subcore_barrier()

        if not readout:
            for j in range(RPT // K):
                sl = pl.ds(base + j * K, K)
                pltpu.sync_copy(agg.at[sl], parts.at[c, sl])

            @pl.when(c == 0)
            def _():
                pltpu.sync_copy(degl, deg_out.at[s])
        else:
            pltpu.sync_copy(rids.at[s], idb)

            @pl.when(c == 1)
            def _():
                pltpu.sync_copy(degsum_hbm, degl)
            for j in range(IBC):
                osl = pl.ds(s * IBT + j * K, K)
                pltpu.async_copy(agg.at[idb.at[j]], rows.at[0], sem).wait()
                pltpu.sync_copy(rows.at[0], gph.at[c, osl])

                @pl.when(c == 0)
                def _():
                    pltpu.async_copy(hself_hbm.at[idb.at[j]], rhs, sem).wait()
                    pltpu.sync_copy(rhs, ghs.at[osl])

                @pl.when(c == 1)
                def _():
                    for k in range(K // 16):
                        ksl = pl.ds(k * 16, 16)
                        gdegb[j, ksl] = plsc.load_gather(degl, [idb[j, ksl]])

            @pl.when(c == 1)
            def _():
                pltpu.sync_copy(gdegb, gdeg.at[s])

    return pl.kernel(
        body,
        out_type=out_type,
        mesh=_sc_mesh(),
        compiler_params=pltpu.CompilerParams(needs_layout_passes=False, use_tc_tiling_on_sc=False),
        scratch_types=scratch,
    )



def kernel(edge_index, edge_type, node_ids, node_emb, W_rel, W_self, b_rgcn,
           W1, b1, gamma, beta, W2, b2):
    pad = EPAD - E
    srcm = jnp.pad(edge_index[0], (0, pad)).reshape(NS * CH, K)
    typm = jnp.pad(edge_type, (0, pad)).reshape(NS * CH, K)
    dstm = jnp.pad(edge_index[1], (0, pad), constant_values=N).reshape(NS, CH, K)
    rids = node_ids.reshape(NS, IBC, K)

    gidxm = _gidx(srcm, typm).reshape(NS, CH, K)

    hrel, hself = _dense(node_emb, W_rel[0], W_self[0])
    parts, degp = _make_edge_kernel(False)(hrel.reshape(NC, R * XB, DH), gidxm, dstm)
    hrel, hself, degsum = _combine_dense(parts, degp, hself, b_rgcn[0:1],
                                         W_rel[1], W_self[1])
    gph, ghs, gdeg = _make_edge_kernel(True)(hrel.reshape(NC, R * XB, DH),
                                             gidxm, dstm, hself, degsum, rids)
    ghsr = ghs.reshape(B, 2, D)
    out = _mlp(gph.reshape(NC, B, K), ghsr[:, 0], ghsr[:, 1],
               gdeg.reshape(B, 2), b_rgcn[1].reshape(1, D),
               W1, b1.reshape(1, 2 * D), gamma.reshape(1, 2 * D),
               beta.reshape(1, 2 * D), W2, b2.reshape(1, D))
    return out

# --- scband reference (transcript-rebuilt; emitter-appended) ---
"""Pipeline reference for scband-graph-model-6184752906868 (READ-ONLY COPY).

The authoritative reference and input builder live on the scoring server;
editing this copy changes nothing except your own understanding.
"""

import jax, jax.numpy as jnp
import numpy as np

N = 10000   # num_nodes
E = 320000  # num_edges
D = 128     # node_emb_dim == emb_dim
R = 8       # aug_num_rels
L = 2       # num_gcn_layers
B = 4096    # readout batch


def setup_inputs(seed: int = 0) -> dict:
    key = jax.random.key(seed)
    ks = jax.random.split(key, 12)
    edge_index = jax.random.randint(ks[0], (2, E), 0, N, dtype=jnp.int32)
    edge_type = jax.random.randint(ks[1], (E,), 0, R, dtype=jnp.int32)
    node_ids = jax.random.randint(ks[2], (B, 2), 0, N, dtype=jnp.int32)
    node_emb = jax.random.normal(ks[3], (N, D), dtype=jnp.float32) * 0.05
    W_rel = jax.random.normal(ks[4], (L, R, D, D), dtype=jnp.float32) * (1.0 / np.sqrt(D))
    W_self = jax.random.normal(ks[5], (L, D, D), dtype=jnp.float32) * (1.0 / np.sqrt(D))
    b_rgcn = jnp.zeros((L, D), dtype=jnp.float32)
    W1 = jax.random.normal(ks[6], (D, 2 * D), dtype=jnp.float32) * (1.0 / np.sqrt(D))
    b1 = jnp.zeros((2 * D,), dtype=jnp.float32)
    gamma = jnp.ones((2 * D,), dtype=jnp.float32)
    beta = jnp.zeros((2 * D,), dtype=jnp.float32)
    W2 = jax.random.normal(ks[7], (2 * D, D), dtype=jnp.float32) * (1.0 / np.sqrt(2 * D))
    b2 = jnp.zeros((D,), dtype=jnp.float32)
    return {
        'edge_index': edge_index, 'edge_type': edge_type, 'node_ids': node_ids,
        'node_emb': node_emb, 'W_rel': W_rel, 'W_self': W_self, 'b_rgcn': b_rgcn,
        'W1': W1, 'b1': b1, 'gamma': gamma, 'beta': beta, 'W2': W2, 'b2': b2,
    }


def reference(edge_index, edge_type, node_ids, node_emb, W_rel, W_self, b_rgcn, W1, b1, gamma, beta, W2, b2):
    src = edge_index[0]
    dst = edge_index[1]
    # in-degree normalization (RGCN mean aggregation)
    deg = jnp.zeros((N,), dtype=node_emb.dtype).at[dst].add(1.0)
    deg = jnp.maximum(deg, 1.0)

    # RGCN stack (graph_update): h = node_emb; JK='last'
    h = node_emb
    for l in range(L):
        # per-relation transform of all nodes: [R, N, D]
        h_rel = jnp.einsum('nd,rdf->rnf', h, W_rel[l])
        # gather per-edge message by (relation, src): [E, D]
        msg = h_rel[edge_type, src]
        # scatter-add into destination nodes
        agg = jnp.zeros((N, D), dtype=h.dtype).at[dst].add(msg)
        agg = agg / deg[:, None]
        h = jax.nn.relu(agg + h @ W_self[l] + b_rgcn[l])
    repr_ = h  # g.ndata['repr']

    # get_graph_embedding
    node_repr = repr_[node_ids]                       # [B, 2, D]
    m_nodes = jnp.sign(node_ids + 1).astype(node_repr.dtype)  # [B, 2]
    pooled = (node_repr * m_nodes[:, :, None]).sum(axis=1)    # [B, D]

    # MLP: Linear -> BatchNorm1d (batch stats) -> ReLU -> Linear
    hmlp = pooled @ W1 + b1
    mean = hmlp.mean(axis=0)
    var = hmlp.var(axis=0)
    hmlp = (hmlp - mean) / jnp.sqrt(var + 1e-5) * gamma + beta
    hmlp = jax.nn.relu(hmlp)
    out = hmlp @ W2 + b2
    return out

if __name__ == "__main__":
    import jax
    _d = setup_inputs()
    print(jax.jit(kernel)(*tuple(_d.values())))

</pallas_src>

<mosaic_0001>
#map = affine_map<(d0, d1) -> (0, 0, 0)>
#map1 = affine_map<(d0, d1) -> (0, 0)>
#map2 = affine_map<(d0, d1) -> (0)>
module attributes {stable_mosaic.version = 14 : i64} {
  func.func @body(%arg0: i32, %arg1: i32, %arg2: memref<2x81920x64xf32, #tpu.memory_space<hbm>>, %arg3: memref<16x157x128xi32, #tpu.memory_space<hbm>>, %arg4: memref<16x157x128xi32, #tpu.memory_space<hbm>>, %arg5: memref<10000x128xf32, #tpu.memory_space<hbm>>, %arg6: memref<10240xf32, #tpu.memory_space<hbm>>, %arg7: memref<16x4x128xi32, #tpu.memory_space<hbm>>, %arg8: memref<2x8192x64xf32, #tpu.memory_space<hbm>>, %arg9: memref<8192x128xf32, #tpu.memory_space<hbm>>, %arg10: memref<16x4x128xf32, #tpu.memory_space<hbm>>, %arg11: memref<157x128xi32, #tpu.memory_space<vmem>>, %arg12: memref<157x128xi32, #tpu.memory_space<vmem>>, %arg13: memref<2x128x64xf32, #tpu.memory_space<vmem>>, %arg14: memref<10240xf32, #tpu.memory_space<vmem>>, %arg15: memref<10240x64xf32, #tpu.memory_space<vmem_shared>>, %arg16: memref<!tpu.dma_semaphore, #tpu.memory_space<semaphore_mem>>, %arg17: memref<4x128xi32, #tpu.memory_space<vmem>>, %arg18: memref<128x128xf32, #tpu.memory_space<vmem>>, %arg19: memref<4x128xf32, #tpu.memory_space<vmem>>) attributes {dimension_semantics = [#tpu.dimension_semantics<core_parallel>, #tpu.dimension_semantics<subcore_parallel>], iteration_bounds = array<i64: 2, 16>, scalar_prefetch = 0 : i64, scratch_operands = 9 : i64, tpu.core_type = #tpu.core_type<sc_vector_subcore>, window_params = [{transform_indices = #map}, {transform_indices = #map}, {transform_indices = #map}, {transform_indices = #map1}, {transform_indices = #map2}, {transform_indices = #map}, {transform_indices = #map}, {transform_indices = #map1}, {transform_indices = #map}]} {
    "tpu.region"() ({
      %run_scoped3A_206 = tpu.sem_alloc : memref<!tpu.dma_semaphore, #tpu.memory_space<semaphore_mem>>
      %dma_start3A_207 = arith.constant 0 : i32
      %dma_start3A_208 = arith.constant 0 : i32
      %dma_start3A_209 = tpu.memref_slice %arg3[%arg1, %dma_start3A_207, %dma_start3A_208] : memref<16x157x128xi32, #tpu.memory_space<hbm>> -> memref<1x157x128xi32, #tpu.memory_space<hbm>>
      %dma_start3A_210 = tpu.memref_squeeze %dma_start3A_209 : memref<1x157x128xi32, #tpu.memory_space<hbm>> -> memref<157x128xi32, #tpu.memory_space<hbm>>
      %dma_start3A_211 = arith.constant 0 : i32
      %dma_start3A_212 = arith.constant 0 : i32
      %dma_start3A_213 = tpu.memref_slice %arg3[%arg1, %dma_start3A_211, %dma_start3A_212] : memref<16x157x128xi32, #tpu.memory_space<hbm>> -> memref<1x157x128xi32, #tpu.memory_space<hbm>>
      %dma_start3A_214 = tpu.memref_squeeze %dma_start3A_213 : memref<1x157x128xi32, #tpu.memory_space<hbm>> -> memref<157x128xi32, #tpu.memory_space<hbm>>
      tpu.enqueue_dma source(%dma_start3A_214 : memref<157x128xi32, #tpu.memory_space<hbm>>) target(%arg11 : memref<157x128xi32, #tpu.memory_space<vmem>>) target_semaphore(%run_scoped3A_206 : memref<!tpu.dma_semaphore, #tpu.memory_space<semaphore_mem>>)
      %dma_wait3A_215 = arith.constant 0 : i32
      %dma_wait3A_216 = arith.constant 0 : i32
      %dma_wait3A_217 = tpu.memref_slice %arg3[%arg1, %dma_wait3A_215, %dma_wait3A_216] : memref<16x157x128xi32, #tpu.memory_space<hbm>> -> memref<1x157x128xi32, #tpu.memory_space<hbm>>
      %dma_wait3A_218 = tpu.memref_squeeze %dma_wait3A_217 : memref<1x157x128xi32, #tpu.memory_space<hbm>> -> memref<157x128xi32, #tpu.memory_space<hbm>>
      %dma_wait3A_219 = arith.constant 0 : i32
      %dma_wait3A_220 = arith.constant 0 : i32
      %dma_wait3A_221 = tpu.memref_slice %arg3[%arg1, %dma_wait3A_219, %dma_wait3A_220] : memref<16x157x128xi32, #tpu.memory_space<hbm>> -> memref<1x157x128xi32, #tpu.memory_space<hbm>>
      %dma_wait3A_222 = tpu.memref_squeeze %dma_wait3A_221 : memref<1x157x128xi32, #tpu.memory_space<hbm>> -> memref<157x128xi32, #tpu.memory_space<hbm>>
      tpu.wait_dma2 semaphore(%run_scoped3A_206 : memref<!tpu.dma_semaphore, #tpu.memory_space<semaphore_mem>>) src(%dma_wait3A_222 : memref<157x128xi32, #tpu.memory_space<hbm>>) dst(%arg11 : memref<157x128xi32, #tpu.memory_space<vmem>>)
      tpu.yield
    }) : () -> ()
    "tpu.region"() ({
      %run_scoped3A_206 = tpu.sem_alloc : memref<!tpu.dma_semaphore, #tpu.memory_space<semaphore_mem>>
      %dma_start3A_207 = arith.constant 0 : i32
      %dma_start3A_208 = arith.constant 0 : i32
      %dma_start3A_209 = tpu.memref_slice %arg4[%arg1, %dma_start3A_207, %dma_start3A_208] : memref<16x157x128xi32, #tpu.memory_space<hbm>> -> memref<1x157x128xi32, #tpu.memory_space<hbm>>
      %dma_start3A_210 = tpu.memref_squeeze %dma_start3A_209 : memref<1x157x128xi32, #tpu.memory_space<hbm>> -> memref<157x128xi32, #tpu.memory_space<hbm>>
      %dma_start3A_211 = arith.constant 0 : i32
      %dma_start3A_212 = arith.constant 0 : i32
      %dma_start3A_213 = tpu.memref_slice %arg4[%arg1, %dma_start3A_211, %dma_start3A_212] : memref<16x157x128xi32, #tpu.memory_space<hbm>> -> memref<1x157x128xi32, #tpu.memory_space<hbm>>
      %dma_start3A_214 = tpu.memref_squeeze %dma_start3A_213 : memref<1x157x128xi32, #tpu.memory_space<hbm>> -> memref<157x128xi32, #tpu.memory_space<hbm>>
      tpu.enqueue_dma source(%dma_start3A_214 : memref<157x128xi32, #tpu.memory_space<hbm>>) target(%arg12 : memref<157x128xi32, #tpu.memory_space<vmem>>) target_semaphore(%run_scoped3A_206 : memref<!tpu.dma_semaphore, #tpu.memory_space<semaphore_mem>>)
      %dma_wait3A_215 = arith.constant 0 : i32
      %dma_wait3A_216 = arith.constant 0 : i32
      %dma_wait3A_217 = tpu.memref_slice %arg4[%arg1, %dma_wait3A_215, %dma_wait3A_216] : memref<16x157x128xi32, #tpu.memory_space<hbm>> -> memref<1x157x128xi32, #tpu.memory_space<hbm>>
      %dma_wait3A_218 = tpu.memref_squeeze %dma_wait3A_217 : memref<1x157x128xi32, #tpu.memory_space<hbm>> -> memref<157x128xi32, #tpu.memory_space<hbm>>
      %dma_wait3A_219 = arith.constant 0 : i32
      %dma_wait3A_220 = arith.constant 0 : i32
      %dma_wait3A_221 = tpu.memref_slice %arg4[%arg1, %dma_wait3A_219, %dma_wait3A_220] : memref<16x157x128xi32, #tpu.memory_space<hbm>> -> memref<1x157x128xi32, #tpu.memory_space<hbm>>
      %dma_wait3A_222 = tpu.memref_squeeze %dma_wait3A_221 : memref<1x157x128xi32, #tpu.memory_space<hbm>> -> memref<157x128xi32, #tpu.memory_space<hbm>>
      tpu.wait_dma2 semaphore(%run_scoped3A_206 : memref<!tpu.dma_semaphore, #tpu.memory_space<semaphore_mem>>) src(%dma_wait3A_222 : memref<157x128xi32, #tpu.memory_space<hbm>>) dst(%arg12 : memref<157x128xi32, #tpu.memory_space<vmem>>)
      tpu.yield
    }) : () -> ()
    %broadcast_in_dim3A = arith.constant 0.000000e+00 : f32
    %broadcast_in_dim3A_0 = vector.broadcast %broadcast_in_dim3A : f32 to vector<16xf32>
    %scan3A = arith.constant 0 : i32
    %scan3A_1 = arith.constant 0 : i32
    %scan3A_2 = arith.constant 128 : i32
    %scan3A_3 = arith.addi %scan3A_1, %scan3A_2 : i32
    %scan3A_4 = arith.constant 1 : i32
    scf.for %scan3A_206 = %scan3A_1 to %scan3A_3 step %scan3A_4  : i32 {
      %swap3A = arith.constant 0 : i32
      %swap3A_207 = arith.index_cast %swap3A : i32 to index
      %swap3A_208 = arith.index_cast %scan3A_206 : i32 to index
      %swap3A_209 = arith.constant 0 : index
      %swap3A_210 = tpu.vector_load %arg13[%swap3A_207, %swap3A_208, %swap3A_209] {strides = array<i32>} : memref<2x128x64xf32, #tpu.memory_space<vmem>>, vector<16xf32>,
      tpu.vector_store %arg13[%swap3A_207, %swap3A_208, %swap3A_209], %broadcast_in_dim3A_0 {strides = array<i32>} : memref<2x128x64xf32, #tpu.memory_space<vmem>>, vector<16xf32>,
      %swap3A_211 = arith.constant 0 : i32
      %swap3A_212 = arith.index_cast %swap3A_211 : i32 to index
      %swap3A_213 = arith.index_cast %scan3A_206 : i32 to index
      %swap3A_214 = arith.constant 16 : index
      %swap3A_215 = tpu.vector_load %arg13[%swap3A_212, %swap3A_213, %swap3A_214] {strides = array<i32>} : memref<2x128x64xf32, #tpu.memory_space<vmem>>, vector<16xf32>,
      tpu.vector_store %arg13[%swap3A_212, %swap3A_213, %swap3A_214], %broadcast_in_dim3A_0 {strides = array<i32>} : memref<2x128x64xf32, #tpu.memory_space<vmem>>, vector<16xf32>,
      %swap3A_216 = arith.constant 0 : i32
      %swap3A_217 = arith.index_cast %swap3A_216 : i32 to index
      %swap3A_218 = arith.index_cast %scan3A_206 : i32 to index
      %swap3A_219 = arith.constant 32 : index
      %swap3A_220 = tpu.vector_load %arg13[%swap3A_217, %swap3A_218, %swap3A_219] {strides = array<i32>} : memref<2x128x64xf32, #tpu.memory_space<vmem>>, vector<16xf32>,
      tpu.vector_store %arg13[%swap3A_217, %swap3A_218, %swap3A_219], %broadcast_in_dim3A_0 {strides = array<i32>} : memref<2x128x64xf32, #tpu.memory_space<vmem>>, vector<16xf32>,
      %swap3A_221 = arith.constant 0 : i32
      %swap3A_222 = arith.index_cast %swap3A_221 : i32 to index
      %swap3A_223 = arith.index_cast %scan3A_206 : i32 to index
      %swap3A_224 = arith.constant 48 : index
      %swap3A_225 = tpu.vector_load %arg13[%swap3A_222, %swap3A_223, %swap3A_224] {strides = array<i32>} : memref<2x128x64xf32, #tpu.memory_space<vmem>>, vector<16xf32>,
      tpu.vector_store %arg13[%swap3A_222, %swap3A_223, %swap3A_224], %broadcast_in_dim3A_0 {strides = array<i32>} : memref<2x128x64xf32, #tpu.memory_space<vmem>>, vector<16xf32>,
    }
    %scan3A_5 = arith.constant 128 : i32
    %mul3A = arith.constant 640 : i32
    %mul3A_6 = arith.muli %arg1, %mul3A : i32
    %add3A = arith.constant 0 : i32
    %add3A_7 = arith.addi %mul3A_6, %add3A : i32
    %run_scoped3A = arith.constant 0 : i32
    "tpu.region"() ({
      %run_scoped3A_206 = tpu.sem_alloc : memref<!tpu.dma_semaphore, #tpu.memory_space<semaphore_mem>>
      %dma_start3A_207 = arith.constant 0 : i32
      %dma_start3A_208 = arith.constant 0 : i32
      %dma_start3A_209 = tpu.memref_slice %arg13[%run_scoped3A, %dma_start3A_207, %dma_start3A_208] : memref<2x128x64xf32, #tpu.memory_space<vmem>> -> memref<1x128x64xf32, #tpu.memory_space<vmem>>
      %dma_start3A_210 = tpu.memref_squeeze %dma_start3A_209 : memref<1x128x64xf32, #tpu.memory_space<vmem>> -> memref<128x64xf32, #tpu.memory_space<vmem>>
      %dma_start3A_211 = arith.constant 0 : i32
      %dma_start3A_212 = tpu.memref_slice %arg15[%add3A_7, %dma_start3A_211] : memref<10240x64xf32, #tpu.memory_space<vmem_shared>> -> memref<128x64xf32, #tpu.memory_space<vmem_shared>>
      %dma_start3A_213 = arith.constant 0 : i32
      %dma_start3A_214 = tpu.memref_slice %arg15[%add3A_7, %dma_start3A_213] : memref<10240x64xf32, #tpu.memory_space<vmem_shared>> -> memref<128x64xf32, #tpu.memory_space<vmem_shared>>
      %dma_start3A_215 = arith.constant 0 : i32
      %dma_start3A_216 = arith.constant 0 : i32
      %dma_start3A_217 = tpu.memref_slice %arg13[%run_scoped3A, %dma_start3A_215, %dma_start3A_216] : memref<2x128x64xf32, #tpu.memory_space<vmem>> -> memref<1x128x64xf32, #tpu.memory_space<vmem>>
      %dma_start3A_218 = tpu.memref_squeeze %dma_start3A_217 : memref<1x128x64xf32, #tpu.memory_space<vmem>> -> memref<128x64xf32, #tpu.memory_space<vmem>>
      tpu.enqueue_dma source(%dma_start3A_218 : memref<128x64xf32, #tpu.memory_space<vmem>>) target(%dma_start3A_214 : memref<128x64xf32, #tpu.memory_space<vmem_shared>>) target_semaphore(%run_scoped3A_206 : memref<!tpu.dma_semaphore, #tpu.memory_space<semaphore_mem>>)
      %dma_wait3A_219 = arith.constant 0 : i32
      %dma_wait3A_220 = arith.constant 0 : i32
      %dma_wait3A_221 = tpu.memref_slice %arg13[%run_scoped3A, %dma_wait3A_219, %dma_wait3A_220] : memref<2x128x64xf32, #tpu.memory_space<vmem>> -> memref<1x128x64xf32, #tpu.memory_space<vmem>>
      %dma_wait3A_222 = tpu.memref_squeeze %dma_wait3A_221 : memref<1x128x64xf32, #tpu.memory_space<vmem>> -> memref<128x64xf32, #tpu.memory_space<vmem>>
      %dma_wait3A_223 = arith.constant 0 : i32
      %dma_wait3A_224 = tpu.memref_slice %arg15[%add3A_7, %dma_wait3A_223] : memref<10240x64xf32, #tpu.memory_space<vmem_shared>> -> memref<128x64xf32, #tpu.memory_space<vmem_shared>>
      %dma_wait3A_225 = arith.constant 0 : i32
      %dma_wait3A_226 = tpu.memref_slice %arg15[%add3A_7, %dma_wait3A_225] : memref<10240x64xf32, #tpu.memory_space<vmem_shared>> -> memref<128x64xf32, #tpu.memory_space<vmem_shared>>
      %dma_wait3A_227 = arith.constant 0 : i32
      %dma_wait3A_228 = arith.constant 0 : i32
      %dma_wait3A_229 = tpu.memref_slice %arg13[%run_scoped3A, %dma_wait3A_227, %dma_wait3A_228] : memref<2x128x64xf32, #tpu.memory_space<vmem>> -> memref<1x128x64xf32, #tpu.memory_space<vmem>>
      %dma_wait3A_230 = tpu.memref_squeeze %dma_wait3A_229 : memref<1x128x64xf32, #tpu.memory_space<vmem>> -> memref<128x64xf32, #tpu.memory_space<vmem>>
      tpu.wait_dma2 semaphore(%run_scoped3A_206 : memref<!tpu.dma_semaphore, #tpu.memory_space<semaphore_mem>>) src(%dma_wait3A_230 : memref<128x64xf32, #tpu.memory_space<vmem>>) dst(%dma_wait3A_226 : memref<128x64xf32, #tpu.memory_space<vmem_shared>>)
      tpu.yield
    }) : () -> ()
    %add3A_8 = arith.constant 128 : i32
    %add3A_9 = arith.addi %mul3A_6, %add3A_8 : i32
    %run_scoped3A_10 = arith.constant 0 : i32
    "tpu.region"() ({
      %run_scoped3A_206 = tpu.sem_alloc : memref<!tpu.dma_semaphore, #tpu.memory_space<semaphore_mem>>
      %dma_start3A_207 = arith.constant 0 : i32
      %dma_start3A_208 = arith.constant 0 : i32
      %dma_start3A_209 = tpu.memref_slice %arg13[%run_scoped3A_10, %dma_start3A_207, %dma_start3A_208] : memref<2x128x64xf32, #tpu.memory_space<vmem>> -> memref<1x128x64xf32, #tpu.memory_space<vmem>>
      %dma_start3A_210 = tpu.memref_squeeze %dma_start3A_209 : memref<1x128x64xf32, #tpu.memory_space<vmem>> -> memref<128x64xf32, #tpu.memory_space<vmem>>
      %dma_start3A_211 = arith.constant 0 : i32
      %dma_start3A_212 = tpu.memref_slice %arg15[%add3A_9, %dma_start3A_211] : memref<10240x64xf32, #tpu.memory_space<vmem_shared>> -> memref<128x64xf32, #tpu.memory_space<vmem_shared>>
      %dma_start3A_213 = arith.constant 0 : i32
      %dma_start3A_214 = tpu.memref_slice %arg15[%add3A_9, %dma_start3A_213] : memref<10240x64xf32, #tpu.memory_space<vmem_shared>> -> memref<128x64xf32, #tpu.memory_space<vmem_shared>>
      %dma_start3A_215 = arith.constant 0 : i32
      %dma_start3A_216 = arith.constant 0 : i32
      %dma_start3A_217 = tpu.memref_slice %arg13[%run_scoped3A_10, %dma_start3A_215, %dma_start3A_216] : memref<2x128x64xf32, #tpu.memory_space<vmem>> -> memref<1x128x64xf32, #tpu.memory_space<vmem>>
      %dma_start3A_218 = tpu.memref_squeeze %dma_start3A_217 : memref<1x128x64xf32, #tpu.memory_space<vmem>> -> memref<128x64xf32, #tpu.memory_space<vmem>>
      tpu.enqueue_dma source(%dma_start3A_218 : memref<128x64xf32, #tpu.memory_space<vmem>>) target(%dma_start3A_214 : memref<128x64xf32, #tpu.memory_space<vmem_shared>>) target_semaphore(%run_scoped3A_206 : memref<!tpu.dma_semaphore, #tpu.memory_space<semaphore_mem>>)
      %dma_wait3A_219 = arith.constant 0 : i32
      %dma_wait3A_220 = arith.constant 0 : i32
      %dma_wait3A_221 = tpu.memref_slice %arg13[%run_scoped3A_10, %dma_wait3A_219, %dma_wait3A_220] : memref<2x128x64xf32, #tpu.memory_space<vmem>> -> memref<1x128x64xf32, #tpu.memory_space<vmem>>
      %dma_wait3A_222 = tpu.memref_squeeze %dma_wait3A_221 : memref<1x128x64xf32, #tpu.memory_space<vmem>> -> memref<128x64xf32, #tpu.memory_space<vmem>>
      %dma_wait3A_223 = arith.constant 0 : i32
      %dma_wait3A_224 = tpu.memref_slice %arg15[%add3A_9, %dma_wait3A_223] : memref<10240x64xf32, #tpu.memory_space<vmem_shared>> -> memref<128x64xf32, #tpu.memory_space<vmem_shared>>
      %dma_wait3A_225 = arith.constant 0 : i32
      %dma_wait3A_226 = tpu.memref_slice %arg15[%add3A_9, %dma_wait3A_225] : memref<10240x64xf32, #tpu.memory_space<vmem_shared>> -> memref<128x64xf32, #tpu.memory_space<vmem_shared>>
      %dma_wait3A_227 = arith.constant 0 : i32
      %dma_wait3A_228 = arith.constant 0 : i32
      %dma_wait3A_229 = tpu.memref_slice %arg13[%run_scoped3A_10, %dma_wait3A_227, %dma_wait3A_228] : memref<2x128x64xf32, #tpu.memory_space<vmem>> -> memref<1x128x64xf32, #tpu.memory_space<vmem>>
      %dma_wait3A_230 = tpu.memref_squeeze %dma_wait3A_229 : memref<1x128x64xf32, #tpu.memory_space<vmem>> -> memref<128x64xf32, #tpu.memory_space<vmem>>
      tpu.wait_dma2 semaphore(%run_scoped3A_206 : memref<!tpu.dma_semaphore, #tpu.memory_space<semaphore_mem>>) src(%dma_wait3A_230 : memref<128x64xf32, #tpu.memory_space<vmem>>) dst(%dma_wait3A_226 : memref<128x64xf32, #tpu.memory_space<vmem_shared>>)
      tpu.yield
    }) : () -> ()
    %add3A_11 = arith.constant 256 : i32
    %add3A_12 = arith.addi %mul3A_6, %add3A_11 : i32
    %run_scoped3A_13 = arith.constant 0 : i32
    "tpu.region"() ({
      %run_scoped3A_206 = tpu.sem_alloc : memref<!tpu.dma_semaphore, #tpu.memory_space<semaphore_mem>>
      %dma_start3A_207 = arith.constant 0 : i32
      %dma_start3A_208 = arith.constant 0 : i32
      %dma_start3A_209 = tpu.memref_slice %arg13[%run_scoped3A_13, %dma_start3A_207, %dma_start3A_208] : memref<2x128x64xf32, #tpu.memory_space<vmem>> -> memref<1x128x64xf32, #tpu.memory_space<vmem>>
      %dma_start3A_210 = tpu.memref_squeeze %dma_start3A_209 : memref<1x128x64xf32, #tpu.memory_space<vmem>> -> memref<128x64xf32, #tpu.memory_space<vmem>>
      %dma_start3A_211 = arith.constant 0 : i32
      %dma_start3A_212 = tpu.memref_slice %arg15[%add3A_12, %dma_start3A_211] : memref<10240x64xf32, #tpu.memory_space<vmem_shared>> -> memref<128x64xf32, #tpu.memory_space<vmem_shared>>
      %dma_start3A_213 = arith.constant 0 : i32
      %dma_start3A_214 = tpu.memref_slice %arg15[%add3A_12, %dma_start3A_213] : memref<10240x64xf32, #tpu.memory_space<vmem_shared>> -> memref<128x64xf32, #tpu.memory_space<vmem_shared>>
      %dma_start3A_215 = arith.constant 0 : i32
      %dma_start3A_216 = arith.constant 0 : i32
      %dma_start3A_217 = tpu.memref_slice %arg13[%run_scoped3A_13, %dma_start3A_215, %dma_start3A_216] : memref<2x128x64xf32, #tpu.memory_space<vmem>> -> memref<1x128x64xf32, #tpu.memory_space<vmem>>
      %dma_start3A_218 = tpu.memref_squeeze %dma_start3A_217 : memref<1x128x64xf32, #tpu.memory_space<vmem>> -> memref<128x64xf32, #tpu.memory_space<vmem>>
      tpu.enqueue_dma source(%dma_start3A_218 : memref<128x64xf32, #tpu.memory_space<vmem>>) target(%dma_start3A_214 : memref<128x64xf32, #tpu.memory_space<vmem_shared>>) target_semaphore(%run_scoped3A_206 : memref<!tpu.dma_semaphore, #tpu.memory_space<semaphore_mem>>)
      %dma_wait3A_219 = arith.constant 0 : i32
      %dma_wait3A_220 = arith.constant 0 : i32
      %dma_wait3A_221 = tpu.memref_slice %arg13[%run_scoped3A_13, %dma_wait3A_219, %dma_wait3A_220] : memref<2x128x64xf32, #tpu.memory_space<vmem>> -> memref<1x128x64xf32, #tpu.memory_space<vmem>>
      %dma_wait3A_222 = tpu.memref_squeeze %dma_wait3A_221 : memref<1x128x64xf32, #tpu.memory_space<vmem>> -> memref<128x64xf32, #tpu.memory_space<vmem>>
      %dma_wait3A_223 = arith.constant 0 : i32
      %dma_wait3A_224 = tpu.memref_slice %arg15[%add3A_12, %dma_wait3A_223] : memref<10240x64xf32, #tpu.memory_space<vmem_shared>> -> memref<128x64xf32, #tpu.memory_space<vmem_shared>>
      %dma_wait3A_225 = arith.constant 0 : i32
      %dma_wait3A_226 = tpu.memref_slice %arg15[%add3A_12, %dma_wait3A_225] : memref<10240x64xf32, #tpu.memory_space<vmem_shared>> -> memref<128x64xf32, #tpu.memory_space<vmem_shared>>
      %dma_wait3A_227 = arith.constant 0 : i32
      %dma_wait3A_228 = arith.constant 0 : i32
      %dma_wait3A_229 = tpu.memref_slice %arg13[%run_scoped3A_13, %dma_wait3A_227, %dma_wait3A_228] : memref<2x128x64xf32, #tpu.memory_space<vmem>> -> memref<1x128x64xf32, #tpu.memory_space<vmem>>
      %dma_wait3A_230 = tpu.memref_squeeze %dma_wait3A_229 : memref<1x128x64xf32, #tpu.memory_space<vmem>> -> memref<128x64xf32, #tpu.memory_space<vmem>>
      tpu.wait_dma2 semaphore(%run_scoped3A_206 : memref<!tpu.dma_semaphore, #tpu.memory_space<semaphore_mem>>) src(%dma_wait3A_230 : memref<128x64xf32, #tpu.memory_space<vmem>>) dst(%dma_wait3A_226 : memref<128x64xf32, #tpu.memory_space<vmem_shared>>)
      tpu.yield
    }) : () -> ()
    %add3A_14 = arith.constant 384 : i32
    %add3A_15 = arith.addi %mul3A_6, %add3A_14 : i32
    %run_scoped3A_16 = arith.constant 0 : i32
    "tpu.region"() ({
      %run_scoped3A_206 = tpu.sem_alloc : memref<!tpu.dma_semaphore, #tpu.memory_space<semaphore_mem>>
      %dma_start3A_207 = arith.constant 0 : i32
      %dma_start3A_208 = arith.constant 0 : i32
      %dma_start3A_209 = tpu.memref_slice %arg13[%run_scoped3A_16, %dma_start3A_207, %dma_start3A_208] : memref<2x128x64xf32, #tpu.memory_space<vmem>> -> memref<1x128x64xf32, #tpu.memory_space<vmem>>
      %dma_start3A_210 = tpu.memref_squeeze %dma_start3A_209 : memref<1x128x64xf32, #tpu.memory_space<vmem>> -> memref<128x64xf32, #tpu.memory_space<vmem>>
      %dma_start3A_211 = arith.constant 0 : i32
      %dma_start3A_212 = tpu.memref_slice %arg15[%add3A_15, %dma_start3A_211] : memref<10240x64xf32, #tpu.memory_space<vmem_shared>> -> memref<128x64xf32, #tpu.memory_space<vmem_shared>>
      %dma_start3A_213 = arith.constant 0 : i32
      %dma_start3A_214 = tpu.memref_slice %arg15[%add3A_15, %dma_start3A_213] : memref<10240x64xf32, #tpu.memory_space<vmem_shared>> -> memref<128x64xf32, #tpu.memory_space<vmem_shared>>
      %dma_start3A_215 = arith.constant 0 : i32
      %dma_start3A_216 = arith.constant 0 : i32
      %dma_start3A_217 = tpu.memref_slice %arg13[%run_scoped3A_16, %dma_start3A_215, %dma_start3A_216] : memref<2x128x64xf32, #tpu.memory_space<vmem>> -> memref<1x128x64xf32, #tpu.memory_space<vmem>>
      %dma_start3A_218 = tpu.memref_squeeze %dma_start3A_217 : memref<1x128x64xf32, #tpu.memory_space<vmem>> -> memref<128x64xf32, #tpu.memory_space<vmem>>
      tpu.enqueue_dma source(%dma_start3A_218 : memref<128x64xf32, #tpu.memory_space<vmem>>) target(%dma_start3A_214 : memref<128x64xf32, #tpu.memory_space<vmem_shared>>) target_semaphore(%run_scoped3A_206 : memref<!tpu.dma_semaphore, #tpu.memory_space<semaphore_mem>>)
      %dma_wait3A_219 = arith.constant 0 : i32
      %dma_wait3A_220 = arith.constant 0 : i32
      %dma_wait3A_221 = tpu.memref_slice %arg13[%run_scoped3A_16, %dma_wait3A_219, %dma_wait3A_220] : memref<2x128x64xf32, #tpu.memory_space<vmem>> -> memref<1x128x64xf32, #tpu.memory_space<vmem>>
      %dma_wait3A_222 = tpu.memref_squeeze %dma_wait3A_221 : memref<1x128x64xf32, #tpu.memory_space<vmem>> -> memref<128x64xf32, #tpu.memory_space<vmem>>
      %dma_wait3A_223 = arith.constant 0 : i32
      %dma_wait3A_224 = tpu.memref_slice %arg15[%add3A_15, %dma_wait3A_223] : memref<10240x64xf32, #tpu.memory_space<vmem_shared>> -> memref<128x64xf32, #tpu.memory_space<vmem_shared>>
      %dma_wait3A_225 = arith.constant 0 : i32
      %dma_wait3A_226 = tpu.memref_slice %arg15[%add3A_15, %dma_wait3A_225] : memref<10240x64xf32, #tpu.memory_space<vmem_shared>> -> memref<128x64xf32, #tpu.memory_space<vmem_shared>>
      %dma_wait3A_227 = arith.constant 0 : i32
      %dma_wait3A_228 = arith.constant 0 : i32
      %dma_wait3A_229 = tpu.memref_slice %arg13[%run_scoped3A_16, %dma_wait3A_227, %dma_wait3A_228] : memref<2x128x64xf32, #tpu.memory_space<vmem>> -> memref<1x128x64xf32, #tpu.memory_space<vmem>>
      %dma_wait3A_230 = tpu.memref_squeeze %dma_wait3A_229 : memref<1x128x64xf32, #tpu.memory_space<vmem>> -> memref<128x64xf32, #tpu.memory_space<vmem>>
      tpu.wait_dma2 semaphore(%run_scoped3A_206 : memref<!tpu.dma_semaphore, #tpu.memory_space<semaphore_mem>>) src(%dma_wait3A_230 : memref<128x64xf32, #tpu.memory_space<vmem>>) dst(%dma_wait3A_226 : memref<128x64xf32, #tpu.memory_space<vmem_shared>>)
      tpu.yield
    }) : () -> ()
    %add3A_17 = arith.constant 512 : i32
    %add3A_18 = arith.addi %mul3A_6, %add3A_17 : i32
    %run_scoped3A_19 = arith.constant 0 : i32
    "tpu.region"() ({
      %run_scoped3A_206 = tpu.sem_alloc : memref<!tpu.dma_semaphore, #tpu.memory_space<semaphore_mem>>
      %dma_start3A_207 = arith.constant 0 : i32
      %dma_start3A_208 = arith.constant 0 : i32
      %dma_start3A_209 = tpu.memref_slice %arg13[%run_scoped3A_19, %dma_start3A_207, %dma_start3A_208] : memref<2x128x64xf32, #tpu.memory_space<vmem>> -> memref<1x128x64xf32, #tpu.memory_space<vmem>>
      %dma_start3A_210 = tpu.memref_squeeze %dma_start3A_209 : memref<1x128x64xf32, #tpu.memory_space<vmem>> -> memref<128x64xf32, #tpu.memory_space<vmem>>
      %dma_start3A_211 = arith.constant 0 : i32
      %dma_start3A_212 = tpu.memref_slice %arg15[%add3A_18, %dma_start3A_211] : memref<10240x64xf32, #tpu.memory_space<vmem_shared>> -> memref<128x64xf32, #tpu.memory_space<vmem_shared>>
      %dma_start3A_213 = arith.constant 0 : i32
      %dma_start3A_214 = tpu.memref_slice %arg15[%add3A_18, %dma_start3A_213] : memref<10240x64xf32, #tpu.memory_space<vmem_shared>> -> memref<128x64xf32, #tpu.memory_space<vmem_shared>>
      %dma_start3A_215 = arith.constant 0 : i32
      %dma_start3A_216 = arith.constant 0 : i32
      %dma_start3A_217 = tpu.memref_slice %arg13[%run_scoped3A_19, %dma_start3A_215, %dma_start3A_216] : memref<2x128x64xf32, #tpu.memory_space<vmem>> -> memref<1x128x64xf32, #tpu.memory_space<vmem>>
      %dma_start3A_218 = tpu.memref_squeeze %dma_start3A_217 : memref<1x128x64xf32, #tpu.memory_space<vmem>> -> memref<128x64xf32, #tpu.memory_space<vmem>>
      tpu.enqueue_dma source(%dma_start3A_218 : memref<128x64xf32, #tpu.memory_space<vmem>>) target(%dma_start3A_214 : memref<128x64xf32, #tpu.memory_space<vmem_shared>>) target_semaphore(%run_scoped3A_206 : memref<!tpu.dma_semaphore, #tpu.memory_space<semaphore_mem>>)
      %dma_wait3A_219 = arith.constant 0 : i32
      %dma_wait3A_220 = arith.constant 0 : i32
      %dma_wait3A_221 = tpu.memref_slice %arg13[%run_scoped3A_19, %dma_wait3A_219, %dma_wait3A_220] : memref<2x128x64xf32, #tpu.memory_space<vmem>> -> memref<1x128x64xf32, #tpu.memory_space<vmem>>
      %dma_wait3A_222 = tpu.memref_squeeze %dma_wait3A_221 : memref<1x128x64xf32, #tpu.memory_space<vmem>> -> memref<128x64xf32, #tpu.memory_space<vmem>>
      %dma_wait3A_223 = arith.constant 0 : i32
      %dma_wait3A_224 = tpu.memref_slice %arg15[%add3A_18, %dma_wait3A_223] : memref<10240x64xf32, #tpu.memory_space<vmem_shared>> -> memref<128x64xf32, #tpu.memory_space<vmem_shared>>
      %dma_wait3A_225 = arith.constant 0 : i32
      %dma_wait3A_226 = tpu.memref_slice %arg15[%add3A_18, %dma_wait3A_225] : memref<10240x64xf32, #tpu.memory_space<vmem_shared>> -> memref<128x64xf32, #tpu.memory_space<vmem_shared>>
      %dma_wait3A_227 = arith.constant 0 : i32
      %dma_wait3A_228 = arith.constant 0 : i32
      %dma_wait3A_229 = tpu.memref_slice %arg13[%run_scoped3A_19, %dma_wait3A_227, %dma_wait3A_228] : memref<2x128x64xf32, #tpu.memory_space<vmem>> -> memref<1x128x64xf32, #tpu.memory_space<vmem>>
      %dma_wait3A_230 = tpu.memref_squeeze %dma_wait3A_229 : memref<1x128x64xf32, #tpu.memory_space<vmem>> -> memref<128x64xf32, #tpu.memory_space<vmem>>
      tpu.wait_dma2 semaphore(%run_scoped3A_206 : memref<!tpu.dma_semaphore, #tpu.memory_space<semaphore_mem>>) src(%dma_wait3A_230 : memref<128x64xf32, #tpu.memory_space<vmem>>) dst(%dma_wait3A_226 : memref<128x64xf32, #tpu.memory_space<vmem_shared>>)
      tpu.yield
    }) : () -> ()
    %barrier3A = arith.constant 0 : index
    tpu.barrier barrier_id(%barrier3A)
    %broadcast_in_dim3A_20 = arith.constant 1.000000e+00 : f32
    %broadcast_in_dim3A_21 = vector.broadcast %broadcast_in_dim3A_20 : f32 to vector<16xf32>
    %dma_start3A = arith.constant 0 : i32
    %dma_start3A_22 = arith.constant 0 : i32
    %dma_start3A_23 = arith.constant 0 : i32
    %dma_start3A_24 = arith.constant 0 : i32
    %dma_start3A_25 = tpu.memref_slice %arg13[%dma_start3A_22, %dma_start3A_23, %dma_start3A_24] : memref<2x128x64xf32, #tpu.memory_space<vmem>> -> memref<1x128x64xf32, #tpu.memory_space<vmem>>
    %dma_start3A_26 = tpu.memref_squeeze %dma_start3A_25 : memref<1x128x64xf32, #tpu.memory_space<vmem>> -> memref<128x64xf32, #tpu.memory_space<vmem>>
    %dma_start3A_27 = arith.constant 0 : i32
    %dma_start3A_28 = tpu.memref_slice %arg11[%dma_start3A, %dma_start3A_27] : memref<157x128xi32, #tpu.memory_space<vmem>> -> memref<1x128xi32, #tpu.memory_space<vmem>>
    %dma_start3A_29 = tpu.memref_squeeze %dma_start3A_28 : memref<1x128xi32, #tpu.memory_space<vmem>> -> memref<128xi32, #tpu.memory_space<vmem>>
    %dma_start3A_30 = arith.constant 0 : i32
    %dma_start3A_31 = arith.constant 0 : i32
    %dma_start3A_32 = tpu.memref_slice %arg2[%arg0, %dma_start3A_30, %dma_start3A_31] : memref<2x81920x64xf32, #tpu.memory_space<hbm>> -> memref<1x81920x64xf32, #tpu.memory_space<hbm>>
    %dma_start3A_33 = tpu.memref_squeeze %dma_start3A_32 : memref<1x81920x64xf32, #tpu.memory_space<hbm>> -> memref<81920x64xf32, #tpu.memory_space<hbm>>
    %dma_start3A_34 = arith.constant 0 : i32
    %dma_start3A_35 = arith.constant 0 : i32
    %dma_start3A_36 = tpu.memref_slice %dma_start3A_33[%dma_start3A_34, %dma_start3A_35] : memref<81920x64xf32, #tpu.memory_space<hbm>> -> memref<81920x64xf32, #tpu.memory_space<hbm>>
    tpu.enqueue_indirect_dma source(%dma_start3A_36 : memref<81920x64xf32, #tpu.memory_space<hbm>>) target(%dma_start3A_26 : memref<128x64xf32, #tpu.memory_space<vmem>>) offsets(%dma_start3A_29 : memref<128xi32, #tpu.memory_space<vmem>>) semaphore(%arg16 : memref<!tpu.dma_semaphore, #tpu.memory_space<semaphore_mem>>)
    %scan3A_37 = arith.constant 0 : i32
    %scan3A_38 = arith.constant 0 : i32
    %scan3A_39 = arith.constant 157 : i32
    %scan3A_40 = arith.addi %scan3A_38, %scan3A_39 : i32
    %scan3A_41 = arith.constant 1 : i32
    scf.for %scan3A_206 = %scan3A_38 to %scan3A_40 step %scan3A_41  : i32 {
      %rem3A = arith.constant 2 : i32
      %rem3A_207 = arith.remsi %scan3A_206, %rem3A : i32
      %sub3A = arith.constant 1 : i32
      %sub3A_208 = arith.subi %sub3A, %rem3A_207 : i32
      %dma_wait3A_209 = arith.constant 0 : i32
      %dma_wait3A_210 = arith.constant 0 : i32
      %dma_wait3A_211 = tpu.memref_slice %arg13[%rem3A_207, %dma_wait3A_209, %dma_wait3A_210] : memref<2x128x64xf32, #tpu.memory_space<vmem>> -> memref<1x128x64xf32, #tpu.memory_space<vmem>>
      %dma_wait3A_212 = tpu.memref_squeeze %dma_wait3A_211 : memref<1x128x64xf32, #tpu.memory_space<vmem>> -> memref<128x64xf32, #tpu.memory_space<vmem>>
      %dma_wait3A_213 = arith.constant 0 : i32
      %dma_wait3A_214 = tpu.memref_slice %arg11[%scan3A_206, %dma_wait3A_213] : memref<157x128xi32, #tpu.memory_space<vmem>> -> memref<1x128xi32, #tpu.memory_space<vmem>>
      %dma_wait3A_215 = tpu.memref_squeeze %dma_wait3A_214 : memref<1x128xi32, #tpu.memory_space<vmem>> -> memref<128xi32, #tpu.memory_space<vmem>>
      %dma_wait3A_216 = arith.constant 0 : i32
      %dma_wait3A_217 = arith.constant 0 : i32
      %dma_wait3A_218 = tpu.memref_slice %arg2[%arg0, %dma_wait3A_216, %dma_wait3A_217] : memref<2x81920x64xf32, #tpu.memory_space<hbm>> -> memref<1x81920x64xf32, #tpu.memory_space<hbm>>
      %dma_wait3A_219 = tpu.memref_squeeze %dma_wait3A_218 : memref<1x81920x64xf32, #tpu.memory_space<hbm>> -> memref<81920x64xf32, #tpu.memory_space<hbm>>
      %dma_wait3A_220 = arith.constant 0 : i32
      %dma_wait3A_221 = arith.constant 0 : i32
      %dma_wait3A_222 = tpu.memref_slice %dma_wait3A_219[%dma_wait3A_220, %dma_wait3A_221] : memref<81920x64xf32, #tpu.memory_space<hbm>> -> memref<81920x64xf32, #tpu.memory_space<hbm>>
      tpu.wait_indirect_dma semaphore(%arg16 : memref<!tpu.dma_semaphore, #tpu.memory_space<semaphore_mem>>) src(%dma_wait3A_222 : memref<81920x64xf32, #tpu.memory_space<hbm>>) dst(%dma_wait3A_212 : memref<128x64xf32, #tpu.memory_space<vmem>>)
      %lt3A = arith.constant 156 : i32
      %lt3A_223 = arith.cmpi slt, %scan3A_206, %lt3A : i32
      %convert_element_type3A_224 = arith.extui %lt3A_223 : i1 to i32
      %cond3A_225 = arith.constant 0 : i32
      %cond3A_226 = arith.cmpi ne, %convert_element_type3A_224, %cond3A_225 : i32
      scf.if %cond3A_226 {
        %add3A_227 = arith.constant 1 : i32
        %add3A_228 = arith.addi %scan3A_206, %add3A_227 : i32
        %dma_start3A_229 = arith.constant 0 : i32
        %dma_start3A_230 = arith.constant 0 : i32
        %dma_start3A_231 = tpu.memref_slice %arg13[%sub3A_208, %dma_start3A_229, %dma_start3A_230] : memref<2x128x64xf32, #tpu.memory_space<vmem>> -> memref<1x128x64xf32, #tpu.memory_space<vmem>>
        %dma_start3A_232 = tpu.memref_squeeze %dma_start3A_231 : memref<1x128x64xf32, #tpu.memory_space<vmem>> -> memref<128x64xf32, #tpu.memory_space<vmem>>
        %dma_start3A_233 = arith.constant 0 : i32
        %dma_start3A_234 = tpu.memref_slice %arg11[%add3A_228, %dma_start3A_233] : memref<157x128xi32, #tpu.memory_space<vmem>> -> memref<1x128xi32, #tpu.memory_space<vmem>>
        %dma_start3A_235 = tpu.memref_squeeze %dma_start3A_234 : memref<1x128xi32, #tpu.memory_space<vmem>> -> memref<128xi32, #tpu.memory_space<vmem>>
        %dma_start3A_236 = arith.constant 0 : i32
        %dma_start3A_237 = arith.constant 0 : i32
        %dma_start3A_238 = tpu.memref_slice %arg2[%arg0, %dma_start3A_236, %dma_start3A_237] : memref<2x81920x64xf32, #tpu.memory_space<hbm>> -> memref<1x81920x64xf32, #tpu.memory_space<hbm>>
        %dma_start3A_239 = tpu.memref_squeeze %dma_start3A_238 : memref<1x81920x64xf32, #tpu.memory_space<hbm>> -> memref<81920x64xf32, #tpu.memory_space<hbm>>
        %dma_start3A_240 = arith.constant 0 : i32
        %dma_start3A_241 = arith.constant 0 : i32
        %dma_start3A_242 = tpu.memref_slice %dma_start3A_239[%dma_start3A_240, %dma_start3A_241] : memref<81920x64xf32, #tpu.memory_space<hbm>> -> memref<81920x64xf32, #tpu.memory_space<hbm>>
        tpu.enqueue_indirect_dma source(%dma_start3A_242 : memref<81920x64xf32, #tpu.memory_space<hbm>>) target(%dma_start3A_232 : memref<128x64xf32, #tpu.memory_space<vmem>>) offsets(%dma_start3A_235 : memref<128xi32, #tpu.memory_space<vmem>>) semaphore(%arg16 : memref<!tpu.dma_semaphore, #tpu.memory_space<semaphore_mem>>)
      } else {
      }
      "tpu.region"() ({
        %run_scoped3A_227 = tpu.sem_alloc : memref<!tpu.dma_semaphore, #tpu.memory_space<semaphore_mem>>
        %dma_start3A_228 = arith.constant 0 : i32
        %dma_start3A_229 = arith.constant 0 : i32
        %dma_start3A_230 = tpu.memref_slice %arg13[%rem3A_207, %dma_start3A_228, %dma_start3A_229] : memref<2x128x64xf32, #tpu.memory_space<vmem>> -> memref<1x128x64xf32, #tpu.memory_space<vmem>>
        %dma_start3A_231 = tpu.memref_squeeze %dma_start3A_230 : memref<1x128x64xf32, #tpu.memory_space<vmem>> -> memref<128x64xf32, #tpu.memory_space<vmem>>
        %dma_start3A_232 = arith.constant 0 : i32
        %dma_start3A_233 = tpu.memref_slice %arg12[%scan3A_206, %dma_start3A_232] : memref<157x128xi32, #tpu.memory_space<vmem>> -> memref<1x128xi32, #tpu.memory_space<vmem>>
        %dma_start3A_234 = tpu.memref_squeeze %dma_start3A_233 : memref<1x128xi32, #tpu.memory_space<vmem>> -> memref<128xi32, #tpu.memory_space<vmem>>
        %dma_start3A_235 = arith.constant 0 : i32
        %dma_start3A_236 = arith.constant 0 : i32
        %dma_start3A_237 = tpu.memref_slice %arg15[%dma_start3A_235, %dma_start3A_236] : memref<10240x64xf32, #tpu.memory_space<vmem_shared>> -> memref<10240x64xf32, #tpu.memory_space<vmem_shared>>
        tpu.enqueue_indirect_dma source(%dma_start3A_231 : memref<128x64xf32, #tpu.memory_space<vmem>>) target(%dma_start3A_237 : memref<10240x64xf32, #tpu.memory_space<vmem_shared>>) offsets(%dma_start3A_234 : memref<128xi32, #tpu.memory_space<vmem>>) semaphore(%run_scoped3A_227 : memref<!tpu.dma_semaphore, #tpu.memory_space<semaphore_mem>>) {add = true}
        %dma_wait3A_238 = arith.constant 0 : i32
        %dma_wait3A_239 = arith.constant 0 : i32
        %dma_wait3A_240 = tpu.memref_slice %arg13[%rem3A_207, %dma_wait3A_238, %dma_wait3A_239] : memref<2x128x64xf32, #tpu.memory_space<vmem>> -> memref<1x128x64xf32, #tpu.memory_space<vmem>>
        %dma_wait3A_241 = tpu.memref_squeeze %dma_wait3A_240 : memref<1x128x64xf32, #tpu.memory_space<vmem>> -> memref<128x64xf32, #tpu.memory_space<vmem>>
        %dma_wait3A_242 = arith.constant 0 : i32
        %dma_wait3A_243 = tpu.memref_slice %arg12[%scan3A_206, %dma_wait3A_242] : memref<157x128xi32, #tpu.memory_space<vmem>> -> memref<1x128xi32, #tpu.memory_space<vmem>>
        %dma_wait3A_244 = tpu.memref_squeeze %dma_wait3A_243 : memref<1x128xi32, #tpu.memory_space<vmem>> -> memref<128xi32, #tpu.memory_space<vmem>>
        %dma_wait3A_245 = arith.constant 0 : i32
        %dma_wait3A_246 = arith.constant 0 : i32
        %dma_wait3A_247 = tpu.memref_slice %arg15[%dma_wait3A_245, %dma_wait3A_246] : memref<10240x64xf32, #tpu.memory_space<vmem_shared>> -> memref<10240x64xf32, #tpu.memory_space<vmem_shared>>
        tpu.wait_indirect_dma semaphore(%run_scoped3A_227 : memref<!tpu.dma_semaphore, #tpu.memory_space<semaphore_mem>>) src(%dma_wait3A_241 : memref<128x64xf32, #tpu.memory_space<vmem>>) dst(%dma_wait3A_247 : memref<10240x64xf32, #tpu.memory_space<vmem_shared>>)
        tpu.yield
      }) : () -> ()
    }
    %scan3A_42 = arith.constant 157 : i32
    %barrier3A_43 = arith.constant 0 : index
    tpu.barrier barrier_id(%barrier3A_43)
    "tpu.region"() ({
      %run_scoped3A_206 = tpu.sem_alloc : memref<!tpu.dma_semaphore, #tpu.memory_space<semaphore_mem>>
      %dma_start3A_207 = arith.constant 0 : i32
      %dma_start3A_208 = arith.constant 0 : i32
      %dma_start3A_209 = tpu.memref_slice %arg7[%arg1, %dma_start3A_207, %dma_start3A_208] : memref<16x4x128xi32, #tpu.memory_space<hbm>> -> memref<1x4x128xi32, #tpu.memory_space<hbm>>
      %dma_start3A_210 = tpu.memref_squeeze %dma_start3A_209 : memref<1x4x128xi32, #tpu.memory_space<hbm>> -> memref<4x128xi32, #tpu.memory_space<hbm>>
      %dma_start3A_211 = arith.constant 0 : i32
      %dma_start3A_212 = arith.constant 0 : i32
      %dma_start3A_213 = tpu.memref_slice %arg7[%arg1, %dma_start3A_211, %dma_start3A_212] : memref<16x4x128xi32, #tpu.memory_space<hbm>> -> memref<1x4x128xi32, #tpu.memory_space<hbm>>
      %dma_start3A_214 = tpu.memref_squeeze %dma_start3A_213 : memref<1x4x128xi32, #tpu.memory_space<hbm>> -> memref<4x128xi32, #tpu.memory_space<hbm>>
      tpu.enqueue_dma source(%dma_start3A_214 : memref<4x128xi32, #tpu.memory_space<hbm>>) target(%arg17 : memref<4x128xi32, #tpu.memory_space<vmem>>) target_semaphore(%run_scoped3A_206 : memref<!tpu.dma_semaphore, #tpu.memory_space<semaphore_mem>>)
      %dma_wait3A_215 = arith.constant 0 : i32
      %dma_wait3A_216 = arith.constant 0 : i32
      %dma_wait3A_217 = tpu.memref_slice %arg7[%arg1, %dma_wait3A_215, %dma_wait3A_216] : memref<16x4x128xi32, #tpu.memory_space<hbm>> -> memref<1x4x128xi32, #tpu.memory_space<hbm>>
      %dma_wait3A_218 = tpu.memref_squeeze %dma_wait3A_217 : memref<1x4x128xi32, #tpu.memory_space<hbm>> -> memref<4x128xi32, #tpu.memory_space<hbm>>
      %dma_wait3A_219 = arith.constant 0 : i32
      %dma_wait3A_220 = arith.constant 0 : i32
      %dma_wait3A_221 = tpu.memref_slice %arg7[%arg1, %dma_wait3A_219, %dma_wait3A_220] : memref<16x4x128xi32, #tpu.memory_space<hbm>> -> memref<1x4x128xi32, #tpu.memory_space<hbm>>
      %dma_wait3A_222 = tpu.memref_squeeze %dma_wait3A_221 : memref<1x4x128xi32, #tpu.memory_space<hbm>> -> memref<4x128xi32, #tpu.memory_space<hbm>>
      tpu.wait_dma2 semaphore(%run_scoped3A_206 : memref<!tpu.dma_semaphore, #tpu.memory_space<semaphore_mem>>) src(%dma_wait3A_222 : memref<4x128xi32, #tpu.memory_space<hbm>>) dst(%arg17 : memref<4x128xi32, #tpu.memory_space<vmem>>)
      tpu.yield
    }) : () -> ()
    %eq3A = arith.constant 1 : i32
    %eq3A_44 = arith.cmpi eq, %arg0, %eq3A : i32
    %convert_element_type3A = arith.extui %eq3A_44 : i1 to i32
    %cond3A = arith.constant 0 : i32
    %cond3A_45 = arith.cmpi ne, %convert_element_type3A, %cond3A : i32
    scf.if %cond3A_45 {
      "tpu.region"() ({
        %run_scoped3A_206 = tpu.sem_alloc : memref<!tpu.dma_semaphore, #tpu.memory_space<semaphore_mem>>
        tpu.enqueue_dma source(%arg6 : memref<10240xf32, #tpu.memory_space<hbm>>) target(%arg14 : memref<10240xf32, #tpu.memory_space<vmem>>) target_semaphore(%run_scoped3A_206 : memref<!tpu.dma_semaphore, #tpu.memory_space<semaphore_mem>>)
        tpu.wait_dma2 semaphore(%run_scoped3A_206 : memref<!tpu.dma_semaphore, #tpu.memory_space<semaphore_mem>>) src(%arg6 : memref<10240xf32, #tpu.memory_space<hbm>>) dst(%arg14 : memref<10240xf32, #tpu.memory_space<vmem>>)
        tpu.yield
      }) : () -> ()
    } else {
    }
    %mul3A_46 = arith.constant 512 : i32
    %mul3A_47 = arith.muli %arg1, %mul3A_46 : i32
    %add3A_48 = arith.constant 0 : i32
    %add3A_49 = arith.addi %mul3A_47, %add3A_48 : i32
    %dma_start3A_50 = arith.constant 0 : i32
    %dma_start3A_51 = arith.constant 0 : i32
    %dma_start3A_52 = arith.constant 0 : i32
    %dma_start3A_53 = arith.constant 0 : i32
    %dma_start3A_54 = tpu.memref_slice %arg13[%dma_start3A_51, %dma_start3A_52, %dma_start3A_53] : memref<2x128x64xf32, #tpu.memory_space<vmem>> -> memref<1x128x64xf32, #tpu.memory_space<vmem>>
    %dma_start3A_55 = tpu.memref_squeeze %dma_start3A_54 : memref<1x128x64xf32, #tpu.memory_space<vmem>> -> memref<128x64xf32, #tpu.memory_space<vmem>>
    %dma_start3A_56 = arith.constant 0 : i32
    %dma_start3A_57 = tpu.memref_slice %arg17[%dma_start3A_50, %dma_start3A_56] : memref<4x128xi32, #tpu.memory_space<vmem>> -> memref<1x128xi32, #tpu.memory_space<vmem>>
    %dma_start3A_58 = tpu.memref_squeeze %dma_start3A_57 : memref<1x128xi32, #tpu.memory_space<vmem>> -> memref<128xi32, #tpu.memory_space<vmem>>
    %dma_start3A_59 = arith.constant 0 : i32
    %dma_start3A_60 = arith.constant 0 : i32
    %dma_start3A_61 = tpu.memref_slice %arg15[%dma_start3A_59, %dma_start3A_60] : memref<10240x64xf32, #tpu.memory_space<vmem_shared>> -> memref<10240x64xf32, #tpu.memory_space<vmem_shared>>
    tpu.enqueue_indirect_dma source(%dma_start3A_61 : memref<10240x64xf32, #tpu.memory_space<vmem_shared>>) target(%dma_start3A_55 : memref<128x64xf32, #tpu.memory_space<vmem>>) offsets(%dma_start3A_58 : memref<128xi32, #tpu.memory_space<vmem>>) semaphore(%arg16 : memref<!tpu.dma_semaphore, #tpu.memory_space<semaphore_mem>>)
    %dma_wait3A = arith.constant 0 : i32
    %dma_wait3A_62 = arith.constant 0 : i32
    %dma_wait3A_63 = arith.constant 0 : i32
    %dma_wait3A_64 = arith.constant 0 : i32
    %dma_wait3A_65 = tpu.memref_slice %arg13[%dma_wait3A_62, %dma_wait3A_63, %dma_wait3A_64] : memref<2x128x64xf32, #tpu.memory_space<vmem>> -> memref<1x128x64xf32, #tpu.memory_space<vmem>>
    %dma_wait3A_66 = tpu.memref_squeeze %dma_wait3A_65 : memref<1x128x64xf32, #tpu.memory_space<vmem>> -> memref<128x64xf32, #tpu.memory_space<vmem>>
    %dma_wait3A_67 = arith.constant 0 : i32
    %dma_wait3A_68 = tpu.memref_slice %arg17[%dma_wait3A, %dma_wait3A_67] : memref<4x128xi32, #tpu.memory_space<vmem>> -> memref<1x128xi32, #tpu.memory_space<vmem>>
    %dma_wait3A_69 = tpu.memref_squeeze %dma_wait3A_68 : memref<1x128xi32, #tpu.memory_space<vmem>> -> memref<128xi32, #tpu.memory_space<vmem>>
    %dma_wait3A_70 = arith.constant 0 : i32
    %dma_wait3A_71 = arith.constant 0 : i32
    %dma_wait3A_72 = tpu.memref_slice %arg15[%dma_wait3A_70, %dma_wait3A_71] : memref<10240x64xf32, #tpu.memory_space<vmem_shared>> -> memref<10240x64xf32, #tpu.memory_space<vmem_shared>>
    tpu.wait_indirect_dma semaphore(%arg16 : memref<!tpu.dma_semaphore, #tpu.memory_space<semaphore_mem>>) src(%dma_wait3A_72 : memref<10240x64xf32, #tpu.memory_space<vmem_shared>>) dst(%dma_wait3A_66 : memref<128x64xf32, #tpu.memory_space<vmem>>)
    %run_scoped3A_73 = arith.constant 0 : i32
    "tpu.region"() ({
      %run_scoped3A_206 = tpu.sem_alloc : memref<!tpu.dma_semaphore, #tpu.memory_space<semaphore_mem>>
      %dma_start3A_207 = arith.constant 0 : i32
      %dma_start3A_208 = arith.constant 0 : i32
      %dma_start3A_209 = tpu.memref_slice %arg13[%run_scoped3A_73, %dma_start3A_207, %dma_start3A_208] : memref<2x128x64xf32, #tpu.memory_space<vmem>> -> memref<1x128x64xf32, #tpu.memory_space<vmem>>
      %dma_start3A_210 = tpu.memref_squeeze %dma_start3A_209 : memref<1x128x64xf32, #tpu.memory_space<vmem>> -> memref<128x64xf32, #tpu.memory_space<vmem>>
      %dma_start3A_211 = arith.constant 0 : i32
      %dma_start3A_212 = tpu.memref_slice %arg8[%arg0, %add3A_49, %dma_start3A_211] : memref<2x8192x64xf32, #tpu.memory_space<hbm>> -> memref<1x128x64xf32, #tpu.memory_space<hbm>>
      %dma_start3A_213 = tpu.memref_squeeze %dma_start3A_212 : memref<1x128x64xf32, #tpu.memory_space<hbm>> -> memref<128x64xf32, #tpu.memory_space<hbm>>
      %dma_start3A_214 = arith.constant 0 : i32
      %dma_start3A_215 = tpu.memref_slice %arg8[%arg0, %add3A_49, %dma_start3A_214] : memref<2x8192x64xf32, #tpu.memory_space<hbm>> -> memref<1x128x64xf32, #tpu.memory_space<hbm>>
      %dma_start3A_216 = tpu.memref_squeeze %dma_start3A_215 : memref<1x128x64xf32, #tpu.memory_space<hbm>> -> memref<128x64xf32, #tpu.memory_space<hbm>>
      %dma_start3A_217 = arith.constant 0 : i32
      %dma_start3A_218 = arith.constant 0 : i32
      %dma_start3A_219 = tpu.memref_slice %arg13[%run_scoped3A_73, %dma_start3A_217, %dma_start3A_218] : memref<2x128x64xf32, #tpu.memory_space<vmem>> -> memref<1x128x64xf32, #tpu.memory_space<vmem>>
      %dma_start3A_220 = tpu.memref_squeeze %dma_start3A_219 : memref<1x128x64xf32, #tpu.memory_space<vmem>> -> memref<128x64xf32, #tpu.memory_space<vmem>>
      tpu.enqueue_dma source(%dma_start3A_220 : memref<128x64xf32, #tpu.memory_space<vmem>>) target(%dma_start3A_216 : memref<128x64xf32, #tpu.memory_space<hbm>>) target_semaphore(%run_scoped3A_206 : memref<!tpu.dma_semaphore, #tpu.memory_space<semaphore_mem>>)
      %dma_wait3A_221 = arith.constant 0 : i32
      %dma_wait3A_222 = arith.constant 0 : i32
      %dma_wait3A_223 = tpu.memref_slice %arg13[%run_scoped3A_73, %dma_wait3A_221, %dma_wait3A_222] : memref<2x128x64xf32, #tpu.memory_space<vmem>> -> memref<1x128x64xf32, #tpu.memory_space<vmem>>
      %dma_wait3A_224 = tpu.memref_squeeze %dma_wait3A_223 : memref<1x128x64xf32, #tpu.memory_space<vmem>> -> memref<128x64xf32, #tpu.memory_space<vmem>>
      %dma_wait3A_225 = arith.constant 0 : i32
      %dma_wait3A_226 = tpu.memref_slice %arg8[%arg0, %add3A_49, %dma_wait3A_225] : memref<2x8192x64xf32, #tpu.memory_space<hbm>> -> memref<1x128x64xf32, #tpu.memory_space<hbm>>
      %dma_wait3A_227 = tpu.memref_squeeze %dma_wait3A_226 : memref<1x128x64xf32, #tpu.memory_space<hbm>> -> memref<128x64xf32, #tpu.memory_space<hbm>>
      %dma_wait3A_228 = arith.constant 0 : i32
      %dma_wait3A_229 = tpu.memref_slice %arg8[%arg0, %add3A_49, %dma_wait3A_228] : memref<2x8192x64xf32, #tpu.memory_space<hbm>> -> memref<1x128x64xf32, #tpu.memory_space<hbm>>
      %dma_wait3A_230 = tpu.memref_squeeze %dma_wait3A_229 : memref<1x128x64xf32, #tpu.memory_space<hbm>> -> memref<128x64xf32, #tpu.memory_space<hbm>>
      %dma_wait3A_231 = arith.constant 0 : i32
      %dma_wait3A_232 = arith.constant 0 : i32
      %dma_wait3A_233 = tpu.memref_slice %arg13[%run_scoped3A_73, %dma_wait3A_231, %dma_wait3A_232] : memref<2x128x64xf32, #tpu.memory_space<vmem>> -> memref<1x128x64xf32, #tpu.memory_space<vmem>>
      %dma_wait3A_234 = tpu.memref_squeeze %dma_wait3A_233 : memref<1x128x64xf32, #tpu.memory_space<vmem>> -> memref<128x64xf32, #tpu.memory_space<vmem>>
      tpu.wait_dma2 semaphore(%run_scoped3A_206 : memref<!tpu.dma_semaphore, #tpu.memory_space<semaphore_mem>>) src(%dma_wait3A_234 : memref<128x64xf32, #tpu.memory_space<vmem>>) dst(%dma_wait3A_230 : memref<128x64xf32, #tpu.memory_space<hbm>>)
      tpu.yield
    }) : () -> ()
    %eq3A_74 = arith.constant 0 : i32
    %eq3A_75 = arith.cmpi eq, %arg0, %eq3A_74 : i32
    %convert_element_type3A_76 = arith.extui %eq3A_75 : i1 to i32
    %cond3A_77 = arith.constant 0 : i32
    %cond3A_78 = arith.cmpi ne, %convert_element_type3A_76, %cond3A_77 : i32
    scf.if %cond3A_78 {
      %dma_start3A_206 = arith.constant 0 : i32
      %dma_start3A_207 = arith.constant 0 : i32
      %dma_start3A_208 = tpu.memref_slice %arg17[%dma_start3A_206, %dma_start3A_207] : memref<4x128xi32, #tpu.memory_space<vmem>> -> memref<1x128xi32, #tpu.memory_space<vmem>>
      %dma_start3A_209 = tpu.memref_squeeze %dma_start3A_208 : memref<1x128xi32, #tpu.memory_space<vmem>> -> memref<128xi32, #tpu.memory_space<vmem>>
      %dma_start3A_210 = arith.constant 0 : i32
      %dma_start3A_211 = arith.constant 0 : i32
      %dma_start3A_212 = tpu.memref_slice %arg5[%dma_start3A_210, %dma_start3A_211] : memref<10000x128xf32, #tpu.memory_space<hbm>> -> memref<10000x128xf32, #tpu.memory_space<hbm>>
      tpu.enqueue_indirect_dma source(%dma_start3A_212 : memref<10000x128xf32, #tpu.memory_space<hbm>>) target(%arg18 : memref<128x128xf32, #tpu.memory_space<vmem>>) offsets(%dma_start3A_209 : memref<128xi32, #tpu.memory_space<vmem>>) semaphore(%arg16 : memref<!tpu.dma_semaphore, #tpu.memory_space<semaphore_mem>>)
      %dma_wait3A_213 = arith.constant 0 : i32
      %dma_wait3A_214 = arith.constant 0 : i32
      %dma_wait3A_215 = tpu.memref_slice %arg17[%dma_wait3A_213, %dma_wait3A_214] : memref<4x128xi32, #tpu.memory_space<vmem>> -> memref<1x128xi32, #tpu.memory_space<vmem>>
      %dma_wait3A_216 = tpu.memref_squeeze %dma_wait3A_215 : memref<1x128xi32, #tpu.memory_space<vmem>> -> memref<128xi32, #tpu.memory_space<vmem>>
      %dma_wait3A_217 = arith.constant 0 : i32
      %dma_wait3A_218 = arith.constant 0 : i32
      %dma_wait3A_219 = tpu.memref_slice %arg5[%dma_wait3A_217, %dma_wait3A_218] : memref<10000x128xf32, #tpu.memory_space<hbm>> -> memref<10000x128xf32, #tpu.memory_space<hbm>>
      tpu.wait_indirect_dma semaphore(%arg16 : memref<!tpu.dma_semaphore, #tpu.memory_space<semaphore_mem>>) src(%dma_wait3A_219 : memref<10000x128xf32, #tpu.memory_space<hbm>>) dst(%arg18 : memref<128x128xf32, #tpu.memory_space<vmem>>)
      "tpu.region"() ({
        %run_scoped3A_220 = tpu.sem_alloc : memref<!tpu.dma_semaphore, #tpu.memory_space<semaphore_mem>>
        %dma_start3A_221 = arith.constant 0 : i32
        %dma_start3A_222 = tpu.memref_slice %arg9[%add3A_49, %dma_start3A_221] : memref<8192x128xf32, #tpu.memory_space<hbm>> -> memref<128x128xf32, #tpu.memory_space<hbm>>
        %dma_start3A_223 = arith.constant 0 : i32
        %dma_start3A_224 = tpu.memref_slice %arg9[%add3A_49, %dma_start3A_223] : memref<8192x128xf32, #tpu.memory_space<hbm>> -> memref<128x128xf32, #tpu.memory_space<hbm>>
        tpu.enqueue_dma source(%arg18 : memref<128x128xf32, #tpu.memory_space<vmem>>) target(%dma_start3A_224 : memref<128x128xf32, #tpu.memory_space<hbm>>) target_semaphore(%run_scoped3A_220 : memref<!tpu.dma_semaphore, #tpu.memory_space<semaphore_mem>>)
        %dma_wait3A_225 = arith.constant 0 : i32
        %dma_wait3A_226 = tpu.memref_slice %arg9[%add3A_49, %dma_wait3A_225] : memref<8192x128xf32, #tpu.memory_space<hbm>> -> memref<128x128xf32, #tpu.memory_space<hbm>>
        %dma_wait3A_227 = arith.constant 0 : i32
        %dma_wait3A_228 = tpu.memref_slice %arg9[%add3A_49, %dma_wait3A_227] : memref<8192x128xf32, #tpu.memory_space<hbm>> -> memref<128x128xf32, #tpu.memory_space<hbm>>
        tpu.wait_dma2 semaphore(%run_scoped3A_220 : memref<!tpu.dma_semaphore, #tpu.memory_space<semaphore_mem>>) src(%arg18 : memref<128x128xf32, #tpu.memory_space<vmem>>) dst(%dma_wait3A_228 : memref<128x128xf32, #tpu.memory_space<hbm>>)
        tpu.yield
      }) : () -> ()
    } else {
    }
    %eq3A_79 = arith.constant 1 : i32
    %eq3A_80 = arith.cmpi eq, %arg0, %eq3A_79 : i32
    %convert_element_type3A_81 = arith.extui %eq3A_80 : i1 to i32
    %cond3A_82 = arith.constant 0 : i32
    %cond3A_83 = arith.cmpi ne, %convert_element_type3A_81, %cond3A_82 : i32
    scf.if %cond3A_83 {
      %get3A = arith.constant 0 : i32
      %get3A_206 = arith.index_cast %get3A : i32 to index
      %get3A_207 = arith.constant 0 : index
      %get3A_208 = tpu.vector_load %arg17[%get3A_206, %get3A_207] {strides = array<i32>} : memref<4x128xi32, #tpu.memory_space<vmem>>, vector<16xi32>,
      %gather3A = tpu.vector_load_idx %arg14[%get3A_208] : memref<10240xf32, #tpu.memory_space<vmem>>[vector<16xi32>], vector<16xf32>,
      %swap3A = arith.constant 0 : i32
      %swap3A_209 = arith.index_cast %swap3A : i32 to index
      %swap3A_210 = arith.constant 0 : index
      %swap3A_211 = tpu.vector_load %arg19[%swap3A_209, %swap3A_210] {strides = array<i32>} : memref<4x128xf32, #tpu.memory_space<vmem>>, vector<16xf32>,
      tpu.vector_store %arg19[%swap3A_209, %swap3A_210], %gather3A {strides = array<i32>} : memref<4x128xf32, #tpu.memory_space<vmem>>, vector<16xf32>,
      %get3A_212 = arith.constant 0 : i32
      %get3A_213 = arith.index_cast %get3A_212 : i32 to index
      %get3A_214 = arith.constant 16 : index
      %get3A_215 = tpu.vector_load %arg17[%get3A_213, %get3A_214] {strides = array<i32>} : memref<4x128xi32, #tpu.memory_space<vmem>>, vector<16xi32>,
      %gather3A_216 = tpu.vector_load_idx %arg14[%get3A_215] : memref<10240xf32, #tpu.memory_space<vmem>>[vector<16xi32>], vector<16xf32>,
      %swap3A_217 = arith.constant 0 : i32
      %swap3A_218 = arith.index_cast %swap3A_217 : i32 to index
      %swap3A_219 = arith.constant 16 : index
      %swap3A_220 = tpu.vector_load %arg19[%swap3A_218, %swap3A_219] {strides = array<i32>} : memref<4x128xf32, #tpu.memory_space<vmem>>, vector<16xf32>,
      tpu.vector_store %arg19[%swap3A_218, %swap3A_219], %gather3A_216 {strides = array<i32>} : memref<4x128xf32, #tpu.memory_space<vmem>>, vector<16xf32>,
      %get3A_221 = arith.constant 0 : i32
      %get3A_222 = arith.index_cast %get3A_221 : i32 to index
      %get3A_223 = arith.constant 32 : index
      %get3A_224 = tpu.vector_load %arg17[%get3A_222, %get3A_223] {strides = array<i32>} : memref<4x128xi32, #tpu.memory_space<vmem>>, vector<16xi32>,
      %gather3A_225 = tpu.vector_load_idx %arg14[%get3A_224] : memref<10240xf32, #tpu.memory_space<vmem>>[vector<16xi32>], vector<16xf32>,
      %swap3A_226 = arith.constant 0 : i32
      %swap3A_227 = arith.index_cast %swap3A_226 : i32 to index
      %swap3A_228 = arith.constant 32 : index
      %swap3A_229 = tpu.vector_load %arg19[%swap3A_227, %swap3A_228] {strides = array<i32>} : memref<4x128xf32, #tpu.memory_space<vmem>>, vector<16xf32>,
      tpu.vector_store %arg19[%swap3A_227, %swap3A_228], %gather3A_225 {strides = array<i32>} : memref<4x128xf32, #tpu.memory_space<vmem>>, vector<16xf32>,
      %get3A_230 = arith.constant 0 : i32
      %get3A_231 = arith.index_cast %get3A_230 : i32 to index
      %get3A_232 = arith.constant 48 : index
      %get3A_233 = tpu.vector_load %arg17[%get3A_231, %get3A_232] {strides = array<i32>} : memref<4x128xi32, #tpu.memory_space<vmem>>, vector<16xi32>,
      %gather3A_234 = tpu.vector_load_idx %arg14[%get3A_233] : memref<10240xf32, #tpu.memory_space<vmem>>[vector<16xi32>], vector<16xf32>,
      %swap3A_235 = arith.constant 0 : i32
      %swap3A_236 = arith.index_cast %swap3A_235 : i32 to index
      %swap3A_237 = arith.constant 48 : index
      %swap3A_238 = tpu.vector_load %arg19[%swap3A_236, %swap3A_237] {strides = array<i32>} : memref<4x128xf32, #tpu.memory_space<vmem>>, vector<16xf32>,
      tpu.vector_store %arg19[%swap3A_236, %swap3A_237], %gather3A_234 {strides = array<i32>} : memref<4x128xf32, #tpu.memory_space<vmem>>, vector<16xf32>,
      %get3A_239 = arith.constant 0 : i32
      %get3A_240 = arith.index_cast %get3A_239 : i32 to index
      %get3A_241 = arith.constant 64 : index
      %get3A_242 = tpu.vector_load %arg17[%get3A_240, %get3A_241] {strides = array<i32>} : memref<4x128xi32, #tpu.memory_space<vmem>>, vector<16xi32>,
      %gather3A_243 = tpu.vector_load_idx %arg14[%get3A_242] : memref<10240xf32, #tpu.memory_space<vmem>>[vector<16xi32>], vector<16xf32>,
      %swap3A_244 = arith.constant 0 : i32
      %swap3A_245 = arith.index_cast %swap3A_244 : i32 to index
      %swap3A_246 = arith.constant 64 : index
      %swap3A_247 = tpu.vector_load %arg19[%swap3A_245, %swap3A_246] {strides = array<i32>} : memref<4x128xf32, #tpu.memory_space<vmem>>, vector<16xf32>,
      tpu.vector_store %arg19[%swap3A_245, %swap3A_246], %gather3A_243 {strides = array<i32>} : memref<4x128xf32, #tpu.memory_space<vmem>>, vector<16xf32>,
      %get3A_248 = arith.constant 0 : i32
      %get3A_249 = arith.index_cast %get3A_248 : i32 to index
      %get3A_250 = arith.constant 80 : index
      %get3A_251 = tpu.vector_load %arg17[%get3A_249, %get3A_250] {strides = array<i32>} : memref<4x128xi32, #tpu.memory_space<vmem>>, vector<16xi32>,
      %gather3A_252 = tpu.vector_load_idx %arg14[%get3A_251] : memref<10240xf32, #tpu.memory_space<vmem>>[vector<16xi32>], vector<16xf32>,
      %swap3A_253 = arith.constant 0 : i32
      %swap3A_254 = arith.index_cast %swap3A_253 : i32 to index
      %swap3A_255 = arith.constant 80 : index
      %swap3A_256 = tpu.vector_load %arg19[%swap3A_254, %swap3A_255] {strides = array<i32>} : memref<4x128xf32, #tpu.memory_space<vmem>>, vector<16xf32>,
      tpu.vector_store %arg19[%swap3A_254, %swap3A_255], %gather3A_252 {strides = array<i32>} : memref<4x128xf32, #tpu.memory_space<vmem>>, vector<16xf32>,
      %get3A_257 = arith.constant 0 : i32
      %get3A_258 = arith.index_cast %get3A_257 : i32 to index
      %get3A_259 = arith.constant 96 : index
      %get3A_260 = tpu.vector_load %arg17[%get3A_258, %get3A_259] {strides = array<i32>} : memref<4x128xi32, #tpu.memory_space<vmem>>, vector<16xi32>,
      %gather3A_261 = tpu.vector_load_idx %arg14[%get3A_260] : memref<10240xf32, #tpu.memory_space<vmem>>[vector<16xi32>], vector<16xf32>,
      %swap3A_262 = arith.constant 0 : i32
      %swap3A_263 = arith.index_cast %swap3A_262 : i32 to index
      %swap3A_264 = arith.constant 96 : index
      %swap3A_265 = tpu.vector_load %arg19[%swap3A_263, %swap3A_264] {strides = array<i32>} : memref<4x128xf32, #tpu.memory_space<vmem>>, vector<16xf32>,
      tpu.vector_store %arg19[%swap3A_263, %swap3A_264], %gather3A_261 {strides = array<i32>} : memref<4x128xf32, #tpu.memory_space<vmem>>, vector<16xf32>,
      %get3A_266 = arith.constant 0 : i32
      %get3A_267 = arith.index_cast %get3A_266 : i32 to index
      %get3A_268 = arith.constant 112 : index
      %get3A_269 = tpu.vector_load %arg17[%get3A_267, %get3A_268] {strides = array<i32>} : memref<4x128xi32, #tpu.memory_space<vmem>>, vector<16xi32>,
      %gather3A_270 = tpu.vector_load_idx %arg14[%get3A_269] : memref<10240xf32, #tpu.memory_space<vmem>>[vector<16xi32>], vector<16xf32>,
      %swap3A_271 = arith.constant 0 : i32
      %swap3A_272 = arith.index_cast %swap3A_271 : i32 to index
      %swap3A_273 = arith.constant 112 : index
      %swap3A_274 = tpu.vector_load %arg19[%swap3A_272, %swap3A_273] {strides = array<i32>} : memref<4x128xf32, #tpu.memory_space<vmem>>, vector<16xf32>,
      tpu.vector_store %arg19[%swap3A_272, %swap3A_273], %gather3A_270 {strides = array<i32>} : memref<4x128xf32, #tpu.memory_space<vmem>>, vector<16xf32>,
    } else {
    }
    %mul3A_84 = arith.constant 512 : i32
    %mul3A_85 = arith.muli %arg1, %mul3A_84 : i32
    %add3A_86 = arith.constant 128 : i32
    %add3A_87 = arith.addi %mul3A_85, %add3A_86 : i32
    %dma_start3A_88 = arith.constant 1 : i32
    %dma_start3A_89 = arith.constant 0 : i32
    %dma_start3A_90 = arith.constant 0 : i32
    %dma_start3A_91 = arith.constant 0 : i32
    %dma_start3A_92 = tpu.memref_slice %arg13[%dma_start3A_89, %dma_start3A_90, %dma_start3A_91] : memref<2x128x64xf32, #tpu.memory_space<vmem>> -> memref<1x128x64xf32, #tpu.memory_space<vmem>>
    %dma_start3A_93 = tpu.memref_squeeze %dma_start3A_92 : memref<1x128x64xf32, #tpu.memory_space<vmem>> -> memref<128x64xf32, #tpu.memory_space<vmem>>
    %dma_start3A_94 = arith.constant 0 : i32
    %dma_start3A_95 = tpu.memref_slice %arg17[%dma_start3A_88, %dma_start3A_94] : memref<4x128xi32, #tpu.memory_space<vmem>> -> memref<1x128xi32, #tpu.memory_space<vmem>>
    %dma_start3A_96 = tpu.memref_squeeze %dma_start3A_95 : memref<1x128xi32, #tpu.memory_space<vmem>> -> memref<128xi32, #tpu.memory_space<vmem>>
    %dma_start3A_97 = arith.constant 0 : i32
    %dma_start3A_98 = arith.constant 0 : i32
    %dma_start3A_99 = tpu.memref_slice %arg15[%dma_start3A_97, %dma_start3A_98] : memref<10240x64xf32, #tpu.memory_space<vmem_shared>> -> memref<10240x64xf32, #tpu.memory_space<vmem_shared>>
    tpu.enqueue_indirect_dma source(%dma_start3A_99 : memref<10240x64xf32, #tpu.memory_space<vmem_shared>>) target(%dma_start3A_93 : memref<128x64xf32, #tpu.memory_space<vmem>>) offsets(%dma_start3A_96 : memref<128xi32, #tpu.memory_space<vmem>>) semaphore(%arg16 : memref<!tpu.dma_semaphore, #tpu.memory_space<semaphore_mem>>)
    %dma_wait3A_100 = arith.constant 1 : i32
    %dma_wait3A_101 = arith.constant 0 : i32
    %dma_wait3A_102 = arith.constant 0 : i32
    %dma_wait3A_103 = arith.constant 0 : i32
    %dma_wait3A_104 = tpu.memref_slice %arg13[%dma_wait3A_101, %dma_wait3A_102, %dma_wait3A_103] : memref<2x128x64xf32, #tpu.memory_space<vmem>> -> memref<1x128x64xf32, #tpu.memory_space<vmem>>
    %dma_wait3A_105 = tpu.memref_squeeze %dma_wait3A_104 : memref<1x128x64xf32, #tpu.memory_space<vmem>> -> memref<128x64xf32, #tpu.memory_space<vmem>>
    %dma_wait3A_106 = arith.constant 0 : i32
    %dma_wait3A_107 = tpu.memref_slice %arg17[%dma_wait3A_100, %dma_wait3A_106] : memref<4x128xi32, #tpu.memory_space<vmem>> -> memref<1x128xi32, #tpu.memory_space<vmem>>
    %dma_wait3A_108 = tpu.memref_squeeze %dma_wait3A_107 : memref<1x128xi32, #tpu.memory_space<vmem>> -> memref<128xi32, #tpu.memory_space<vmem>>
    %dma_wait3A_109 = arith.constant 0 : i32
    %dma_wait3A_110 = arith.constant 0 : i32
    %dma_wait3A_111 = tpu.memref_slice %arg15[%dma_wait3A_109, %dma_wait3A_110] : memref<10240x64xf32, #tpu.memory_space<vmem_shared>> -> memref<10240x64xf32, #tpu.memory_space<vmem_shared>>
    tpu.wait_indirect_dma semaphore(%arg16 : memref<!tpu.dma_semaphore, #tpu.memory_space<semaphore_mem>>) src(%dma_wait3A_111 : memref<10240x64xf32, #tpu.memory_space<vmem_shared>>) dst(%dma_wait3A_105 : memref<128x64xf32, #tpu.memory_space<vmem>>)
    %run_scoped3A_112 = arith.constant 0 : i32
    "tpu.region"() ({
      %run_scoped3A_206 = tpu.sem_alloc : memref<!tpu.dma_semaphore, #tpu.memory_space<semaphore_mem>>
      %dma_start3A_207 = arith.constant 0 : i32
      %dma_start3A_208 = arith.constant 0 : i32
      %dma_start3A_209 = tpu.memref_slice %arg13[%run_scoped3A_112, %dma_start3A_207, %dma_start3A_208] : memref<2x128x64xf32, #tpu.memory_space<vmem>> -> memref<1x128x64xf32, #tpu.memory_space<vmem>>
      %dma_start3A_210 = tpu.memref_squeeze %dma_start3A_209 : memref<1x128x64xf32, #tpu.memory_space<vmem>> -> memref<128x64xf32, #tpu.memory_space<vmem>>
      %dma_start3A_211 = arith.constant 0 : i32
      %dma_start3A_212 = tpu.memref_slice %arg8[%arg0, %add3A_87, %dma_start3A_211] : memref<2x8192x64xf32, #tpu.memory_space<hbm>> -> memref<1x128x64xf32, #tpu.memory_space<hbm>>
      %dma_start3A_213 = tpu.memref_squeeze %dma_start3A_212 : memref<1x128x64xf32, #tpu.memory_space<hbm>> -> memref<128x64xf32, #tpu.memory_space<hbm>>
      %dma_start3A_214 = arith.constant 0 : i32
      %dma_start3A_215 = tpu.memref_slice %arg8[%arg0, %add3A_87, %dma_start3A_214] : memref<2x8192x64xf32, #tpu.memory_space<hbm>> -> memref<1x128x64xf32, #tpu.memory_space<hbm>>
      %dma_start3A_216 = tpu.memref_squeeze %dma_start3A_215 : memref<1x128x64xf32, #tpu.memory_space<hbm>> -> memref<128x64xf32, #tpu.memory_space<hbm>>
      %dma_start3A_217 = arith.constant 0 : i32
      %dma_start3A_218 = arith.constant 0 : i32
      %dma_start3A_219 = tpu.memref_slice %arg13[%run_scoped3A_112, %dma_start3A_217, %dma_start3A_218] : memref<2x128x64xf32, #tpu.memory_space<vmem>> -> memref<1x128x64xf32, #tpu.memory_space<vmem>>
      %dma_start3A_220 = tpu.memref_squeeze %dma_start3A_219 : memref<1x128x64xf32, #tpu.memory_space<vmem>> -> memref<128x64xf32, #tpu.memory_space<vmem>>
      tpu.enqueue_dma source(%dma_start3A_220 : memref<128x64xf32, #tpu.memory_space<vmem>>) target(%dma_start3A_216 : memref<128x64xf32, #tpu.memory_space<hbm>>) target_semaphore(%run_scoped3A_206 : memref<!tpu.dma_semaphore, #tpu.memory_space<semaphore_mem>>)
      %dma_wait3A_221 = arith.constant 0 : i32
      %dma_wait3A_222 = arith.constant 0 : i32
      %dma_wait3A_223 = tpu.memref_slice %arg13[%run_scoped3A_112, %dma_wait3A_221, %dma_wait3A_222] : memref<2x128x64xf32, #tpu.memory_space<vmem>> -> memref<1x128x64xf32, #tpu.memory_space<vmem>>
      %dma_wait3A_224 = tpu.memref_squeeze %dma_wait3A_223 : memref<1x128x64xf32, #tpu.memory_space<vmem>> -> memref<128x64xf32, #tpu.memory_space<vmem>>
      %dma_wait3A_225 = arith.constant 0 : i32
      %dma_wait3A_226 = tpu.memref_slice %arg8[%arg0, %add3A_87, %dma_wait3A_225] : memref<2x8192x64xf32, #tpu.memory_space<hbm>> -> memref<1x128x64xf32, #tpu.memory_space<hbm>>
      %dma_wait3A_227 = tpu.memref_squeeze %dma_wait3A_226 : memref<1x128x64xf32, #tpu.memory_space<hbm>> -> memref<128x64xf32, #tpu.memory_space<hbm>>
      %dma_wait3A_228 = arith.constant 0 : i32
      %dma_wait3A_229 = tpu.memref_slice %arg8[%arg0, %add3A_87, %dma_wait3A_228] : memref<2x8192x64xf32, #tpu.memory_space<hbm>> -> memref<1x128x64xf32, #tpu.memory_space<hbm>>
      %dma_wait3A_230 = tpu.memref_squeeze %dma_wait3A_229 : memref<1x128x64xf32, #tpu.memory_space<hbm>> -> memref<128x64xf32, #tpu.memory_space<hbm>>
      %dma_wait3A_231 = arith.constant 0 : i32
      %dma_wait3A_232 = arith.constant 0 : i32
      %dma_wait3A_233 = tpu.memref_slice %arg13[%run_scoped3A_112, %dma_wait3A_231, %dma_wait3A_232] : memref<2x128x64xf32, #tpu.memory_space<vmem>> -> memref<1x128x64xf32, #tpu.memory_space<vmem>>
      %dma_wait3A_234 = tpu.memref_squeeze %dma_wait3A_233 : memref<1x128x64xf32, #tpu.memory_space<vmem>> -> memref<128x64xf32, #tpu.memory_space<vmem>>
      tpu.wait_dma2 semaphore(%run_scoped3A_206 : memref<!tpu.dma_semaphore, #tpu.memory_space<semaphore_mem>>) src(%dma_wait3A_234 : memref<128x64xf32, #tpu.memory_space<vmem>>) dst(%dma_wait3A_230 : memref<128x64xf32, #tpu.memory_space<hbm>>)
      tpu.yield
    }) : () -> ()
    %eq3A_113 = arith.constant 0 : i32
    %eq3A_114 = arith.cmpi eq, %arg0, %eq3A_113 : i32
    %convert_element_type3A_115 = arith.extui %eq3A_114 : i1 to i32
    %cond3A_116 = arith.constant 0 : i32
    %cond3A_117 = arith.cmpi ne, %convert_element_type3A_115, %cond3A_116 : i32
    scf.if %cond3A_117 {
      %dma_start3A_206 = arith.constant 1 : i32
      %dma_start3A_207 = arith.constant 0 : i32
      %dma_start3A_208 = tpu.memref_slice %arg17[%dma_start3A_206, %dma_start3A_207] : memref<4x128xi32, #tpu.memory_space<vmem>> -> memref<1x128xi32, #tpu.memory_space<vmem>>
      %dma_start3A_209 = tpu.memref_squeeze %dma_start3A_208 : memref<1x128xi32, #tpu.memory_space<vmem>> -> memref<128xi32, #tpu.memory_space<vmem>>
      %dma_start3A_210 = arith.constant 0 : i32
      %dma_start3A_211 = arith.constant 0 : i32
      %dma_start3A_212 = tpu.memref_slice %arg5[%dma_start3A_210, %dma_start3A_211] : memref<10000x128xf32, #tpu.memory_space<hbm>> -> memref<10000x128xf32, #tpu.memory_space<hbm>>
      tpu.enqueue_indirect_dma source(%dma_start3A_212 : memref<10000x128xf32, #tpu.memory_space<hbm>>) target(%arg18 : memref<128x128xf32, #tpu.memory_space<vmem>>) offsets(%dma_start3A_209 : memref<128xi32, #tpu.memory_space<vmem>>) semaphore(%arg16 : memref<!tpu.dma_semaphore, #tpu.memory_space<semaphore_mem>>)
      %dma_wait3A_213 = arith.constant 1 : i32
      %dma_wait3A_214 = arith.constant 0 : i32
      %dma_wait3A_215 = tpu.memref_slice %arg17[%dma_wait3A_213, %dma_wait3A_214] : memref<4x128xi32, #tpu.memory_space<vmem>> -> memref<1x128xi32, #tpu.memory_space<vmem>>
      %dma_wait3A_216 = tpu.memref_squeeze %dma_wait3A_215 : memref<1x128xi32, #tpu.memory_space<vmem>> -> memref<128xi32, #tpu.memory_space<vmem>>
      %dma_wait3A_217 = arith.constant 0 : i32
      %dma_wait3A_218 = arith.constant 0 : i32
      %dma_wait3A_219 = tpu.memref_slice %arg5[%dma_wait3A_217, %dma_wait3A_218] : memref<10000x128xf32, #tpu.memory_space<hbm>> -> memref<10000x128xf32, #tpu.memory_space<hbm>>
      tpu.wait_indirect_dma semaphore(%arg16 : memref<!tpu.dma_semaphore, #tpu.memory_space<semaphore_mem>>) src(%dma_wait3A_219 : memref<10000x128xf32, #tpu.memory_space<hbm>>) dst(%arg18 : memref<128x128xf32, #tpu.memory_space<vmem>>)
      "tpu.region"() ({
        %run_scoped3A_220 = tpu.sem_alloc : memref<!tpu.dma_semaphore, #tpu.memory_space<semaphore_mem>>
        %dma_start3A_221 = arith.constant 0 : i32
        %dma_start3A_222 = tpu.memref_slice %arg9[%add3A_87, %dma_start3A_221] : memref<8192x128xf32, #tpu.memory_space<hbm>> -> memref<128x128xf32, #tpu.memory_space<hbm>>
        %dma_start3A_223 = arith.constant 0 : i32
        %dma_start3A_224 = tpu.memref_slice %arg9[%add3A_87, %dma_start3A_223] : memref<8192x128xf32, #tpu.memory_space<hbm>> -> memref<128x128xf32, #tpu.memory_space<hbm>>
        tpu.enqueue_dma source(%arg18 : memref<128x128xf32, #tpu.memory_space<vmem>>) target(%dma_start3A_224 : memref<128x128xf32, #tpu.memory_space<hbm>>) target_semaphore(%run_scoped3A_220 : memref<!tpu.dma_semaphore, #tpu.memory_space<semaphore_mem>>)
        %dma_wait3A_225 = arith.constant 0 : i32
        %dma_wait3A_226 = tpu.memref_slice %arg9[%add3A_87, %dma_wait3A_225] : memref<8192x128xf32, #tpu.memory_space<hbm>> -> memref<128x128xf32, #tpu.memory_space<hbm>>
        %dma_wait3A_227 = arith.constant 0 : i32
        %dma_wait3A_228 = tpu.memref_slice %arg9[%add3A_87, %dma_wait3A_227] : memref<8192x128xf32, #tpu.memory_space<hbm>> -> memref<128x128xf32, #tpu.memory_space<hbm>>
        tpu.wait_dma2 semaphore(%run_scoped3A_220 : memref<!tpu.dma_semaphore, #tpu.memory_space<semaphore_mem>>) src(%arg18 : memref<128x128xf32, #tpu.memory_space<vmem>>) dst(%dma_wait3A_228 : memref<128x128xf32, #tpu.memory_space<hbm>>)
        tpu.yield
      }) : () -> ()
    } else {
    }
    %eq3A_118 = arith.constant 1 : i32
    %eq3A_119 = arith.cmpi eq, %arg0, %eq3A_118 : i32
    %convert_element_type3A_120 = arith.extui %eq3A_119 : i1 to i32
    %cond3A_121 = arith.constant 0 : i32
    %cond3A_122 = arith.cmpi ne, %convert_element_type3A_120, %cond3A_121 : i32
    scf.if %cond3A_122 {
      %get3A = arith.constant 1 : i32
      %get3A_206 = arith.index_cast %get3A : i32 to index
      %get3A_207 = arith.constant 0 : index
      %get3A_208 = tpu.vector_load %arg17[%get3A_206, %get3A_207] {strides = array<i32>} : memref<4x128xi32, #tpu.memory_space<vmem>>, vector<16xi32>,
      %gather3A = tpu.vector_load_idx %arg14[%get3A_208] : memref<10240xf32, #tpu.memory_space<vmem>>[vector<16xi32>], vector<16xf32>,
      %swap3A = arith.constant 1 : i32
      %swap3A_209 = arith.index_cast %swap3A : i32 to index
      %swap3A_210 = arith.constant 0 : index
      %swap3A_211 = tpu.vector_load %arg19[%swap3A_209, %swap3A_210] {strides = array<i32>} : memref<4x128xf32, #tpu.memory_space<vmem>>, vector<16xf32>,
      tpu.vector_store %arg19[%swap3A_209, %swap3A_210], %gather3A {strides = array<i32>} : memref<4x128xf32, #tpu.memory_space<vmem>>, vector<16xf32>,
      %get3A_212 = arith.constant 1 : i32
      %get3A_213 = arith.index_cast %get3A_212 : i32 to index
      %get3A_214 = arith.constant 16 : index
      %get3A_215 = tpu.vector_load %arg17[%get3A_213, %get3A_214] {strides = array<i32>} : memref<4x128xi32, #tpu.memory_space<vmem>>, vector<16xi32>,
      %gather3A_216 = tpu.vector_load_idx %arg14[%get3A_215] : memref<10240xf32, #tpu.memory_space<vmem>>[vector<16xi32>], vector<16xf32>,
      %swap3A_217 = arith.constant 1 : i32
      %swap3A_218 = arith.index_cast %swap3A_217 : i32 to index
      %swap3A_219 = arith.constant 16 : index
      %swap3A_220 = tpu.vector_load %arg19[%swap3A_218, %swap3A_219] {strides = array<i32>} : memref<4x128xf32, #tpu.memory_space<vmem>>, vector<16xf32>,
      tpu.vector_store %arg19[%swap3A_218, %swap3A_219], %gather3A_216 {strides = array<i32>} : memref<4x128xf32, #tpu.memory_space<vmem>>, vector<16xf32>,
      %get3A_221 = arith.constant 1 : i32
      %get3A_222 = arith.index_cast %get3A_221 : i32 to index
      %get3A_223 = arith.constant 32 : index
      %get3A_224 = tpu.vector_load %arg17[%get3A_222, %get3A_223] {strides = array<i32>} : memref<4x128xi32, #tpu.memory_space<vmem>>, vector<16xi32>,
      %gather3A_225 = tpu.vector_load_idx %arg14[%get3A_224] : memref<10240xf32, #tpu.memory_space<vmem>>[vector<16xi32>], vector<16xf32>,
      %swap3A_226 = arith.constant 1 : i32
      %swap3A_227 = arith.index_cast %swap3A_226 : i32 to index
      %swap3A_228 = arith.constant 32 : index
      %swap3A_229 = tpu.vector_load %arg19[%swap3A_227, %swap3A_228] {strides = array<i32>} : memref<4x128xf32, #tpu.memory_space<vmem>>, vector<16xf32>,
      tpu.vector_store %arg19[%swap3A_227, %swap3A_228], %gather3A_225 {strides = array<i32>} : memref<4x128xf32, #tpu.memory_space<vmem>>, vector<16xf32>,
      %get3A_230 = arith.constant 1 : i32
      %get3A_231 = arith.index_cast %get3A_230 : i32 to index
      %get3A_232 = arith.constant 48 : index
      %get3A_233 = tpu.vector_load %arg17[%get3A_231, %get3A_232] {strides = array<i32>} : memref<4x128xi32, #tpu.memory_space<vmem>>, vector<16xi32>,
      %gather3A_234 = tpu.vector_load_idx %arg14[%get3A_233] : memref<10240xf32, #tpu.memory_space<vmem>>[vector<16xi32>], vector<16xf32>,
      %swap3A_235 = arith.constant 1 : i32
      %swap3A_236 = arith.index_cast %swap3A_235 : i32 to index
      %swap3A_237 = arith.constant 48 : index
      %swap3A_238 = tpu.vector_load %arg19[%swap3A_236, %swap3A_237] {strides = array<i32>} : memref<4x128xf32, #tpu.memory_space<vmem>>, vector<16xf32>,
      tpu.vector_store %arg19[%swap3A_236, %swap3A_237], %gather3A_234 {strides = array<i32>} : memref<4x128xf32, #tpu.memory_space<vmem>>, vector<16xf32>,
      %get3A_239 = arith.constant 1 : i32
      %get3A_240 = arith.index_cast %get3A_239 : i32 to index
      %get3A_241 = arith.constant 64 : index
      %get3A_242 = tpu.vector_load %arg17[%get3A_240, %get3A_241] {strides = array<i32>} : memref<4x128xi32, #tpu.memory_space<vmem>>, vector<16xi32>,
      %gather3A_243 = tpu.vector_load_idx %arg14[%get3A_242] : memref<10240xf32, #tpu.memory_space<vmem>>[vector<16xi32>], vector<16xf32>,
      %swap3A_244 = arith.constant 1 : i32
      %swap3A_245 = arith.index_cast %swap3A_244 : i32 to index
      %swap3A_246 = arith.constant 64 : index
      %swap3A_247 = tpu.vector_load %arg19[%swap3A_245, %swap3A_246] {strides = array<i32>} : memref<4x128xf32, #tpu.memory_space<vmem>>, vector<16xf32>,
      tpu.vector_store %arg19[%swap3A_245, %swap3A_246], %gather3A_243 {strides = array<i32>} : memref<4x128xf32, #tpu.memory_space<vmem>>, vector<16xf32>,
      %get3A_248 = arith.constant 1 : i32
      %get3A_249 = arith.index_cast %get3A_248 : i32 to index
      %get3A_250 = arith.constant 80 : index
      %get3A_251 = tpu.vector_load %arg17[%get3A_249, %get3A_250] {strides = array<i32>} : memref<4x128xi32, #tpu.memory_space<vmem>>, vector<16xi32>,
      %gather3A_252 = tpu.vector_load_idx %arg14[%get3A_251] : memref<10240xf32, #tpu.memory_space<vmem>>[vector<16xi32>], vector<16xf32>,
      %swap3A_253 = arith.constant 1 : i32
      %swap3A_254 = arith.index_cast %swap3A_253 : i32 to index
      %swap3A_255 = arith.constant 80 : index
      %swap3A_256 = tpu.vector_load %arg19[%swap3A_254, %swap3A_255] {strides = array<i32>} : memref<4x128xf32, #tpu.memory_space<vmem>>, vector<16xf32>,
      tpu.vector_store %arg19[%swap3A_254, %swap3A_255], %gather3A_252 {strides = array<i32>} : memref<4x128xf32, #tpu.memory_space<vmem>>, vector<16xf32>,
      %get3A_257 = arith.constant 1 : i32
      %get3A_258 = arith.index_cast %get3A_257 : i32 to index
      %get3A_259 = arith.constant 96 : index
      %get3A_260 = tpu.vector_load %arg17[%get3A_258, %get3A_259] {strides = array<i32>} : memref<4x128xi32, #tpu.memory_space<vmem>>, vector<16xi32>,
      %gather3A_261 = tpu.vector_load_idx %arg14[%get3A_260] : memref<10240xf32, #tpu.memory_space<vmem>>[vector<16xi32>], vector<16xf32>,
      %swap3A_262 = arith.constant 1 : i32
      %swap3A_263 = arith.index_cast %swap3A_262 : i32 to index
      %swap3A_264 = arith.constant 96 : index
      %swap3A_265 = tpu.vector_load %arg19[%swap3A_263, %swap3A_264] {strides = array<i32>} : memref<4x128xf32, #tpu.memory_space<vmem>>, vector<16xf32>,
      tpu.vector_store %arg19[%swap3A_263, %swap3A_264], %gather3A_261 {strides = array<i32>} : memref<4x128xf32, #tpu.memory_space<vmem>>, vector<16xf32>,
      %get3A_266 = arith.constant 1 : i32
      %get3A_267 = arith.index_cast %get3A_266 : i32 to index
      %get3A_268 = arith.constant 112 : index
      %get3A_269 = tpu.vector_load %arg17[%get3A_267, %get3A_268] {strides = array<i32>} : memref<4x128xi32, #tpu.memory_space<vmem>>, vector<16xi32>,
      %gather3A_270 = tpu.vector_load_idx %arg14[%get3A_269] : memref<10240xf32, #tpu.memory_space<vmem>>[vector<16xi32>], vector<16xf32>,
      %swap3A_271 = arith.constant 1 : i32
      %swap3A_272 = arith.index_cast %swap3A_271 : i32 to index
      %swap3A_273 = arith.constant 112 : index
      %swap3A_274 = tpu.vector_load %arg19[%swap3A_272, %swap3A_273] {strides = array<i32>} : memref<4x128xf32, #tpu.memory_space<vmem>>, vector<16xf32>,
      tpu.vector_store %arg19[%swap3A_272, %swap3A_273], %gather3A_270 {strides = array<i32>} : memref<4x128xf32, #tpu.memory_space<vmem>>, vector<16xf32>,
    } else {
    }
    %mul3A_123 = arith.constant 512 : i32
    %mul3A_124 = arith.muli %arg1, %mul3A_123 : i32
    %add3A_125 = arith.constant 256 : i32
    %add3A_126 = arith.addi %mul3A_124, %add3A_125 : i32
    %dma_start3A_127 = arith.constant 2 : i32
    %dma_start3A_128 = arith.constant 0 : i32
    %dma_start3A_129 = arith.constant 0 : i32
    %dma_start3A_130 = arith.constant 0 : i32
    %dma_start3A_131 = tpu.memref_slice %arg13[%dma_start3A_128, %dma_start3A_129, %dma_start3A_130] : memref<2x128x64xf32, #tpu.memory_space<vmem>> -> memref<1x128x64xf32, #tpu.memory_space<vmem>>
    %dma_start3A_132 = tpu.memref_squeeze %dma_start3A_131 : memref<1x128x64xf32, #tpu.memory_space<vmem>> -> memref<128x64xf32, #tpu.memory_space<vmem>>
    %dma_start3A_133 = arith.constant 0 : i32
    %dma_start3A_134 = tpu.memref_slice %arg17[%dma_start3A_127, %dma_start3A_133] : memref<4x128xi32, #tpu.memory_space<vmem>> -> memref<1x128xi32, #tpu.memory_space<vmem>>
    %dma_start3A_135 = tpu.memref_squeeze %dma_start3A_134 : memref<1x128xi32, #tpu.memory_space<vmem>> -> memref<128xi32, #tpu.memory_space<vmem>>
    %dma_start3A_136 = arith.constant 0 : i32
    %dma_start3A_137 = arith.constant 0 : i32
    %dma_start3A_138 = tpu.memref_slice %arg15[%dma_start3A_136, %dma_start3A_137] : memref<10240x64xf32, #tpu.memory_space<vmem_shared>> -> memref<10240x64xf32, #tpu.memory_space<vmem_shared>>
    tpu.enqueue_indirect_dma source(%dma_start3A_138 : memref<10240x64xf32, #tpu.memory_space<vmem_shared>>) target(%dma_start3A_132 : memref<128x64xf32, #tpu.memory_space<vmem>>) offsets(%dma_start3A_135 : memref<128xi32, #tpu.memory_space<vmem>>) semaphore(%arg16 : memref<!tpu.dma_semaphore, #tpu.memory_space<semaphore_mem>>)
    %dma_wait3A_139 = arith.constant 2 : i32
    %dma_wait3A_140 = arith.constant 0 : i32
    %dma_wait3A_141 = arith.constant 0 : i32
    %dma_wait3A_142 = arith.constant 0 : i32
    %dma_wait3A_143 = tpu.memref_slice %arg13[%dma_wait3A_140, %dma_wait3A_141, %dma_wait3A_142] : memref<2x128x64xf32, #tpu.memory_space<vmem>> -> memref<1x128x64xf32, #tpu.memory_space<vmem>>
    %dma_wait3A_144 = tpu.memref_squeeze %dma_wait3A_143 : memref<1x128x64xf32, #tpu.memory_space<vmem>> -> memref<128x64xf32, #tpu.memory_space<vmem>>
    %dma_wait3A_145 = arith.constant 0 : i32
    %dma_wait3A_146 = tpu.memref_slice %arg17[%dma_wait3A_139, %dma_wait3A_145] : memref<4x128xi32, #tpu.memory_space<vmem>> -> memref<1x128xi32, #tpu.memory_space<vmem>>
    %dma_wait3A_147 = tpu.memref_squeeze %dma_wait3A_146 : memref<1x128xi32, #tpu.memory_space<vmem>> -> memref<128xi32, #tpu.memory_space<vmem>>
    %dma_wait3A_148 = arith.constant 0 : i32
    %dma_wait3A_149 = arith.constant 0 : i32
    %dma_wait3A_150 = tpu.memref_slice %arg15[%dma_wait3A_148, %dma_wait3A_149] : memref<10240x64xf32, #tpu.memory_space<vmem_shared>> -> memref<10240x64xf32, #tpu.memory_space<vmem_shared>>
    tpu.wait_indirect_dma semaphore(%arg16 : memref<!tpu.dma_semaphore, #tpu.memory_space<semaphore_mem>>) src(%dma_wait3A_150 : memref<10240x64xf32, #tpu.memory_space<vmem_shared>>) dst(%dma_wait3A_144 : memref<128x64xf32, #tpu.memory_space<vmem>>)
    %run_scoped3A_151 = arith.constant 0 : i32
    "tpu.region"() ({
      %run_scoped3A_206 = tpu.sem_alloc : memref<!tpu.dma_semaphore, #tpu.memory_space<semaphore_mem>>
      %dma_start3A_207 = arith.constant 0 : i32
      %dma_start3A_208 = arith.constant 0 : i32
      %dma_start3A_209 = tpu.memref_slice %arg13[%run_scoped3A_151, %dma_start3A_207, %dma_start3A_208] : memref<2x128x64xf32, #tpu.memory_space<vmem>> -> memref<1x128x64xf32, #tpu.memory_space<vmem>>
      %dma_start3A_210 = tpu.memref_squeeze %dma_start3A_209 : memref<1x128x64xf32, #tpu.memory_space<vmem>> -> memref<128x64xf32, #tpu.memory_space<vmem>>
      %dma_start3A_211 = arith.constant 0 : i32
      %dma_start3A_212 = tpu.memref_slice %arg8[%arg0, %add3A_126, %dma_start3A_211] : memref<2x8192x64xf32, #tpu.memory_space<hbm>> -> memref<1x128x64xf32, #tpu.memory_space<hbm>>
      %dma_start3A_213 = tpu.memref_squeeze %dma_start3A_212 : memref<1x128x64xf32, #tpu.memory_space<hbm>> -> memref<128x64xf32, #tpu.memory_space<hbm>>
      %dma_start3A_214 = arith.constant 0 : i32
      %dma_start3A_215 = tpu.memref_slice %arg8[%arg0, %add3A_126, %dma_start3A_214] : memref<2x8192x64xf32, #tpu.memory_space<hbm>> -> memref<1x128x64xf32, #tpu.memory_space<hbm>>
      %dma_start3A_216 = tpu.memref_squeeze %dma_start3A_215 : memref<1x128x64xf32, #tpu.memory_space<hbm>> -> memref<128x64xf32, #tpu.memory_space<hbm>>
      %dma_start3A_217 = arith.constant 0 : i32
      %dma_start3A_218 = arith.constant 0 : i32
      %dma_start3A_219 = tpu.memref_slice %arg13[%run_scoped3A_151, %dma_start3A_217, %dma_start3A_218] : memref<2x128x64xf32, #tpu.memory_space<vmem>> -> memref<1x128x64xf32, #tpu.memory_space<vmem>>
      %dma_start3A_220 = tpu.memref_squeeze %dma_start3A_219 : memref<1x128x64xf32, #tpu.memory_space<vmem>> -> memref<128x64xf32, #tpu.memory_space<vmem>>
      tpu.enqueue_dma source(%dma_start3A_220 : memref<128x64xf32, #tpu.memory_space<vmem>>) target(%dma_start3A_216 : memref<128x64xf32, #tpu.memory_space<hbm>>) target_semaphore(%run_scoped3A_206 : memref<!tpu.dma_semaphore, #tpu.memory_space<semaphore_mem>>)
      %dma_wait3A_221 = arith.constant 0 : i32
      %dma_wait3A_222 = arith.constant 0 : i32
      %dma_wait3A_223 = tpu.memref_slice %arg13[%run_scoped3A_151, %dma_wait3A_221, %dma_wait3A_222] : memref<2x128x64xf32, #tpu.memory_space<vmem>> -> memref<1x128x64xf32, #tpu.memory_space<vmem>>
      %dma_wait3A_224 = tpu.memref_squeeze %dma_wait3A_223 : memref<1x128x64xf32, #tpu.memory_space<vmem>> -> memref<128x64xf32, #tpu.memory_space<vmem>>
      %dma_wait3A_225 = arith.constant 0 : i32
      %dma_wait3A_226 = tpu.memref_slice %arg8[%arg0, %add3A_126, %dma_wait3A_225] : memref<2x8192x64xf32, #tpu.memory_space<hbm>> -> memref<1x128x64xf32, #tpu.memory_space<hbm>>
      %dma_wait3A_227 = tpu.memref_squeeze %dma_wait3A_226 : memref<1x128x64xf32, #tpu.memory_space<hbm>> -> memref<128x64xf32, #tpu.memory_space<hbm>>
      %dma_wait3A_228 = arith.constant 0 : i32
      %dma_wait3A_229 = tpu.memref_slice %arg8[%arg0, %add3A_126, %dma_wait3A_228] : memref<2x8192x64xf32, #tpu.memory_space<hbm>> -> memref<1x128x64xf32, #tpu.memory_space<hbm>>
      %dma_wait3A_230 = tpu.memref_squeeze %dma_wait3A_229 : memref<1x128x64xf32, #tpu.memory_space<hbm>> -> memref<128x64xf32, #tpu.memory_space<hbm>>
      %dma_wait3A_231 = arith.constant 0 : i32
      %dma_wait3A_232 = arith.constant 0 : i32
      %dma_wait3A_233 = tpu.memref_slice %arg13[%run_scoped3A_151, %dma_wait3A_231, %dma_wait3A_232] : memref<2x128x64xf32, #tpu.memory_space<vmem>> -> memref<1x128x64xf32, #tpu.memory_space<vmem>>
      %dma_wait3A_234 = tpu.memref_squeeze %dma_wait3A_233 : memref<1x128x64xf32, #tpu.memory_space<vmem>> -> memref<128x64xf32, #tpu.memory_space<vmem>>
      tpu.wait_dma2 semaphore(%run_scoped3A_206 : memref<!tpu.dma_semaphore, #tpu.memory_space<semaphore_mem>>) src(%dma_wait3A_234 : memref<128x64xf32, #tpu.memory_space<vmem>>) dst(%dma_wait3A_230 : memref<128x64xf32, #tpu.memory_space<hbm>>)
      tpu.yield
    }) : () -> ()
    %eq3A_152 = arith.constant 0 : i32
    %eq3A_153 = arith.cmpi eq, %arg0, %eq3A_152 : i32
    %convert_element_type3A_154 = arith.extui %eq3A_153 : i1 to i32
    %cond3A_155 = arith.constant 0 : i32
    %cond3A_156 = arith.cmpi ne, %convert_element_type3A_154, %cond3A_155 : i32
    scf.if %cond3A_156 {
      %dma_start3A_206 = arith.constant 2 : i32
      %dma_start3A_207 = arith.constant 0 : i32
      %dma_start3A_208 = tpu.memref_slice %arg17[%dma_start3A_206, %dma_start3A_207] : memref<4x128xi32, #tpu.memory_space<vmem>> -> memref<1x128xi32, #tpu.memory_space<vmem>>
      %dma_start3A_209 = tpu.memref_squeeze %dma_start3A_208 : memref<1x128xi32, #tpu.memory_space<vmem>> -> memref<128xi32, #tpu.memory_space<vmem>>
      %dma_start3A_210 = arith.constant 0 : i32
      %dma_start3A_211 = arith.constant 0 : i32
      %dma_start3A_212 = tpu.memref_slice %arg5[%dma_start3A_210, %dma_start3A_211] : memref<10000x128xf32, #tpu.memory_space<hbm>> -> memref<10000x128xf32, #tpu.memory_space<hbm>>
      tpu.enqueue_indirect_dma source(%dma_start3A_212 : memref<10000x128xf32, #tpu.memory_space<hbm>>) target(%arg18 : memref<128x128xf32, #tpu.memory_space<vmem>>) offsets(%dma_start3A_209 : memref<128xi32, #tpu.memory_space<vmem>>) semaphore(%arg16 : memref<!tpu.dma_semaphore, #tpu.memory_space<semaphore_mem>>)
      %dma_wait3A_213 = arith.constant 2 : i32
      %dma_wait3A_214 = arith.constant 0 : i32
      %dma_wait3A_215 = tpu.memref_slice %arg17[%dma_wait3A_213, %dma_wait3A_214] : memref<4x128xi32, #tpu.memory_space<vmem>> -> memref<1x128xi32, #tpu.memory_space<vmem>>
      %dma_wait3A_216 = tpu.memref_squeeze %dma_wait3A_215 : memref<1x128xi32, #tpu.memory_space<vmem>> -> memref<128xi32, #tpu.memory_space<vmem>>
      %dma_wait3A_217 = arith.constant 0 : i32
      %dma_wait3A_218 = arith.constant 0 : i32
      %dma_wait3A_219 = tpu.memref_slice %arg5[%dma_wait3A_217, %dma_wait3A_218] : memref<10000x128xf32, #tpu.memory_space<hbm>> -> memref<10000x128xf32, #tpu.memory_space<hbm>>
      tpu.wait_indirect_dma semaphore(%arg16 : memref<!tpu.dma_semaphore, #tpu.memory_space<semaphore_mem>>) src(%dma_wait3A_219 : memref<10000x128xf32, #tpu.memory_space<hbm>>) dst(%arg18 : memref<128x128xf32, #tpu.memory_space<vmem>>)
      "tpu.region"() ({
        %run_scoped3A_220 = tpu.sem_alloc : memref<!tpu.dma_semaphore, #tpu.memory_space<semaphore_mem>>
        %dma_start3A_221 = arith.constant 0 : i32
        %dma_start3A_222 = tpu.memref_slice %arg9[%add3A_126, %dma_start3A_221] : memref<8192x128xf32, #tpu.memory_space<hbm>> -> memref<128x128xf32, #tpu.memory_space<hbm>>
        %dma_start3A_223 = arith.constant 0 : i32
        %dma_start3A_224 = tpu.memref_slice %arg9[%add3A_126, %dma_start3A_223] : memref<8192x128xf32, #tpu.memory_space<hbm>> -> memref<128x128xf32, #tpu.memory_space<hbm>>
        tpu.enqueue_dma source(%arg18 : memref<128x128xf32, #tpu.memory_space<vmem>>) target(%dma_start3A_224 : memref<128x128xf32, #tpu.memory_space<hbm>>) target_semaphore(%run_scoped3A_220 : memref<!tpu.dma_semaphore, #tpu.memory_space<semaphore_mem>>)
        %dma_wait3A_225 = arith.constant 0 : i32
        %dma_wait3A_226 = tpu.memref_slice %arg9[%add3A_126, %dma_wait3A_225] : memref<8192x128xf32, #tpu.memory_space<hbm>> -> memref<128x128xf32, #tpu.memory_space<hbm>>
        %dma_wait3A_227 = arith.constant 0 : i32
        %dma_wait3A_228 = tpu.memref_slice %arg9[%add3A_126, %dma_wait3A_227] : memref<8192x128xf32, #tpu.memory_space<hbm>> -> memref<128x128xf32, #tpu.memory_space<hbm>>
        tpu.wait_dma2 semaphore(%run_scoped3A_220 : memref<!tpu.dma_semaphore, #tpu.memory_space<semaphore_mem>>) src(%arg18 : memref<128x128xf32, #tpu.memory_space<vmem>>) dst(%dma_wait3A_228 : memref<128x128xf32, #tpu.memory_space<hbm>>)
        tpu.yield
      }) : () -> ()
    } else {
    }
    %eq3A_157 = arith.constant 1 : i32
    %eq3A_158 = arith.cmpi eq, %arg0, %eq3A_157 : i32
    %convert_element_type3A_159 = arith.extui %eq3A_158 : i1 to i32
    %cond3A_160 = arith.constant 0 : i32
    %cond3A_161 = arith.cmpi ne, %convert_element_type3A_159, %cond3A_160 : i32
    scf.if %cond3A_161 {
      %get3A = arith.constant 2 : i32
      %get3A_206 = arith.index_cast %get3A : i32 to index
      %get3A_207 = arith.constant 0 : index
      %get3A_208 = tpu.vector_load %arg17[%get3A_206, %get3A_207] {strides = array<i32>} : memref<4x128xi32, #tpu.memory_space<vmem>>, vector<16xi32>,
      %gather3A = tpu.vector_load_idx %arg14[%get3A_208] : memref<10240xf32, #tpu.memory_space<vmem>>[vector<16xi32>], vector<16xf32>,
      %swap3A = arith.constant 2 : i32
      %swap3A_209 = arith.index_cast %swap3A : i32 to index
      %swap3A_210 = arith.constant 0 : index
      %swap3A_211 = tpu.vector_load %arg19[%swap3A_209, %swap3A_210] {strides = array<i32>} : memref<4x128xf32, #tpu.memory_space<vmem>>, vector<16xf32>,
      tpu.vector_store %arg19[%swap3A_209, %swap3A_210], %gather3A {strides = array<i32>} : memref<4x128xf32, #tpu.memory_space<vmem>>, vector<16xf32>,
      %get3A_212 = arith.constant 2 : i32
      %get3A_213 = arith.index_cast %get3A_212 : i32 to index
      %get3A_214 = arith.constant 16 : index
      %get3A_215 = tpu.vector_load %arg17[%get3A_213, %get3A_214] {strides = array<i32>} : memref<4x128xi32, #tpu.memory_space<vmem>>, vector<16xi32>,
      %gather3A_216 = tpu.vector_load_idx %arg14[%get3A_215] : memref<10240xf32, #tpu.memory_space<vmem>>[vector<16xi32>], vector<16xf32>,
      %swap3A_217 = arith.constant 2 : i32
      %swap3A_218 = arith.index_cast %swap3A_217 : i32 to index
      %swap3A_219 = arith.constant 16 : index
      %swap3A_220 = tpu.vector_load %arg19[%swap3A_218, %swap3A_219] {strides = array<i32>} : memref<4x128xf32, #tpu.memory_space<vmem>>, vector<16xf32>,
      tpu.vector_store %arg19[%swap3A_218, %swap3A_219], %gather3A_216 {strides = array<i32>} : memref<4x128xf32, #tpu.memory_space<vmem>>, vector<16xf32>,
      %get3A_221 = arith.constant 2 : i32
      %get3A_222 = arith.index_cast %get3A_221 : i32 to index
      %get3A_223 = arith.constant 32 : index
      %get3A_224 = tpu.vector_load %arg17[%get3A_222, %get3A_223] {strides = array<i32>} : memref<4x128xi32, #tpu.memory_space<vmem>>, vector<16xi32>,
      %gather3A_225 = tpu.vector_load_idx %arg14[%get3A_224] : memref<10240xf32, #tpu.memory_space<vmem>>[vector<16xi32>], vector<16xf32>,
      %swap3A_226 = arith.constant 2 : i32
      %swap3A_227 = arith.index_cast %swap3A_226 : i32 to index
      %swap3A_228 = arith.constant 32 : index
      %swap3A_229 = tpu.vector_load %arg19[%swap3A_227, %swap3A_228] {strides = array<i32>} : memref<4x128xf32, #tpu.memory_space<vmem>>, vector<16xf32>,
      tpu.vector_store %arg19[%swap3A_227, %swap3A_228], %gather3A_225 {strides = array<i32>} : memref<4x128xf32, #tpu.memory_space<vmem>>, vector<16xf32>,
      %get3A_230 = arith.constant 2 : i32
      %get3A_231 = arith.index_cast %get3A_230 : i32 to index
      %get3A_232 = arith.constant 48 : index
      %get3A_233 = tpu.vector_load %arg17[%get3A_231, %get3A_232] {strides = array<i32>} : memref<4x128xi32, #tpu.memory_space<vmem>>, vector<16xi32>,
      %gather3A_234 = tpu.vector_load_idx %arg14[%get3A_233] : memref<10240xf32, #tpu.memory_space<vmem>>[vector<16xi32>], vector<16xf32>,
      %swap3A_235 = arith.constant 2 : i32
      %swap3A_236 = arith.index_cast %swap3A_235 : i32 to index
      %swap3A_237 = arith.constant 48 : index
      %swap3A_238 = tpu.vector_load %arg19[%swap3A_236, %swap3A_237] {strides = array<i32>} : memref<4x128xf32, #tpu.memory_space<vmem>>, vector<16xf32>,
      tpu.vector_store %arg19[%swap3A_236, %swap3A_237], %gather3A_234 {strides = array<i32>} : memref<4x128xf32, #tpu.memory_space<vmem>>, vector<16xf32>,
      %get3A_239 = arith.constant 2 : i32
      %get3A_240 = arith.index_cast %get3A_239 : i32 to index
      %get3A_241 = arith.constant 64 : index
      %get3A_242 = tpu.vector_load %arg17[%get3A_240, %get3A_241] {strides = array<i32>} : memref<4x128xi32, #tpu.memory_space<vmem>>, vector<16xi32>,
      %gather3A_243 = tpu.vector_load_idx %arg14[%get3A_242] : memref<10240xf32, #tpu.memory_space<vmem>>[vector<16xi32>], vector<16xf32>,
      %swap3A_244 = arith.constant 2 : i32
      %swap3A_245 = arith.index_cast %swap3A_244 : i32 to index
      %swap3A_246 = arith.constant 64 : index
      %swap3A_247 = tpu.vector_load %arg19[%swap3A_245, %swap3A_246] {strides = array<i32>} : memref<4x128xf32, #tpu.memory_space<vmem>>, vector<16xf32>,
      tpu.vector_store %arg19[%swap3A_245, %swap3A_246], %gather3A_243 {strides = array<i32>} : memref<4x128xf32, #tpu.memory_space<vmem>>, vector<16xf32>,
      %get3A_248 = arith.constant 2 : i32
      %get3A_249 = arith.index_cast %get3A_248 : i32 to index
      %get3A_250 = arith.constant 80 : index
      %get3A_251 = tpu.vector_load %arg17[%get3A_249, %get3A_250] {strides = array<i32>} : memref<4x128xi32, #tpu.memory_space<vmem>>, vector<16xi32>,
      %gather3A_252 = tpu.vector_load_idx %arg14[%get3A_251] : memref<10240xf32, #tpu.memory_space<vmem>>[vector<16xi32>], vector<16xf32>,
      %swap3A_253 = arith.constant 2 : i32
      %swap3A_254 = arith.index_cast %swap3A_253 : i32 to index
      %swap3A_255 = arith.constant 80 : index
      %swap3A_256 = tpu.vector_load %arg19[%swap3A_254, %swap3A_255] {strides = array<i32>} : memref<4x128xf32, #tpu.memory_space<vmem>>, vector<16xf32>,
      tpu.vector_store %arg19[%swap3A_254, %swap3A_255], %gather3A_252 {strides = array<i32>} : memref<4x128xf32, #tpu.memory_space<vmem>>, vector<16xf32>,
      %get3A_257 = arith.constant 2 : i32
      %get3A_258 = arith.index_cast %get3A_257 : i32 to index
      %get3A_259 = arith.constant 96 : index
      %get3A_260 = tpu.vector_load %arg17[%get3A_258, %get3A_259] {strides = array<i32>} : memref<4x128xi32, #tpu.memory_space<vmem>>, vector<16xi32>,
      %gather3A_261 = tpu.vector_load_idx %arg14[%get3A_260] : memref<10240xf32, #tpu.memory_space<vmem>>[vector<16xi32>], vector<16xf32>,
      %swap3A_262 = arith.constant 2 : i32
      %swap3A_263 = arith.index_cast %swap3A_262 : i32 to index
      %swap3A_264 = arith.constant 96 : index
      %swap3A_265 = tpu.vector_load %arg19[%swap3A_263, %swap3A_264] {strides = array<i32>} : memref<4x128xf32, #tpu.memory_space<vmem>>, vector<16xf32>,
      tpu.vector_store %arg19[%swap3A_263, %swap3A_264], %gather3A_261 {strides = array<i32>} : memref<4x128xf32, #tpu.memory_space<vmem>>, vector<16xf32>,
      %get3A_266 = arith.constant 2 : i32
      %get3A_267 = arith.index_cast %get3A_266 : i32 to index
      %get3A_268 = arith.constant 112 : index
      %get3A_269 = tpu.vector_load %arg17[%get3A_267, %get3A_268] {strides = array<i32>} : memref<4x128xi32, #tpu.memory_space<vmem>>, vector<16xi32>,
      %gather3A_270 = tpu.vector_load_idx %arg14[%get3A_269] : memref<10240xf32, #tpu.memory_space<vmem>>[vector<16xi32>], vector<16xf32>,
      %swap3A_271 = arith.constant 2 : i32
      %swap3A_272 = arith.index_cast %swap3A_271 : i32 to index
      %swap3A_273 = arith.constant 112 : index
      %swap3A_274 = tpu.vector_load %arg19[%swap3A_272, %swap3A_273] {strides = array<i32>} : memref<4x128xf32, #tpu.memory_space<vmem>>, vector<16xf32>,
      tpu.vector_store %arg19[%swap3A_272, %swap3A_273], %gather3A_270 {strides = array<i32>} : memref<4x128xf32, #tpu.memory_space<vmem>>, vector<16xf32>,
    } else {
    }
    %mul3A_162 = arith.constant 512 : i32
    %mul3A_163 = arith.muli %arg1, %mul3A_162 : i32
    %add3A_164 = arith.constant 384 : i32
    %add3A_165 = arith.addi %mul3A_163, %add3A_164 : i32
    %dma_start3A_166 = arith.constant 3 : i32
    %dma_start3A_167 = arith.constant 0 : i32
    %dma_start3A_168 = arith.constant 0 : i32
    %dma_start3A_169 = arith.constant 0 : i32
    %dma_start3A_170 = tpu.memref_slice %arg13[%dma_start3A_167, %dma_start3A_168, %dma_start3A_169] : memref<2x128x64xf32, #tpu.memory_space<vmem>> -> memref<1x128x64xf32, #tpu.memory_space<vmem>>
    %dma_start3A_171 = tpu.memref_squeeze %dma_start3A_170 : memref<1x128x64xf32, #tpu.memory_space<vmem>> -> memref<128x64xf32, #tpu.memory_space<vmem>>
    %dma_start3A_172 = arith.constant 0 : i32
    %dma_start3A_173 = tpu.memref_slice %arg17[%dma_start3A_166, %dma_start3A_172] : memref<4x128xi32, #tpu.memory_space<vmem>> -> memref<1x128xi32, #tpu.memory_space<vmem>>
    %dma_start3A_174 = tpu.memref_squeeze %dma_start3A_173 : memref<1x128xi32, #tpu.memory_space<vmem>> -> memref<128xi32, #tpu.memory_space<vmem>>
    %dma_start3A_175 = arith.constant 0 : i32
    %dma_start3A_176 = arith.constant 0 : i32
    %dma_start3A_177 = tpu.memref_slice %arg15[%dma_start3A_175, %dma_start3A_176] : memref<10240x64xf32, #tpu.memory_space<vmem_shared>> -> memref<10240x64xf32, #tpu.memory_space<vmem_shared>>
    tpu.enqueue_indirect_dma source(%dma_start3A_177 : memref<10240x64xf32, #tpu.memory_space<vmem_shared>>) target(%dma_start3A_171 : memref<128x64xf32, #tpu.memory_space<vmem>>) offsets(%dma_start3A_174 : memref<128xi32, #tpu.memory_space<vmem>>) semaphore(%arg16 : memref<!tpu.dma_semaphore, #tpu.memory_space<semaphore_mem>>)
    %dma_wait3A_178 = arith.constant 3 : i32
    %dma_wait3A_179 = arith.constant 0 : i32
    %dma_wait3A_180 = arith.constant 0 : i32
    %dma_wait3A_181 = arith.constant 0 : i32
    %dma_wait3A_182 = tpu.memref_slice %arg13[%dma_wait3A_179, %dma_wait3A_180, %dma_wait3A_181] : memref<2x128x64xf32, #tpu.memory_space<vmem>> -> memref<1x128x64xf32, #tpu.memory_space<vmem>>
    %dma_wait3A_183 = tpu.memref_squeeze %dma_wait3A_182 : memref<1x128x64xf32, #tpu.memory_space<vmem>> -> memref<128x64xf32, #tpu.memory_space<vmem>>
    %dma_wait3A_184 = arith.constant 0 : i32
    %dma_wait3A_185 = tpu.memref_slice %arg17[%dma_wait3A_178, %dma_wait3A_184] : memref<4x128xi32, #tpu.memory_space<vmem>> -> memref<1x128xi32, #tpu.memory_space<vmem>>
    %dma_wait3A_186 = tpu.memref_squeeze %dma_wait3A_185 : memref<1x128xi32, #tpu.memory_space<vmem>> -> memref<128xi32, #tpu.memory_space<vmem>>
    %dma_wait3A_187 = arith.constant 0 : i32
    %dma_wait3A_188 = arith.constant 0 : i32
    %dma_wait3A_189 = tpu.memref_slice %arg15[%dma_wait3A_187, %dma_wait3A_188] : memref<10240x64xf32, #tpu.memory_space<vmem_shared>> -> memref<10240x64xf32, #tpu.memory_space<vmem_shared>>
    tpu.wait_indirect_dma semaphore(%arg16 : memref<!tpu.dma_semaphore, #tpu.memory_space<semaphore_mem>>) src(%dma_wait3A_189 : memref<10240x64xf32, #tpu.memory_space<vmem_shared>>) dst(%dma_wait3A_183 : memref<128x64xf32, #tpu.memory_space<vmem>>)
    %run_scoped3A_190 = arith.constant 0 : i32
    "tpu.region"() ({
      %run_scoped3A_206 = tpu.sem_alloc : memref<!tpu.dma_semaphore, #tpu.memory_space<semaphore_mem>>
      %dma_start3A_207 = arith.constant 0 : i32
      %dma_start3A_208 = arith.constant 0 : i32
      %dma_start3A_209 = tpu.memref_slice %arg13[%run_scoped3A_190, %dma_start3A_207, %dma_start3A_208] : memref<2x128x64xf32, #tpu.memory_space<vmem>> -> memref<1x128x64xf32, #tpu.memory_space<vmem>>
      %dma_start3A_210 = tpu.memref_squeeze %dma_start3A_209 : memref<1x128x64xf32, #tpu.memory_space<vmem>> -> memref<128x64xf32, #tpu.memory_space<vmem>>
      %dma_start3A_211 = arith.constant 0 : i32
      %dma_start3A_212 = tpu.memref_slice %arg8[%arg0, %add3A_165, %dma_start3A_211] : memref<2x8192x64xf32, #tpu.memory_space<hbm>> -> memref<1x128x64xf32, #tpu.memory_space<hbm>>
      %dma_start3A_213 = tpu.memref_squeeze %dma_start3A_212 : memref<1x128x64xf32, #tpu.memory_space<hbm>> -> memref<128x64xf32, #tpu.memory_space<hbm>>
      %dma_start3A_214 = arith.constant 0 : i32
      %dma_start3A_215 = tpu.memref_slice %arg8[%arg0, %add3A_165, %dma_start3A_214] : memref<2x8192x64xf32, #tpu.memory_space<hbm>> -> memref<1x128x64xf32, #tpu.memory_space<hbm>>
      %dma_start3A_216 = tpu.memref_squeeze %dma_start3A_215 : memref<1x128x64xf32, #tpu.memory_space<hbm>> -> memref<128x64xf32, #tpu.memory_space<hbm>>
      %dma_start3A_217 = arith.constant 0 : i32
      %dma_start3A_218 = arith.constant 0 : i32
      %dma_start3A_219 = tpu.memref_slice %arg13[%run_scoped3A_190, %dma_start3A_217, %dma_start3A_218] : memref<2x128x64xf32, #tpu.memory_space<vmem>> -> memref<1x128x64xf32, #tpu.memory_space<vmem>>
      %dma_start3A_220 = tpu.memref_squeeze %dma_start3A_219 : memref<1x128x64xf32, #tpu.memory_space<vmem>> -> memref<128x64xf32, #tpu.memory_space<vmem>>
      tpu.enqueue_dma source(%dma_start3A_220 : memref<128x64xf32, #tpu.memory_space<vmem>>) target(%dma_start3A_216 : memref<128x64xf32, #tpu.memory_space<hbm>>) target_semaphore(%run_scoped3A_206 : memref<!tpu.dma_semaphore, #tpu.memory_space<semaphore_mem>>)
      %dma_wait3A_221 = arith.constant 0 : i32
      %dma_wait3A_222 = arith.constant 0 : i32
      %dma_wait3A_223 = tpu.memref_slice %arg13[%run_scoped3A_190, %dma_wait3A_221, %dma_wait3A_222] : memref<2x128x64xf32, #tpu.memory_space<vmem>> -> memref<1x128x64xf32, #tpu.memory_space<vmem>>
      %dma_wait3A_224 = tpu.memref_squeeze %dma_wait3A_223 : memref<1x128x64xf32, #tpu.memory_space<vmem>> -> memref<128x64xf32, #tpu.memory_space<vmem>>
      %dma_wait3A_225 = arith.constant 0 : i32
      %dma_wait3A_226 = tpu.memref_slice %arg8[%arg0, %add3A_165, %dma_wait3A_225] : memref<2x8192x64xf32, #tpu.memory_space<hbm>> -> memref<1x128x64xf32, #tpu.memory_space<hbm>>
      %dma_wait3A_227 = tpu.memref_squeeze %dma_wait3A_226 : memref<1x128x64xf32, #tpu.memory_space<hbm>> -> memref<128x64xf32, #tpu.memory_space<hbm>>
      %dma_wait3A_228 = arith.constant 0 : i32
      %dma_wait3A_229 = tpu.memref_slice %arg8[%arg0, %add3A_165, %dma_wait3A_228] : memref<2x8192x64xf32, #tpu.memory_space<hbm>> -> memref<1x128x64xf32, #tpu.memory_space<hbm>>
      %dma_wait3A_230 = tpu.memref_squeeze %dma_wait3A_229 : memref<1x128x64xf32, #tpu.memory_space<hbm>> -> memref<128x64xf32, #tpu.memory_space<hbm>>
      %dma_wait3A_231 = arith.constant 0 : i32
      %dma_wait3A_232 = arith.constant 0 : i32
      %dma_wait3A_233 = tpu.memref_slice %arg13[%run_scoped3A_190, %dma_wait3A_231, %dma_wait3A_232] : memref<2x128x64xf32, #tpu.memory_space<vmem>> -> memref<1x128x64xf32, #tpu.memory_space<vmem>>
      %dma_wait3A_234 = tpu.memref_squeeze %dma_wait3A_233 : memref<1x128x64xf32, #tpu.memory_space<vmem>> -> memref<128x64xf32, #tpu.memory_space<vmem>>
      tpu.wait_dma2 semaphore(%run_scoped3A_206 : memref<!tpu.dma_semaphore, #tpu.memory_space<semaphore_mem>>) src(%dma_wait3A_234 : memref<128x64xf32, #tpu.memory_space<vmem>>) dst(%dma_wait3A_230 : memref<128x64xf32, #tpu.memory_space<hbm>>)
      tpu.yield
    }) : () -> ()
    %eq3A_191 = arith.constant 0 : i32
    %eq3A_192 = arith.cmpi eq, %arg0, %eq3A_191 : i32
    %convert_element_type3A_193 = arith.extui %eq3A_192 : i1 to i32
    %cond3A_194 = arith.constant 0 : i32
    %cond3A_195 = arith.cmpi ne, %convert_element_type3A_193, %cond3A_194 : i32
    scf.if %cond3A_195 {
      %dma_start3A_206 = arith.constant 3 : i32
      %dma_start3A_207 = arith.constant 0 : i32
      %dma_start3A_208 = tpu.memref_slice %arg17[%dma_start3A_206, %dma_start3A_207] : memref<4x128xi32, #tpu.memory_space<vmem>> -> memref<1x128xi32, #tpu.memory_space<vmem>>
      %dma_start3A_209 = tpu.memref_squeeze %dma_start3A_208 : memref<1x128xi32, #tpu.memory_space<vmem>> -> memref<128xi32, #tpu.memory_space<vmem>>
      %dma_start3A_210 = arith.constant 0 : i32
      %dma_start3A_211 = arith.constant 0 : i32
      %dma_start3A_212 = tpu.memref_slice %arg5[%dma_start3A_210, %dma_start3A_211] : memref<10000x128xf32, #tpu.memory_space<hbm>> -> memref<10000x128xf32, #tpu.memory_space<hbm>>
      tpu.enqueue_indirect_dma source(%dma_start3A_212 : memref<10000x128xf32, #tpu.memory_space<hbm>>) target(%arg18 : memref<128x128xf32, #tpu.memory_space<vmem>>) offsets(%dma_start3A_209 : memref<128xi32, #tpu.memory_space<vmem>>) semaphore(%arg16 : memref<!tpu.dma_semaphore, #tpu.memory_space<semaphore_mem>>)
      %dma_wait3A_213 = arith.constant 3 : i32
      %dma_wait3A_214 = arith.constant 0 : i32
      %dma_wait3A_215 = tpu.memref_slice %arg17[%dma_wait3A_213, %dma_wait3A_214] : memref<4x128xi32, #tpu.memory_space<vmem>> -> memref<1x128xi32, #tpu.memory_space<vmem>>
      %dma_wait3A_216 = tpu.memref_squeeze %dma_wait3A_215 : memref<1x128xi32, #tpu.memory_space<vmem>> -> memref<128xi32, #tpu.memory_space<vmem>>
      %dma_wait3A_217 = arith.constant 0 : i32
      %dma_wait3A_218 = arith.constant 0 : i32
      %dma_wait3A_219 = tpu.memref_slice %arg5[%dma_wait3A_217, %dma_wait3A_218] : memref<10000x128xf32, #tpu.memory_space<hbm>> -> memref<10000x128xf32, #tpu.memory_space<hbm>>
      tpu.wait_indirect_dma semaphore(%arg16 : memref<!tpu.dma_semaphore, #tpu.memory_space<semaphore_mem>>) src(%dma_wait3A_219 : memref<10000x128xf32, #tpu.memory_space<hbm>>) dst(%arg18 : memref<128x128xf32, #tpu.memory_space<vmem>>)
      "tpu.region"() ({
        %run_scoped3A_220 = tpu.sem_alloc : memref<!tpu.dma_semaphore, #tpu.memory_space<semaphore_mem>>
        %dma_start3A_221 = arith.constant 0 : i32
        %dma_start3A_222 = tpu.memref_slice %arg9[%add3A_165, %dma_start3A_221] : memref<8192x128xf32, #tpu.memory_space<hbm>> -> memref<128x128xf32, #tpu.memory_space<hbm>>
        %dma_start3A_223 = arith.constant 0 : i32
        %dma_start3A_224 = tpu.memref_slice %arg9[%add3A_165, %dma_start3A_223] : memref<8192x128xf32, #tpu.memory_space<hbm>> -> memref<128x128xf32, #tpu.memory_space<hbm>>
        tpu.enqueue_dma source(%arg18 : memref<128x128xf32, #tpu.memory_space<vmem>>) target(%dma_start3A_224 : memref<128x128xf32, #tpu.memory_space<hbm>>) target_semaphore(%run_scoped3A_220 : memref<!tpu.dma_semaphore, #tpu.memory_space<semaphore_mem>>)
        %dma_wait3A_225 = arith.constant 0 : i32
        %dma_wait3A_226 = tpu.memref_slice %arg9[%add3A_165, %dma_wait3A_225] : memref<8192x128xf32, #tpu.memory_space<hbm>> -> memref<128x128xf32, #tpu.memory_space<hbm>>
        %dma_wait3A_227 = arith.constant 0 : i32
        %dma_wait3A_228 = tpu.memref_slice %arg9[%add3A_165, %dma_wait3A_227] : memref<8192x128xf32, #tpu.memory_space<hbm>> -> memref<128x128xf32, #tpu.memory_space<hbm>>
        tpu.wait_dma2 semaphore(%run_scoped3A_220 : memref<!tpu.dma_semaphore, #tpu.memory_space<semaphore_mem>>) src(%arg18 : memref<128x128xf32, #tpu.memory_space<vmem>>) dst(%dma_wait3A_228 : memref<128x128xf32, #tpu.memory_space<hbm>>)
        tpu.yield
      }) : () -> ()
    } else {
    }
    %eq3A_196 = arith.constant 1 : i32
    %eq3A_197 = arith.cmpi eq, %arg0, %eq3A_196 : i32
    %convert_element_type3A_198 = arith.extui %eq3A_197 : i1 to i32
    %cond3A_199 = arith.constant 0 : i32
    %cond3A_200 = arith.cmpi ne, %convert_element_type3A_198, %cond3A_199 : i32
    scf.if %cond3A_200 {
      %get3A = arith.constant 3 : i32
      %get3A_206 = arith.index_cast %get3A : i32 to index
      %get3A_207 = arith.constant 0 : index
      %get3A_208 = tpu.vector_load %arg17[%get3A_206, %get3A_207] {strides = array<i32>} : memref<4x128xi32, #tpu.memory_space<vmem>>, vector<16xi32>,
      %gather3A = tpu.vector_load_idx %arg14[%get3A_208] : memref<10240xf32, #tpu.memory_space<vmem>>[vector<16xi32>], vector<16xf32>,
      %swap3A = arith.constant 3 : i32
      %swap3A_209 = arith.index_cast %swap3A : i32 to index
      %swap3A_210 = arith.constant 0 : index
      %swap3A_211 = tpu.vector_load %arg19[%swap3A_209, %swap3A_210] {strides = array<i32>} : memref<4x128xf32, #tpu.memory_space<vmem>>, vector<16xf32>,
      tpu.vector_store %arg19[%swap3A_209, %swap3A_210], %gather3A {strides = array<i32>} : memref<4x128xf32, #tpu.memory_space<vmem>>, vector<16xf32>,
      %get3A_212 = arith.constant 3 : i32
      %get3A_213 = arith.index_cast %get3A_212 : i32 to index
      %get3A_214 = arith.constant 16 : index
      %get3A_215 = tpu.vector_load %arg17[%get3A_213, %get3A_214] {strides = array<i32>} : memref<4x128xi32, #tpu.memory_space<vmem>>, vector<16xi32>,
      %gather3A_216 = tpu.vector_load_idx %arg14[%get3A_215] : memref<10240xf32, #tpu.memory_space<vmem>>[vector<16xi32>], vector<16xf32>,
      %swap3A_217 = arith.constant 3 : i32
      %swap3A_218 = arith.index_cast %swap3A_217 : i32 to index
      %swap3A_219 = arith.constant 16 : index
      %swap3A_220 = tpu.vector_load %arg19[%swap3A_218, %swap3A_219] {strides = array<i32>} : memref<4x128xf32, #tpu.memory_space<vmem>>, vector<16xf32>,
      tpu.vector_store %arg19[%swap3A_218, %swap3A_219], %gather3A_216 {strides = array<i32>} : memref<4x128xf32, #tpu.memory_space<vmem>>, vector<16xf32>,
      %get3A_221 = arith.constant 3 : i32
      %get3A_222 = arith.index_cast %get3A_221 : i32 to index
      %get3A_223 = arith.constant 32 : index
      %get3A_224 = tpu.vector_load %arg17[%get3A_222, %get3A_223] {strides = array<i32>} : memref<4x128xi32, #tpu.memory_space<vmem>>, vector<16xi32>,
      %gather3A_225 = tpu.vector_load_idx %arg14[%get3A_224] : memref<10240xf32, #tpu.memory_space<vmem>>[vector<16xi32>], vector<16xf32>,
      %swap3A_226 = arith.constant 3 : i32
      %swap3A_227 = arith.index_cast %swap3A_226 : i32 to index
      %swap3A_228 = arith.constant 32 : index
      %swap3A_229 = tpu.vector_load %arg19[%swap3A_227, %swap3A_228] {strides = array<i32>} : memref<4x128xf32, #tpu.memory_space<vmem>>, vector<16xf32>,
      tpu.vector_store %arg19[%swap3A_227, %swap3A_228], %gather3A_225 {strides = array<i32>} : memref<4x128xf32, #tpu.memory_space<vmem>>, vector<16xf32>,
      %get3A_230 = arith.constant 3 : i32
      %get3A_231 = arith.index_cast %get3A_230 : i32 to index
      %get3A_232 = arith.constant 48 : index
      %get3A_233 = tpu.vector_load %arg17[%get3A_231, %get3A_232] {strides = array<i32>} : memref<4x128xi32, #tpu.memory_space<vmem>>, vector<16xi32>,
      %gather3A_234 = tpu.vector_load_idx %arg14[%get3A_233] : memref<10240xf32, #tpu.memory_space<vmem>>[vector<16xi32>], vector<16xf32>,
      %swap3A_235 = arith.constant 3 : i32
      %swap3A_236 = arith.index_cast %swap3A_235 : i32 to index
      %swap3A_237 = arith.constant 48 : index
      %swap3A_238 = tpu.vector_load %arg19[%swap3A_236, %swap3A_237] {strides = array<i32>} : memref<4x128xf32, #tpu.memory_space<vmem>>, vector<16xf32>,
      tpu.vector_store %arg19[%swap3A_236, %swap3A_237], %gather3A_234 {strides = array<i32>} : memref<4x128xf32, #tpu.memory_space<vmem>>, vector<16xf32>,
      %get3A_239 = arith.constant 3 : i32
      %get3A_240 = arith.index_cast %get3A_239 : i32 to index
      %get3A_241 = arith.constant 64 : index
      %get3A_242 = tpu.vector_load %arg17[%get3A_240, %get3A_241] {strides = array<i32>} : memref<4x128xi32, #tpu.memory_space<vmem>>, vector<16xi32>,
      %gather3A_243 = tpu.vector_load_idx %arg14[%get3A_242] : memref<10240xf32, #tpu.memory_space<vmem>>[vector<16xi32>], vector<16xf32>,
      %swap3A_244 = arith.constant 3 : i32
      %swap3A_245 = arith.index_cast %swap3A_244 : i32 to index
      %swap3A_246 = arith.constant 64 : index
      %swap3A_247 = tpu.vector_load %arg19[%swap3A_245, %swap3A_246] {strides = array<i32>} : memref<4x128xf32, #tpu.memory_space<vmem>>, vector<16xf32>,
      tpu.vector_store %arg19[%swap3A_245, %swap3A_246], %gather3A_243 {strides = array<i32>} : memref<4x128xf32, #tpu.memory_space<vmem>>, vector<16xf32>,
      %get3A_248 = arith.constant 3 : i32
      %get3A_249 = arith.index_cast %get3A_248 : i32 to index
      %get3A_250 = arith.constant 80 : index
      %get3A_251 = tpu.vector_load %arg17[%get3A_249, %get3A_250] {strides = array<i32>} : memref<4x128xi32, #tpu.memory_space<vmem>>, vector<16xi32>,
      %gather3A_252 = tpu.vector_load_idx %arg14[%get3A_251] : memref<10240xf32, #tpu.memory_space<vmem>>[vector<16xi32>], vector<16xf32>,
      %swap3A_253 = arith.constant 3 : i32
      %swap3A_254 = arith.index_cast %swap3A_253 : i32 to index
      %swap3A_255 = arith.constant 80 : index
      %swap3A_256 = tpu.vector_load %arg19[%swap3A_254, %swap3A_255] {strides = array<i32>} : memref<4x128xf32, #tpu.memory_space<vmem>>, vector<16xf32>,
      tpu.vector_store %arg19[%swap3A_254, %swap3A_255], %gather3A_252 {strides = array<i32>} : memref<4x128xf32, #tpu.memory_space<vmem>>, vector<16xf32>,
      %get3A_257 = arith.constant 3 : i32
      %get3A_258 = arith.index_cast %get3A_257 : i32 to index
      %get3A_259 = arith.constant 96 : index
      %get3A_260 = tpu.vector_load %arg17[%get3A_258, %get3A_259] {strides = array<i32>} : memref<4x128xi32, #tpu.memory_space<vmem>>, vector<16xi32>,
      %gather3A_261 = tpu.vector_load_idx %arg14[%get3A_260] : memref<10240xf32, #tpu.memory_space<vmem>>[vector<16xi32>], vector<16xf32>,
      %swap3A_262 = arith.constant 3 : i32
      %swap3A_263 = arith.index_cast %swap3A_262 : i32 to index
      %swap3A_264 = arith.constant 96 : index
      %swap3A_265 = tpu.vector_load %arg19[%swap3A_263, %swap3A_264] {strides = array<i32>} : memref<4x128xf32, #tpu.memory_space<vmem>>, vector<16xf32>,
      tpu.vector_store %arg19[%swap3A_263, %swap3A_264], %gather3A_261 {strides = array<i32>} : memref<4x128xf32, #tpu.memory_space<vmem>>, vector<16xf32>,
      %get3A_266 = arith.constant 3 : i32
      %get3A_267 = arith.index_cast %get3A_266 : i32 to index
      %get3A_268 = arith.constant 112 : index
      %get3A_269 = tpu.vector_load %arg17[%get3A_267, %get3A_268] {strides = array<i32>} : memref<4x128xi32, #tpu.memory_space<vmem>>, vector<16xi32>,
      %gather3A_270 = tpu.vector_load_idx %arg14[%get3A_269] : memref<10240xf32, #tpu.memory_space<vmem>>[vector<16xi32>], vector<16xf32>,
      %swap3A_271 = arith.constant 3 : i32
      %swap3A_272 = arith.index_cast %swap3A_271 : i32 to index
      %swap3A_273 = arith.constant 112 : index
      %swap3A_274 = tpu.vector_load %arg19[%swap3A_272, %swap3A_273] {strides = array<i32>} : memref<4x128xf32, #tpu.memory_space<vmem>>, vector<16xf32>,
      tpu.vector_store %arg19[%swap3A_272, %swap3A_273], %gather3A_270 {strides = array<i32>} : memref<4x128xf32, #tpu.memory_space<vmem>>, vector<16xf32>,
    } else {
    }
    %eq3A_201 = arith.constant 1 : i32
    %eq3A_202 = arith.cmpi eq, %arg0, %eq3A_201 : i32
    %convert_element_type3A_203 = arith.extui %eq3A_202 : i1 to i32
    %cond3A_204 = arith.constant 0 : i32
    %cond3A_205 = arith.cmpi ne, %convert_element_type3A_203, %cond3A_204 : i32
    scf.if %cond3A_205 {
      "tpu.region"() ({
        %run_scoped3A_206 = tpu.sem_alloc : memref<!tpu.dma_semaphore, #tpu.memory_space<semaphore_mem>>
        %dma_start3A_207 = arith.constant 0 : i32
        %dma_start3A_208 = arith.constant 0 : i32
        %dma_start3A_209 = tpu.memref_slice %arg10[%arg1, %dma_start3A_207, %dma_start3A_208] : memref<16x4x128xf32, #tpu.memory_space<hbm>> -> memref<1x4x128xf32, #tpu.memory_space<hbm>>
        %dma_start3A_210 = tpu.memref_squeeze %dma_start3A_209 : memref<1x4x128xf32, #tpu.memory_space<hbm>> -> memref<4x128xf32, #tpu.memory_space<hbm>>
        %dma_start3A_211 = arith.constant 0 : i32
        %dma_start3A_212 = arith.constant 0 : i32
        %dma_start3A_213 = tpu.memref_slice %arg10[%arg1, %dma_start3A_211, %dma_start3A_212] : memref<16x4x128xf32, #tpu.memory_space<hbm>> -> memref<1x4x128xf32, #tpu.memory_space<hbm>>
        %dma_start3A_214 = tpu.memref_squeeze %dma_start3A_213 : memref<1x4x128xf32, #tpu.memory_space<hbm>> -> memref<4x128xf32, #tpu.memory_space<hbm>>
        tpu.enqueue_dma source(%arg19 : memref<4x128xf32, #tpu.memory_space<vmem>>) target(%dma_start3A_214 : memref<4x128xf32, #tpu.memory_space<hbm>>) target_semaphore(%run_scoped3A_206 : memref<!tpu.dma_semaphore, #tpu.memory_space<semaphore_mem>>)
        %dma_wait3A_215 = arith.constant 0 : i32
        %dma_wait3A_216 = arith.constant 0 : i32
        %dma_wait3A_217 = tpu.memref_slice %arg10[%arg1, %dma_wait3A_215, %dma_wait3A_216] : memref<16x4x128xf32, #tpu.memory_space<hbm>> -> memref<1x4x128xf32, #tpu.memory_space<hbm>>
        %dma_wait3A_218 = tpu.memref_squeeze %dma_wait3A_217 : memref<1x4x128xf32, #tpu.memory_space<hbm>> -> memref<4x128xf32, #tpu.memory_space<hbm>>
        %dma_wait3A_219 = arith.constant 0 : i32
        %dma_wait3A_220 = arith.constant 0 : i32
        %dma_wait3A_221 = tpu.memref_slice %arg10[%arg1, %dma_wait3A_219, %dma_wait3A_220] : memref<16x4x128xf32, #tpu.memory_space<hbm>> -> memref<1x4x128xf32, #tpu.memory_space<hbm>>
        %dma_wait3A_222 = tpu.memref_squeeze %dma_wait3A_221 : memref<1x4x128xf32, #tpu.memory_space<hbm>> -> memref<4x128xf32, #tpu.memory_space<hbm>>
        tpu.wait_dma2 semaphore(%run_scoped3A_206 : memref<!tpu.dma_semaphore, #tpu.memory_space<semaphore_mem>>) src(%arg19 : memref<4x128xf32, #tpu.memory_space<vmem>>) dst(%dma_wait3A_222 : memref<4x128xf32, #tpu.memory_space<hbm>>)
        tpu.yield
      }) : () -> ()
    } else {
    }
    return
  }
}

#map = affine_map<(d0, d1) -> (0, 0, 0)>
#map1 = affine_map<(d0, d1) -> (0, 0)>
module attributes {stable_mosaic.version = 14 : i64} {
  func.func @body(%arg0: i32, %arg1: i32, %arg2: memref<2x81920x64xf32, #tpu.memory_space<hbm>>, %arg3: memref<16x157x128xi32, #tpu.memory_space<hbm>>, %arg4: memref<16x157x128xi32, #tpu.memory_space<hbm>>, %arg5: memref<2x10240x64xf32, #tpu.memory_space<hbm>>, %arg6: memref<16x10240xf32, #tpu.memory_space<hbm>>, %arg7: memref<157x128xi32, #tpu.memory_space<vmem>>, %arg8: memref<157x128xi32, #tpu.memory_space<vmem>>, %arg9: memref<2x128x64xf32, #tpu.memory_space<vmem>>, %arg10: memref<10240xf32, #tpu.memory_space<vmem>>, %arg11: memref<10240x64xf32, #tpu.memory_space<vmem_shared>>, %arg12: memref<!tpu.dma_semaphore, #tpu.memory_space<semaphore_mem>>) attributes {dimension_semantics = [#tpu.dimension_semantics<core_parallel>, #tpu.dimension_semantics<subcore_parallel>], iteration_bounds = array<i64: 2, 16>, scalar_prefetch = 0 : i64, scratch_operands = 6 : i64, tpu.core_type = #tpu.core_type<sc_vector_subcore>, window_params = [{transform_indices = #map}, {transform_indices = #map}, {transform_indices = #map}, {transform_indices = #map}, {transform_indices = #map1}]} {
    "tpu.region"() ({
      %run_scoped3A_61 = tpu.sem_alloc : memref<!tpu.dma_semaphore, #tpu.memory_space<semaphore_mem>>
      %dma_start3A_62 = arith.constant 0 : i32
      %dma_start3A_63 = arith.constant 0 : i32
      %dma_start3A_64 = tpu.memref_slice %arg3[%arg1, %dma_start3A_62, %dma_start3A_63] : memref<16x157x128xi32, #tpu.memory_space<hbm>> -> memref<1x157x128xi32, #tpu.memory_space<hbm>>
      %dma_start3A_65 = tpu.memref_squeeze %dma_start3A_64 : memref<1x157x128xi32, #tpu.memory_space<hbm>> -> memref<157x128xi32, #tpu.memory_space<hbm>>
      %dma_start3A_66 = arith.constant 0 : i32
      %dma_start3A_67 = arith.constant 0 : i32
      %dma_start3A_68 = tpu.memref_slice %arg3[%arg1, %dma_start3A_66, %dma_start3A_67] : memref<16x157x128xi32, #tpu.memory_space<hbm>> -> memref<1x157x128xi32, #tpu.memory_space<hbm>>
      %dma_start3A_69 = tpu.memref_squeeze %dma_start3A_68 : memref<1x157x128xi32, #tpu.memory_space<hbm>> -> memref<157x128xi32, #tpu.memory_space<hbm>>
      tpu.enqueue_dma source(%dma_start3A_69 : memref<157x128xi32, #tpu.memory_space<hbm>>) target(%arg7 : memref<157x128xi32, #tpu.memory_space<vmem>>) target_semaphore(%run_scoped3A_61 : memref<!tpu.dma_semaphore, #tpu.memory_space<semaphore_mem>>)
      %dma_wait3A = arith.constant 0 : i32
      %dma_wait3A_70 = arith.constant 0 : i32
      %dma_wait3A_71 = tpu.memref_slice %arg3[%arg1, %dma_wait3A, %dma_wait3A_70] : memref<16x157x128xi32, #tpu.memory_space<hbm>> -> memref<1x157x128xi32, #tpu.memory_space<hbm>>
      %dma_wait3A_72 = tpu.memref_squeeze %dma_wait3A_71 : memref<1x157x128xi32, #tpu.memory_space<hbm>> -> memref<157x128xi32, #tpu.memory_space<hbm>>
      %dma_wait3A_73 = arith.constant 0 : i32
      %dma_wait3A_74 = arith.constant 0 : i32
      %dma_wait3A_75 = tpu.memref_slice %arg3[%arg1, %dma_wait3A_73, %dma_wait3A_74] : memref<16x157x128xi32, #tpu.memory_space<hbm>> -> memref<1x157x128xi32, #tpu.memory_space<hbm>>
      %dma_wait3A_76 = tpu.memref_squeeze %dma_wait3A_75 : memref<1x157x128xi32, #tpu.memory_space<hbm>> -> memref<157x128xi32, #tpu.memory_space<hbm>>
      tpu.wait_dma2 semaphore(%run_scoped3A_61 : memref<!tpu.dma_semaphore, #tpu.memory_space<semaphore_mem>>) src(%dma_wait3A_76 : memref<157x128xi32, #tpu.memory_space<hbm>>) dst(%arg7 : memref<157x128xi32, #tpu.memory_space<vmem>>)
      tpu.yield
    }) : () -> ()
    "tpu.region"() ({
      %run_scoped3A_61 = tpu.sem_alloc : memref<!tpu.dma_semaphore, #tpu.memory_space<semaphore_mem>>
      %dma_start3A_62 = arith.constant 0 : i32
      %dma_start3A_63 = arith.constant 0 : i32
      %dma_start3A_64 = tpu.memref_slice %arg4[%arg1, %dma_start3A_62, %dma_start3A_63] : memref<16x157x128xi32, #tpu.memory_space<hbm>> -> memref<1x157x128xi32, #tpu.memory_space<hbm>>
      %dma_start3A_65 = tpu.memref_squeeze %dma_start3A_64 : memref<1x157x128xi32, #tpu.memory_space<hbm>> -> memref<157x128xi32, #tpu.memory_space<hbm>>
      %dma_start3A_66 = arith.constant 0 : i32
      %dma_start3A_67 = arith.constant 0 : i32
      %dma_start3A_68 = tpu.memref_slice %arg4[%arg1, %dma_start3A_66, %dma_start3A_67] : memref<16x157x128xi32, #tpu.memory_space<hbm>> -> memref<1x157x128xi32, #tpu.memory_space<hbm>>
      %dma_start3A_69 = tpu.memref_squeeze %dma_start3A_68 : memref<1x157x128xi32, #tpu.memory_space<hbm>> -> memref<157x128xi32, #tpu.memory_space<hbm>>
      tpu.enqueue_dma source(%dma_start3A_69 : memref<157x128xi32, #tpu.memory_space<hbm>>) target(%arg8 : memref<157x128xi32, #tpu.memory_space<vmem>>) target_semaphore(%run_scoped3A_61 : memref<!tpu.dma_semaphore, #tpu.memory_space<semaphore_mem>>)
      %dma_wait3A = arith.constant 0 : i32
      %dma_wait3A_70 = arith.constant 0 : i32
      %dma_wait3A_71 = tpu.memref_slice %arg4[%arg1, %dma_wait3A, %dma_wait3A_70] : memref<16x157x128xi32, #tpu.memory_space<hbm>> -> memref<1x157x128xi32, #tpu.memory_space<hbm>>
      %dma_wait3A_72 = tpu.memref_squeeze %dma_wait3A_71 : memref<1x157x128xi32, #tpu.memory_space<hbm>> -> memref<157x128xi32, #tpu.memory_space<hbm>>
      %dma_wait3A_73 = arith.constant 0 : i32
      %dma_wait3A_74 = arith.constant 0 : i32
      %dma_wait3A_75 = tpu.memref_slice %arg4[%arg1, %dma_wait3A_73, %dma_wait3A_74] : memref<16x157x128xi32, #tpu.memory_space<hbm>> -> memref<1x157x128xi32, #tpu.memory_space<hbm>>
      %dma_wait3A_76 = tpu.memref_squeeze %dma_wait3A_75 : memref<1x157x128xi32, #tpu.memory_space<hbm>> -> memref<157x128xi32, #tpu.memory_space<hbm>>
      tpu.wait_dma2 semaphore(%run_scoped3A_61 : memref<!tpu.dma_semaphore, #tpu.memory_space<semaphore_mem>>) src(%dma_wait3A_76 : memref<157x128xi32, #tpu.memory_space<hbm>>) dst(%arg8 : memref<157x128xi32, #tpu.memory_space<vmem>>)
      tpu.yield
    }) : () -> ()
    %broadcast_in_dim3A = arith.constant 0.000000e+00 : f32
    %broadcast_in_dim3A_0 = vector.broadcast %broadcast_in_dim3A : f32 to vector<16xf32>
    %scan3A = arith.constant 0 : i32
    %scan3A_1 = arith.constant 0 : i32
    %scan3A_2 = arith.constant 128 : i32
    %scan3A_3 = arith.addi %scan3A_1, %scan3A_2 : i32
    %scan3A_4 = arith.constant 1 : i32
    scf.for %scan3A_61 = %scan3A_1 to %scan3A_3 step %scan3A_4  : i32 {
      %swap3A = arith.constant 0 : i32
      %swap3A_62 = arith.index_cast %swap3A : i32 to index
      %swap3A_63 = arith.index_cast %scan3A_61 : i32 to index
      %swap3A_64 = arith.constant 0 : index
      %swap3A_65 = tpu.vector_load %arg9[%swap3A_62, %swap3A_63, %swap3A_64] {strides = array<i32>} : memref<2x128x64xf32, #tpu.memory_space<vmem>>, vector<16xf32>,
      tpu.vector_store %arg9[%swap3A_62, %swap3A_63, %swap3A_64], %broadcast_in_dim3A_0 {strides = array<i32>} : memref<2x128x64xf32, #tpu.memory_space<vmem>>, vector<16xf32>,
      %swap3A_66 = arith.constant 0 : i32
      %swap3A_67 = arith.index_cast %swap3A_66 : i32 to index
      %swap3A_68 = arith.index_cast %scan3A_61 : i32 to index
      %swap3A_69 = arith.constant 16 : index
      %swap3A_70 = tpu.vector_load %arg9[%swap3A_67, %swap3A_68, %swap3A_69] {strides = array<i32>} : memref<2x128x64xf32, #tpu.memory_space<vmem>>, vector<16xf32>,
      tpu.vector_store %arg9[%swap3A_67, %swap3A_68, %swap3A_69], %broadcast_in_dim3A_0 {strides = array<i32>} : memref<2x128x64xf32, #tpu.memory_space<vmem>>, vector<16xf32>,
      %swap3A_71 = arith.constant 0 : i32
      %swap3A_72 = arith.index_cast %swap3A_71 : i32 to index
      %swap3A_73 = arith.index_cast %scan3A_61 : i32 to index
      %swap3A_74 = arith.constant 32 : index
      %swap3A_75 = tpu.vector_load %arg9[%swap3A_72, %swap3A_73, %swap3A_74] {strides = array<i32>} : memref<2x128x64xf32, #tpu.memory_space<vmem>>, vector<16xf32>,
      tpu.vector_store %arg9[%swap3A_72, %swap3A_73, %swap3A_74], %broadcast_in_dim3A_0 {strides = array<i32>} : memref<2x128x64xf32, #tpu.memory_space<vmem>>, vector<16xf32>,
      %swap3A_76 = arith.constant 0 : i32
      %swap3A_77 = arith.index_cast %swap3A_76 : i32 to index
      %swap3A_78 = arith.index_cast %scan3A_61 : i32 to index
      %swap3A_79 = arith.constant 48 : index
      %swap3A_80 = tpu.vector_load %arg9[%swap3A_77, %swap3A_78, %swap3A_79] {strides = array<i32>} : memref<2x128x64xf32, #tpu.memory_space<vmem>>, vector<16xf32>,
      tpu.vector_store %arg9[%swap3A_77, %swap3A_78, %swap3A_79], %broadcast_in_dim3A_0 {strides = array<i32>} : memref<2x128x64xf32, #tpu.memory_space<vmem>>, vector<16xf32>,
    }
    %scan3A_5 = arith.constant 128 : i32
    %mul3A = arith.constant 640 : i32
    %mul3A_6 = arith.muli %arg1, %mul3A : i32
    %add3A = arith.constant 0 : i32
    %add3A_7 = arith.addi %mul3A_6, %add3A : i32
    %run_scoped3A = arith.constant 0 : i32
    "tpu.region"() ({
      %run_scoped3A_61 = tpu.sem_alloc : memref<!tpu.dma_semaphore, #tpu.memory_space<semaphore_mem>>
      %dma_start3A_62 = arith.constant 0 : i32
      %dma_start3A_63 = arith.constant 0 : i32
      %dma_start3A_64 = tpu.memref_slice %arg9[%run_scoped3A, %dma_start3A_62, %dma_start3A_63] : memref<2x128x64xf32, #tpu.memory_space<vmem>> -> memref<1x128x64xf32, #tpu.memory_space<vmem>>
      %dma_start3A_65 = tpu.memref_squeeze %dma_start3A_64 : memref<1x128x64xf32, #tpu.memory_space<vmem>> -> memref<128x64xf32, #tpu.memory_space<vmem>>
      %dma_start3A_66 = arith.constant 0 : i32
      %dma_start3A_67 = tpu.memref_slice %arg11[%add3A_7, %dma_start3A_66] : memref<10240x64xf32, #tpu.memory_space<vmem_shared>> -> memref<128x64xf32, #tpu.memory_space<vmem_shared>>
      %dma_start3A_68 = arith.constant 0 : i32
      %dma_start3A_69 = tpu.memref_slice %arg11[%add3A_7, %dma_start3A_68] : memref<10240x64xf32, #tpu.memory_space<vmem_shared>> -> memref<128x64xf32, #tpu.memory_space<vmem_shared>>
      %dma_start3A_70 = arith.constant 0 : i32
      %dma_start3A_71 = arith.constant 0 : i32
      %dma_start3A_72 = tpu.memref_slice %arg9[%run_scoped3A, %dma_start3A_70, %dma_start3A_71] : memref<2x128x64xf32, #tpu.memory_space<vmem>> -> memref<1x128x64xf32, #tpu.memory_space<vmem>>
      %dma_start3A_73 = tpu.memref_squeeze %dma_start3A_72 : memref<1x128x64xf32, #tpu.memory_space<vmem>> -> memref<128x64xf32, #tpu.memory_space<vmem>>
      tpu.enqueue_dma source(%dma_start3A_73 : memref<128x64xf32, #tpu.memory_space<vmem>>) target(%dma_start3A_69 : memref<128x64xf32, #tpu.memory_space<vmem_shared>>) target_semaphore(%run_scoped3A_61 : memref<!tpu.dma_semaphore, #tpu.memory_space<semaphore_mem>>)
      %dma_wait3A = arith.constant 0 : i32
      %dma_wait3A_74 = arith.constant 0 : i32
      %dma_wait3A_75 = tpu.memref_slice %arg9[%run_scoped3A, %dma_wait3A, %dma_wait3A_74] : memref<2x128x64xf32, #tpu.memory_space<vmem>> -> memref<1x128x64xf32, #tpu.memory_space<vmem>>
      %dma_wait3A_76 = tpu.memref_squeeze %dma_wait3A_75 : memref<1x128x64xf32, #tpu.memory_space<vmem>> -> memref<128x64xf32, #tpu.memory_space<vmem>>
      %dma_wait3A_77 = arith.constant 0 : i32
      %dma_wait3A_78 = tpu.memref_slice %arg11[%add3A_7, %dma_wait3A_77] : memref<10240x64xf32, #tpu.memory_space<vmem_shared>> -> memref<128x64xf32, #tpu.memory_space<vmem_shared>>
      %dma_wait3A_79 = arith.constant 0 : i32
      %dma_wait3A_80 = tpu.memref_slice %arg11[%add3A_7, %dma_wait3A_79] : memref<10240x64xf32, #tpu.memory_space<vmem_shared>> -> memref<128x64xf32, #tpu.memory_space<vmem_shared>>
      %dma_wait3A_81 = arith.constant 0 : i32
      %dma_wait3A_82 = arith.constant 0 : i32
      %dma_wait3A_83 = tpu.memref_slice %arg9[%run_scoped3A, %dma_wait3A_81, %dma_wait3A_82] : memref<2x128x64xf32, #tpu.memory_space<vmem>> -> memref<1x128x64xf32, #tpu.memory_space<vmem>>
      %dma_wait3A_84 = tpu.memref_squeeze %dma_wait3A_83 : memref<1x128x64xf32, #tpu.memory_space<vmem>> -> memref<128x64xf32, #tpu.memory_space<vmem>>
      tpu.wait_dma2 semaphore(%run_scoped3A_61 : memref<!tpu.dma_semaphore, #tpu.memory_space<semaphore_mem>>) src(%dma_wait3A_84 : memref<128x64xf32, #tpu.memory_space<vmem>>) dst(%dma_wait3A_80 : memref<128x64xf32, #tpu.memory_space<vmem_shared>>)
      tpu.yield
    }) : () -> ()
    %add3A_8 = arith.constant 128 : i32
    %add3A_9 = arith.addi %mul3A_6, %add3A_8 : i32
    %run_scoped3A_10 = arith.constant 0 : i32
    "tpu.region"() ({
      %run_scoped3A_61 = tpu.sem_alloc : memref<!tpu.dma_semaphore, #tpu.memory_space<semaphore_mem>>
      %dma_start3A_62 = arith.constant 0 : i32
      %dma_start3A_63 = arith.constant 0 : i32
      %dma_start3A_64 = tpu.memref_slice %arg9[%run_scoped3A_10, %dma_start3A_62, %dma_start3A_63] : memref<2x128x64xf32, #tpu.memory_space<vmem>> -> memref<1x128x64xf32, #tpu.memory_space<vmem>>
      %dma_start3A_65 = tpu.memref_squeeze %dma_start3A_64 : memref<1x128x64xf32, #tpu.memory_space<vmem>> -> memref<128x64xf32, #tpu.memory_space<vmem>>
      %dma_start3A_66 = arith.constant 0 : i32
      %dma_start3A_67 = tpu.memref_slice %arg11[%add3A_9, %dma_start3A_66] : memref<10240x64xf32, #tpu.memory_space<vmem_shared>> -> memref<128x64xf32, #tpu.memory_space<vmem_shared>>
      %dma_start3A_68 = arith.constant 0 : i32
      %dma_start3A_69 = tpu.memref_slice %arg11[%add3A_9, %dma_start3A_68] : memref<10240x64xf32, #tpu.memory_space<vmem_shared>> -> memref<128x64xf32, #tpu.memory_space<vmem_shared>>
      %dma_start3A_70 = arith.constant 0 : i32
      %dma_start3A_71 = arith.constant 0 : i32
      %dma_start3A_72 = tpu.memref_slice %arg9[%run_scoped3A_10, %dma_start3A_70, %dma_start3A_71] : memref<2x128x64xf32, #tpu.memory_space<vmem>> -> memref<1x128x64xf32, #tpu.memory_space<vmem>>
      %dma_start3A_73 = tpu.memref_squeeze %dma_start3A_72 : memref<1x128x64xf32, #tpu.memory_space<vmem>> -> memref<128x64xf32, #tpu.memory_space<vmem>>
      tpu.enqueue_dma source(%dma_start3A_73 : memref<128x64xf32, #tpu.memory_space<vmem>>) target(%dma_start3A_69 : memref<128x64xf32, #tpu.memory_space<vmem_shared>>) target_semaphore(%run_scoped3A_61 : memref<!tpu.dma_semaphore, #tpu.memory_space<semaphore_mem>>)
      %dma_wait3A = arith.constant 0 : i32
      %dma_wait3A_74 = arith.constant 0 : i32
      %dma_wait3A_75 = tpu.memref_slice %arg9[%run_scoped3A_10, %dma_wait3A, %dma_wait3A_74] : memref<2x128x64xf32, #tpu.memory_space<vmem>> -> memref<1x128x64xf32, #tpu.memory_space<vmem>>
      %dma_wait3A_76 = tpu.memref_squeeze %dma_wait3A_75 : memref<1x128x64xf32, #tpu.memory_space<vmem>> -> memref<128x64xf32, #tpu.memory_space<vmem>>
      %dma_wait3A_77 = arith.constant 0 : i32
      %dma_wait3A_78 = tpu.memref_slice %arg11[%add3A_9, %dma_wait3A_77] : memref<10240x64xf32, #tpu.memory_space<vmem_shared>> -> memref<128x64xf32, #tpu.memory_space<vmem_shared>>
      %dma_wait3A_79 = arith.constant 0 : i32
      %dma_wait3A_80 = tpu.memref_slice %arg11[%add3A_9, %dma_wait3A_79] : memref<10240x64xf32, #tpu.memory_space<vmem_shared>> -> memref<128x64xf32, #tpu.memory_space<vmem_shared>>
      %dma_wait3A_81 = arith.constant 0 : i32
      %dma_wait3A_82 = arith.constant 0 : i32
      %dma_wait3A_83 = tpu.memref_slice %arg9[%run_scoped3A_10, %dma_wait3A_81, %dma_wait3A_82] : memref<2x128x64xf32, #tpu.memory_space<vmem>> -> memref<1x128x64xf32, #tpu.memory_space<vmem>>
      %dma_wait3A_84 = tpu.memref_squeeze %dma_wait3A_83 : memref<1x128x64xf32, #tpu.memory_space<vmem>> -> memref<128x64xf32, #tpu.memory_space<vmem>>
      tpu.wait_dma2 semaphore(%run_scoped3A_61 : memref<!tpu.dma_semaphore, #tpu.memory_space<semaphore_mem>>) src(%dma_wait3A_84 : memref<128x64xf32, #tpu.memory_space<vmem>>) dst(%dma_wait3A_80 : memref<128x64xf32, #tpu.memory_space<vmem_shared>>)
      tpu.yield
    }) : () -> ()
    %add3A_11 = arith.constant 256 : i32
    %add3A_12 = arith.addi %mul3A_6, %add3A_11 : i32
    %run_scoped3A_13 = arith.constant 0 : i32
    "tpu.region"() ({
      %run_scoped3A_61 = tpu.sem_alloc : memref<!tpu.dma_semaphore, #tpu.memory_space<semaphore_mem>>
      %dma_start3A_62 = arith.constant 0 : i32
      %dma_start3A_63 = arith.constant 0 : i32
      %dma_start3A_64 = tpu.memref_slice %arg9[%run_scoped3A_13, %dma_start3A_62, %dma_start3A_63] : memref<2x128x64xf32, #tpu.memory_space<vmem>> -> memref<1x128x64xf32, #tpu.memory_space<vmem>>
      %dma_start3A_65 = tpu.memref_squeeze %dma_start3A_64 : memref<1x128x64xf32, #tpu.memory_space<vmem>> -> memref<128x64xf32, #tpu.memory_space<vmem>>
      %dma_start3A_66 = arith.constant 0 : i32
      %dma_start3A_67 = tpu.memref_slice %arg11[%add3A_12, %dma_start3A_66] : memref<10240x64xf32, #tpu.memory_space<vmem_shared>> -> memref<128x64xf32, #tpu.memory_space<vmem_shared>>
      %dma_start3A_68 = arith.constant 0 : i32
      %dma_start3A_69 = tpu.memref_slice %arg11[%add3A_12, %dma_start3A_68] : memref<10240x64xf32, #tpu.memory_space<vmem_shared>> -> memref<128x64xf32, #tpu.memory_space<vmem_shared>>
      %dma_start3A_70 = arith.constant 0 : i32
      %dma_start3A_71 = arith.constant 0 : i32
      %dma_start3A_72 = tpu.memref_slice %arg9[%run_scoped3A_13, %dma_start3A_70, %dma_start3A_71] : memref<2x128x64xf32, #tpu.memory_space<vmem>> -> memref<1x128x64xf32, #tpu.memory_space<vmem>>
      %dma_start3A_73 = tpu.memref_squeeze %dma_start3A_72 : memref<1x128x64xf32, #tpu.memory_space<vmem>> -> memref<128x64xf32, #tpu.memory_space<vmem>>
      tpu.enqueue_dma source(%dma_start3A_73 : memref<128x64xf32, #tpu.memory_space<vmem>>) target(%dma_start3A_69 : memref<128x64xf32, #tpu.memory_space<vmem_shared>>) target_semaphore(%run_scoped3A_61 : memref<!tpu.dma_semaphore, #tpu.memory_space<semaphore_mem>>)
      %dma_wait3A = arith.constant 0 : i32
      %dma_wait3A_74 = arith.constant 0 : i32
      %dma_wait3A_75 = tpu.memref_slice %arg9[%run_scoped3A_13, %dma_wait3A, %dma_wait3A_74] : memref<2x128x64xf32, #tpu.memory_space<vmem>> -> memref<1x128x64xf32, #tpu.memory_space<vmem>>
      %dma_wait3A_76 = tpu.memref_squeeze %dma_wait3A_75 : memref<1x128x64xf32, #tpu.memory_space<vmem>> -> memref<128x64xf32, #tpu.memory_space<vmem>>
      %dma_wait3A_77 = arith.constant 0 : i32
      %dma_wait3A_78 = tpu.memref_slice %arg11[%add3A_12, %dma_wait3A_77] : memref<10240x64xf32, #tpu.memory_space<vmem_shared>> -> memref<128x64xf32, #tpu.memory_space<vmem_shared>>
      %dma_wait3A_79 = arith.constant 0 : i32
      %dma_wait3A_80 = tpu.memref_slice %arg11[%add3A_12, %dma_wait3A_79] : memref<10240x64xf32, #tpu.memory_space<vmem_shared>> -> memref<128x64xf32, #tpu.memory_space<vmem_shared>>
      %dma_wait3A_81 = arith.constant 0 : i32
      %dma_wait3A_82 = arith.constant 0 : i32
      %dma_wait3A_83 = tpu.memref_slice %arg9[%run_scoped3A_13, %dma_wait3A_81, %dma_wait3A_82] : memref<2x128x64xf32, #tpu.memory_space<vmem>> -> memref<1x128x64xf32, #tpu.memory_space<vmem>>
      %dma_wait3A_84 = tpu.memref_squeeze %dma_wait3A_83 : memref<1x128x64xf32, #tpu.memory_space<vmem>> -> memref<128x64xf32, #tpu.memory_space<vmem>>
      tpu.wait_dma2 semaphore(%run_scoped3A_61 : memref<!tpu.dma_semaphore, #tpu.memory_space<semaphore_mem>>) src(%dma_wait3A_84 : memref<128x64xf32, #tpu.memory_space<vmem>>) dst(%dma_wait3A_80 : memref<128x64xf32, #tpu.memory_space<vmem_shared>>)
      tpu.yield
    }) : () -> ()
    %add3A_14 = arith.constant 384 : i32
    %add3A_15 = arith.addi %mul3A_6, %add3A_14 : i32
    %run_scoped3A_16 = arith.constant 0 : i32
    "tpu.region"() ({
      %run_scoped3A_61 = tpu.sem_alloc : memref<!tpu.dma_semaphore, #tpu.memory_space<semaphore_mem>>
      %dma_start3A_62 = arith.constant 0 : i32
      %dma_start3A_63 = arith.constant 0 : i32
      %dma_start3A_64 = tpu.memref_slice %arg9[%run_scoped3A_16, %dma_start3A_62, %dma_start3A_63] : memref<2x128x64xf32, #tpu.memory_space<vmem>> -> memref<1x128x64xf32, #tpu.memory_space<vmem>>
      %dma_start3A_65 = tpu.memref_squeeze %dma_start3A_64 : memref<1x128x64xf32, #tpu.memory_space<vmem>> -> memref<128x64xf32, #tpu.memory_space<vmem>>
      %dma_start3A_66 = arith.constant 0 : i32
      %dma_start3A_67 = tpu.memref_slice %arg11[%add3A_15, %dma_start3A_66] : memref<10240x64xf32, #tpu.memory_space<vmem_shared>> -> memref<128x64xf32, #tpu.memory_space<vmem_shared>>
      %dma_start3A_68 = arith.constant 0 : i32
      %dma_start3A_69 = tpu.memref_slice %arg11[%add3A_15, %dma_start3A_68] : memref<10240x64xf32, #tpu.memory_space<vmem_shared>> -> memref<128x64xf32, #tpu.memory_space<vmem_shared>>
      %dma_start3A_70 = arith.constant 0 : i32
      %dma_start3A_71 = arith.constant 0 : i32
      %dma_start3A_72 = tpu.memref_slice %arg9[%run_scoped3A_16, %dma_start3A_70, %dma_start3A_71] : memref<2x128x64xf32, #tpu.memory_space<vmem>> -> memref<1x128x64xf32, #tpu.memory_space<vmem>>
      %dma_start3A_73 = tpu.memref_squeeze %dma_start3A_72 : memref<1x128x64xf32, #tpu.memory_space<vmem>> -> memref<128x64xf32, #tpu.memory_space<vmem>>
      tpu.enqueue_dma source(%dma_start3A_73 : memref<128x64xf32, #tpu.memory_space<vmem>>) target(%dma_start3A_69 : memref<128x64xf32, #tpu.memory_space<vmem_shared>>) target_semaphore(%run_scoped3A_61 : memref<!tpu.dma_semaphore, #tpu.memory_space<semaphore_mem>>)
      %dma_wait3A = arith.constant 0 : i32
      %dma_wait3A_74 = arith.constant 0 : i32
      %dma_wait3A_75 = tpu.memref_slice %arg9[%run_scoped3A_16, %dma_wait3A, %dma_wait3A_74] : memref<2x128x64xf32, #tpu.memory_space<vmem>> -> memref<1x128x64xf32, #tpu.memory_space<vmem>>
      %dma_wait3A_76 = tpu.memref_squeeze %dma_wait3A_75 : memref<1x128x64xf32, #tpu.memory_space<vmem>> -> memref<128x64xf32, #tpu.memory_space<vmem>>
      %dma_wait3A_77 = arith.constant 0 : i32
      %dma_wait3A_78 = tpu.memref_slice %arg11[%add3A_15, %dma_wait3A_77] : memref<10240x64xf32, #tpu.memory_space<vmem_shared>> -> memref<128x64xf32, #tpu.memory_space<vmem_shared>>
      %dma_wait3A_79 = arith.constant 0 : i32
      %dma_wait3A_80 = tpu.memref_slice %arg11[%add3A_15, %dma_wait3A_79] : memref<10240x64xf32, #tpu.memory_space<vmem_shared>> -> memref<128x64xf32, #tpu.memory_space<vmem_shared>>
      %dma_wait3A_81 = arith.constant 0 : i32
      %dma_wait3A_82 = arith.constant 0 : i32
      %dma_wait3A_83 = tpu.memref_slice %arg9[%run_scoped3A_16, %dma_wait3A_81, %dma_wait3A_82] : memref<2x128x64xf32, #tpu.memory_space<vmem>> -> memref<1x128x64xf32, #tpu.memory_space<vmem>>
      %dma_wait3A_84 = tpu.memref_squeeze %dma_wait3A_83 : memref<1x128x64xf32, #tpu.memory_space<vmem>> -> memref<128x64xf32, #tpu.memory_space<vmem>>
      tpu.wait_dma2 semaphore(%run_scoped3A_61 : memref<!tpu.dma_semaphore, #tpu.memory_space<semaphore_mem>>) src(%dma_wait3A_84 : memref<128x64xf32, #tpu.memory_space<vmem>>) dst(%dma_wait3A_80 : memref<128x64xf32, #tpu.memory_space<vmem_shared>>)
      tpu.yield
    }) : () -> ()
    %add3A_17 = arith.constant 512 : i32
    %add3A_18 = arith.addi %mul3A_6, %add3A_17 : i32
    %run_scoped3A_19 = arith.constant 0 : i32
    "tpu.region"() ({
      %run_scoped3A_61 = tpu.sem_alloc : memref<!tpu.dma_semaphore, #tpu.memory_space<semaphore_mem>>
      %dma_start3A_62 = arith.constant 0 : i32
      %dma_start3A_63 = arith.constant 0 : i32
      %dma_start3A_64 = tpu.memref_slice %arg9[%run_scoped3A_19, %dma_start3A_62, %dma_start3A_63] : memref<2x128x64xf32, #tpu.memory_space<vmem>> -> memref<1x128x64xf32, #tpu.memory_space<vmem>>
      %dma_start3A_65 = tpu.memref_squeeze %dma_start3A_64 : memref<1x128x64xf32, #tpu.memory_space<vmem>> -> memref<128x64xf32, #tpu.memory_space<vmem>>
      %dma_start3A_66 = arith.constant 0 : i32
      %dma_start3A_67 = tpu.memref_slice %arg11[%add3A_18, %dma_start3A_66] : memref<10240x64xf32, #tpu.memory_space<vmem_shared>> -> memref<128x64xf32, #tpu.memory_space<vmem_shared>>
      %dma_start3A_68 = arith.constant 0 : i32
      %dma_start3A_69 = tpu.memref_slice %arg11[%add3A_18, %dma_start3A_68] : memref<10240x64xf32, #tpu.memory_space<vmem_shared>> -> memref<128x64xf32, #tpu.memory_space<vmem_shared>>
      %dma_start3A_70 = arith.constant 0 : i32
      %dma_start3A_71 = arith.constant 0 : i32
      %dma_start3A_72 = tpu.memref_slice %arg9[%run_scoped3A_19, %dma_start3A_70, %dma_start3A_71] : memref<2x128x64xf32, #tpu.memory_space<vmem>> -> memref<1x128x64xf32, #tpu.memory_space<vmem>>
      %dma_start3A_73 = tpu.memref_squeeze %dma_start3A_72 : memref<1x128x64xf32, #tpu.memory_space<vmem>> -> memref<128x64xf32, #tpu.memory_space<vmem>>
      tpu.enqueue_dma source(%dma_start3A_73 : memref<128x64xf32, #tpu.memory_space<vmem>>) target(%dma_start3A_69 : memref<128x64xf32, #tpu.memory_space<vmem_shared>>) target_semaphore(%run_scoped3A_61 : memref<!tpu.dma_semaphore, #tpu.memory_space<semaphore_mem>>)
      %dma_wait3A = arith.constant 0 : i32
      %dma_wait3A_74 = arith.constant 0 : i32
      %dma_wait3A_75 = tpu.memref_slice %arg9[%run_scoped3A_19, %dma_wait3A, %dma_wait3A_74] : memref<2x128x64xf32, #tpu.memory_space<vmem>> -> memref<1x128x64xf32, #tpu.memory_space<vmem>>
      %dma_wait3A_76 = tpu.memref_squeeze %dma_wait3A_75 : memref<1x128x64xf32, #tpu.memory_space<vmem>> -> memref<128x64xf32, #tpu.memory_space<vmem>>
      %dma_wait3A_77 = arith.constant 0 : i32
      %dma_wait3A_78 = tpu.memref_slice %arg11[%add3A_18, %dma_wait3A_77] : memref<10240x64xf32, #tpu.memory_space<vmem_shared>> -> memref<128x64xf32, #tpu.memory_space<vmem_shared>>
      %dma_wait3A_79 = arith.constant 0 : i32
      %dma_wait3A_80 = tpu.memref_slice %arg11[%add3A_18, %dma_wait3A_79] : memref<10240x64xf32, #tpu.memory_space<vmem_shared>> -> memref<128x64xf32, #tpu.memory_space<vmem_shared>>
      %dma_wait3A_81 = arith.constant 0 : i32
      %dma_wait3A_82 = arith.constant 0 : i32
      %dma_wait3A_83 = tpu.memref_slice %arg9[%run_scoped3A_19, %dma_wait3A_81, %dma_wait3A_82] : memref<2x128x64xf32, #tpu.memory_space<vmem>> -> memref<1x128x64xf32, #tpu.memory_space<vmem>>
      %dma_wait3A_84 = tpu.memref_squeeze %dma_wait3A_83 : memref<1x128x64xf32, #tpu.memory_space<vmem>> -> memref<128x64xf32, #tpu.memory_space<vmem>>
      tpu.wait_dma2 semaphore(%run_scoped3A_61 : memref<!tpu.dma_semaphore, #tpu.memory_space<semaphore_mem>>) src(%dma_wait3A_84 : memref<128x64xf32, #tpu.memory_space<vmem>>) dst(%dma_wait3A_80 : memref<128x64xf32, #tpu.memory_space<vmem_shared>>)
      tpu.yield
    }) : () -> ()
    %eq3A = arith.constant 0 : i32
    %eq3A_20 = arith.cmpi eq, %arg0, %eq3A : i32
    %convert_element_type3A = arith.extui %eq3A_20 : i1 to i32
    %cond3A = arith.constant 0 : i32
    %cond3A_21 = arith.cmpi ne, %convert_element_type3A, %cond3A : i32
    scf.if %cond3A_21 {
      %scan3A_61 = arith.constant 0 : i32
      %scan3A_62 = arith.constant 0 : i32
      %scan3A_63 = arith.constant 640 : i32
      %scan3A_64 = arith.addi %scan3A_62, %scan3A_63 : i32
      %scan3A_65 = arith.constant 1 : i32
      scf.for %scan3A_67 = %scan3A_62 to %scan3A_64 step %scan3A_65  : i32 {
        %mul3A_68 = arith.constant 16 : i32
        %mul3A_69 = arith.muli %scan3A_67, %mul3A_68 : i32
        %swap3A = arith.index_cast %mul3A_69 : i32 to index
        %swap3A_70 = tpu.vector_load %arg10[%swap3A] {strides = array<i32>} : memref<10240xf32, #tpu.memory_space<vmem>>, vector<16xf32>,
        tpu.vector_store %arg10[%swap3A], %broadcast_in_dim3A_0 {strides = array<i32>} : memref<10240xf32, #tpu.memory_space<vmem>>, vector<16xf32>,
      }
      %scan3A_66 = arith.constant 640 : i32
    } else {
    }
    %barrier3A = arith.constant 0 : index
    tpu.barrier barrier_id(%barrier3A)
    %broadcast_in_dim3A_22 = arith.constant 1.000000e+00 : f32
    %broadcast_in_dim3A_23 = vector.broadcast %broadcast_in_dim3A_22 : f32 to vector<16xf32>
    %dma_start3A = arith.constant 0 : i32
    %dma_start3A_24 = arith.constant 0 : i32
    %dma_start3A_25 = arith.constant 0 : i32
    %dma_start3A_26 = arith.constant 0 : i32
    %dma_start3A_27 = tpu.memref_slice %arg9[%dma_start3A_24, %dma_start3A_25, %dma_start3A_26] : memref<2x128x64xf32, #tpu.memory_space<vmem>> -> memref<1x128x64xf32, #tpu.memory_space<vmem>>
    %dma_start3A_28 = tpu.memref_squeeze %dma_start3A_27 : memref<1x128x64xf32, #tpu.memory_space<vmem>> -> memref<128x64xf32, #tpu.memory_space<vmem>>
    %dma_start3A_29 = arith.constant 0 : i32
    %dma_start3A_30 = tpu.memref_slice %arg7[%dma_start3A, %dma_start3A_29] : memref<157x128xi32, #tpu.memory_space<vmem>> -> memref<1x128xi32, #tpu.memory_space<vmem>>
    %dma_start3A_31 = tpu.memref_squeeze %dma_start3A_30 : memref<1x128xi32, #tpu.memory_space<vmem>> -> memref<128xi32, #tpu.memory_space<vmem>>
    %dma_start3A_32 = arith.constant 0 : i32
    %dma_start3A_33 = arith.constant 0 : i32
    %dma_start3A_34 = tpu.memref_slice %arg2[%arg0, %dma_start3A_32, %dma_start3A_33] : memref<2x81920x64xf32, #tpu.memory_space<hbm>> -> memref<1x81920x64xf32, #tpu.memory_space<hbm>>
    %dma_start3A_35 = tpu.memref_squeeze %dma_start3A_34 : memref<1x81920x64xf32, #tpu.memory_space<hbm>> -> memref<81920x64xf32, #tpu.memory_space<hbm>>
    %dma_start3A_36 = arith.constant 0 : i32
    %dma_start3A_37 = arith.constant 0 : i32
    %dma_start3A_38 = tpu.memref_slice %dma_start3A_35[%dma_start3A_36, %dma_start3A_37] : memref<81920x64xf32, #tpu.memory_space<hbm>> -> memref<81920x64xf32, #tpu.memory_space<hbm>>
    tpu.enqueue_indirect_dma source(%dma_start3A_38 : memref<81920x64xf32, #tpu.memory_space<hbm>>) target(%dma_start3A_28 : memref<128x64xf32, #tpu.memory_space<vmem>>) offsets(%dma_start3A_31 : memref<128xi32, #tpu.memory_space<vmem>>) semaphore(%arg12 : memref<!tpu.dma_semaphore, #tpu.memory_space<semaphore_mem>>)
    %scan3A_39 = arith.constant 0 : i32
    %scan3A_40 = arith.constant 0 : i32
    %scan3A_41 = arith.constant 157 : i32
    %scan3A_42 = arith.addi %scan3A_40, %scan3A_41 : i32
    %scan3A_43 = arith.constant 1 : i32
    scf.for %scan3A_61 = %scan3A_40 to %scan3A_42 step %scan3A_43  : i32 {
      %rem3A = arith.constant 2 : i32
      %rem3A_62 = arith.remsi %scan3A_61, %rem3A : i32
      %sub3A = arith.constant 1 : i32
      %sub3A_63 = arith.subi %sub3A, %rem3A_62 : i32
      %dma_wait3A = arith.constant 0 : i32
      %dma_wait3A_64 = arith.constant 0 : i32
      %dma_wait3A_65 = tpu.memref_slice %arg9[%rem3A_62, %dma_wait3A, %dma_wait3A_64] : memref<2x128x64xf32, #tpu.memory_space<vmem>> -> memref<1x128x64xf32, #tpu.memory_space<vmem>>
      %dma_wait3A_66 = tpu.memref_squeeze %dma_wait3A_65 : memref<1x128x64xf32, #tpu.memory_space<vmem>> -> memref<128x64xf32, #tpu.memory_space<vmem>>
      %dma_wait3A_67 = arith.constant 0 : i32
      %dma_wait3A_68 = tpu.memref_slice %arg7[%scan3A_61, %dma_wait3A_67] : memref<157x128xi32, #tpu.memory_space<vmem>> -> memref<1x128xi32, #tpu.memory_space<vmem>>
      %dma_wait3A_69 = tpu.memref_squeeze %dma_wait3A_68 : memref<1x128xi32, #tpu.memory_space<vmem>> -> memref<128xi32, #tpu.memory_space<vmem>>
      %dma_wait3A_70 = arith.constant 0 : i32
      %dma_wait3A_71 = arith.constant 0 : i32
      %dma_wait3A_72 = tpu.memref_slice %arg2[%arg0, %dma_wait3A_70, %dma_wait3A_71] : memref<2x81920x64xf32, #tpu.memory_space<hbm>> -> memref<1x81920x64xf32, #tpu.memory_space<hbm>>
      %dma_wait3A_73 = tpu.memref_squeeze %dma_wait3A_72 : memref<1x81920x64xf32, #tpu.memory_space<hbm>> -> memref<81920x64xf32, #tpu.memory_space<hbm>>
      %dma_wait3A_74 = arith.constant 0 : i32
      %dma_wait3A_75 = arith.constant 0 : i32
      %dma_wait3A_76 = tpu.memref_slice %dma_wait3A_73[%dma_wait3A_74, %dma_wait3A_75] : memref<81920x64xf32, #tpu.memory_space<hbm>> -> memref<81920x64xf32, #tpu.memory_space<hbm>>
      tpu.wait_indirect_dma semaphore(%arg12 : memref<!tpu.dma_semaphore, #tpu.memory_space<semaphore_mem>>) src(%dma_wait3A_76 : memref<81920x64xf32, #tpu.memory_space<hbm>>) dst(%dma_wait3A_66 : memref<128x64xf32, #tpu.memory_space<vmem>>)
      %lt3A = arith.constant 156 : i32
      %lt3A_77 = arith.cmpi slt, %scan3A_61, %lt3A : i32
      %convert_element_type3A_78 = arith.extui %lt3A_77 : i1 to i32
      %cond3A_79 = arith.constant 0 : i32
      %cond3A_80 = arith.cmpi ne, %convert_element_type3A_78, %cond3A_79 : i32
      scf.if %cond3A_80 {
        %add3A_86 = arith.constant 1 : i32
        %add3A_87 = arith.addi %scan3A_61, %add3A_86 : i32
        %dma_start3A_88 = arith.constant 0 : i32
        %dma_start3A_89 = arith.constant 0 : i32
        %dma_start3A_90 = tpu.memref_slice %arg9[%sub3A_63, %dma_start3A_88, %dma_start3A_89] : memref<2x128x64xf32, #tpu.memory_space<vmem>> -> memref<1x128x64xf32, #tpu.memory_space<vmem>>
        %dma_start3A_91 = tpu.memref_squeeze %dma_start3A_90 : memref<1x128x64xf32, #tpu.memory_space<vmem>> -> memref<128x64xf32, #tpu.memory_space<vmem>>
        %dma_start3A_92 = arith.constant 0 : i32
        %dma_start3A_93 = tpu.memref_slice %arg7[%add3A_87, %dma_start3A_92] : memref<157x128xi32, #tpu.memory_space<vmem>> -> memref<1x128xi32, #tpu.memory_space<vmem>>
        %dma_start3A_94 = tpu.memref_squeeze %dma_start3A_93 : memref<1x128xi32, #tpu.memory_space<vmem>> -> memref<128xi32, #tpu.memory_space<vmem>>
        %dma_start3A_95 = arith.constant 0 : i32
        %dma_start3A_96 = arith.constant 0 : i32
        %dma_start3A_97 = tpu.memref_slice %arg2[%arg0, %dma_start3A_95, %dma_start3A_96] : memref<2x81920x64xf32, #tpu.memory_space<hbm>> -> memref<1x81920x64xf32, #tpu.memory_space<hbm>>
        %dma_start3A_98 = tpu.memref_squeeze %dma_start3A_97 : memref<1x81920x64xf32, #tpu.memory_space<hbm>> -> memref<81920x64xf32, #tpu.memory_space<hbm>>
        %dma_start3A_99 = arith.constant 0 : i32
        %dma_start3A_100 = arith.constant 0 : i32
        %dma_start3A_101 = tpu.memref_slice %dma_start3A_98[%dma_start3A_99, %dma_start3A_100] : memref<81920x64xf32, #tpu.memory_space<hbm>> -> memref<81920x64xf32, #tpu.memory_space<hbm>>
        tpu.enqueue_indirect_dma source(%dma_start3A_101 : memref<81920x64xf32, #tpu.memory_space<hbm>>) target(%dma_start3A_91 : memref<128x64xf32, #tpu.memory_space<vmem>>) offsets(%dma_start3A_94 : memref<128xi32, #tpu.memory_space<vmem>>) semaphore(%arg12 : memref<!tpu.dma_semaphore, #tpu.memory_space<semaphore_mem>>)
      } else {
      }
      "tpu.region"() ({
        %run_scoped3A_86 = tpu.sem_alloc : memref<!tpu.dma_semaphore, #tpu.memory_space<semaphore_mem>>
        %dma_start3A_87 = arith.constant 0 : i32
        %dma_start3A_88 = arith.constant 0 : i32
        %dma_start3A_89 = tpu.memref_slice %arg9[%rem3A_62, %dma_start3A_87, %dma_start3A_88] : memref<2x128x64xf32, #tpu.memory_space<vmem>> -> memref<1x128x64xf32, #tpu.memory_space<vmem>>
        %dma_start3A_90 = tpu.memref_squeeze %dma_start3A_89 : memref<1x128x64xf32, #tpu.memory_space<vmem>> -> memref<128x64xf32, #tpu.memory_space<vmem>>
        %dma_start3A_91 = arith.constant 0 : i32
        %dma_start3A_92 = tpu.memref_slice %arg8[%scan3A_61, %dma_start3A_91] : memref<157x128xi32, #tpu.memory_space<vmem>> -> memref<1x128xi32, #tpu.memory_space<vmem>>
        %dma_start3A_93 = tpu.memref_squeeze %dma_start3A_92 : memref<1x128xi32, #tpu.memory_space<vmem>> -> memref<128xi32, #tpu.memory_space<vmem>>
        %dma_start3A_94 = arith.constant 0 : i32
        %dma_start3A_95 = arith.constant 0 : i32
        %dma_start3A_96 = tpu.memref_slice %arg11[%dma_start3A_94, %dma_start3A_95] : memref<10240x64xf32, #tpu.memory_space<vmem_shared>> -> memref<10240x64xf32, #tpu.memory_space<vmem_shared>>
        tpu.enqueue_indirect_dma source(%dma_start3A_90 : memref<128x64xf32, #tpu.memory_space<vmem>>) target(%dma_start3A_96 : memref<10240x64xf32, #tpu.memory_space<vmem_shared>>) offsets(%dma_start3A_93 : memref<128xi32, #tpu.memory_space<vmem>>) semaphore(%run_scoped3A_86 : memref<!tpu.dma_semaphore, #tpu.memory_space<semaphore_mem>>) {add = true}
        %dma_wait3A_97 = arith.constant 0 : i32
        %dma_wait3A_98 = arith.constant 0 : i32
        %dma_wait3A_99 = tpu.memref_slice %arg9[%rem3A_62, %dma_wait3A_97, %dma_wait3A_98] : memref<2x128x64xf32, #tpu.memory_space<vmem>> -> memref<1x128x64xf32, #tpu.memory_space<vmem>>
        %dma_wait3A_100 = tpu.memref_squeeze %dma_wait3A_99 : memref<1x128x64xf32, #tpu.memory_space<vmem>> -> memref<128x64xf32, #tpu.memory_space<vmem>>
        %dma_wait3A_101 = arith.constant 0 : i32
        %dma_wait3A_102 = tpu.memref_slice %arg8[%scan3A_61, %dma_wait3A_101] : memref<157x128xi32, #tpu.memory_space<vmem>> -> memref<1x128xi32, #tpu.memory_space<vmem>>
        %dma_wait3A_103 = tpu.memref_squeeze %dma_wait3A_102 : memref<1x128xi32, #tpu.memory_space<vmem>> -> memref<128xi32, #tpu.memory_space<vmem>>
        %dma_wait3A_104 = arith.constant 0 : i32
        %dma_wait3A_105 = arith.constant 0 : i32
        %dma_wait3A_106 = tpu.memref_slice %arg11[%dma_wait3A_104, %dma_wait3A_105] : memref<10240x64xf32, #tpu.memory_space<vmem_shared>> -> memref<10240x64xf32, #tpu.memory_space<vmem_shared>>
        tpu.wait_indirect_dma semaphore(%run_scoped3A_86 : memref<!tpu.dma_semaphore, #tpu.memory_space<semaphore_mem>>) src(%dma_wait3A_100 : memref<128x64xf32, #tpu.memory_space<vmem>>) dst(%dma_wait3A_106 : memref<10240x64xf32, #tpu.memory_space<vmem_shared>>)
        tpu.yield
      }) : () -> ()
      %eq3A_81 = arith.constant 0 : i32
      %eq3A_82 = arith.cmpi eq, %arg0, %eq3A_81 : i32
      %convert_element_type3A_83 = arith.extui %eq3A_82 : i1 to i32
      %cond3A_84 = arith.constant 0 : i32
      %cond3A_85 = arith.cmpi ne, %convert_element_type3A_83, %cond3A_84 : i32
      scf.if %cond3A_85 {
        %get3A = arith.index_cast %scan3A_61 : i32 to index
        %get3A_86 = arith.constant 0 : index
        %get3A_87 = tpu.vector_load %arg8[%get3A, %get3A_86] {strides = array<i32>} : memref<157x128xi32, #tpu.memory_space<vmem>>, vector<16xi32>,
        tpu.vector_store_idx %arg10[%get3A_87], %broadcast_in_dim3A_23 {add = true} : memref<10240xf32, #tpu.memory_space<vmem>>[vector<16xi32>], vector<16xf32>,
        %get3A_88 = arith.index_cast %scan3A_61 : i32 to index
        %get3A_89 = arith.constant 16 : index
        %get3A_90 = tpu.vector_load %arg8[%get3A_88, %get3A_89] {strides = array<i32>} : memref<157x128xi32, #tpu.memory_space<vmem>>, vector<16xi32>,
        tpu.vector_store_idx %arg10[%get3A_90], %broadcast_in_dim3A_23 {add = true} : memref<10240xf32, #tpu.memory_space<vmem>>[vector<16xi32>], vector<16xf32>,
        %get3A_91 = arith.index_cast %scan3A_61 : i32 to index
        %get3A_92 = arith.constant 32 : index
        %get3A_93 = tpu.vector_load %arg8[%get3A_91, %get3A_92] {strides = array<i32>} : memref<157x128xi32, #tpu.memory_space<vmem>>, vector<16xi32>,
        tpu.vector_store_idx %arg10[%get3A_93], %broadcast_in_dim3A_23 {add = true} : memref<10240xf32, #tpu.memory_space<vmem>>[vector<16xi32>], vector<16xf32>,
        %get3A_94 = arith.index_cast %scan3A_61 : i32 to index
        %get3A_95 = arith.constant 48 : index
        %get3A_96 = tpu.vector_load %arg8[%get3A_94, %get3A_95] {strides = array<i32>} : memref<157x128xi32, #tpu.memory_space<vmem>>, vector<16xi32>,
        tpu.vector_store_idx %arg10[%get3A_96], %broadcast_in_dim3A_23 {add = true} : memref<10240xf32, #tpu.memory_space<vmem>>[vector<16xi32>], vector<16xf32>,
        %get3A_97 = arith.index_cast %scan3A_61 : i32 to index
        %get3A_98 = arith.constant 64 : index
        %get3A_99 = tpu.vector_load %arg8[%get3A_97, %get3A_98] {strides = array<i32>} : memref<157x128xi32, #tpu.memory_space<vmem>>, vector<16xi32>,
        tpu.vector_store_idx %arg10[%get3A_99], %broadcast_in_dim3A_23 {add = true} : memref<10240xf32, #tpu.memory_space<vmem>>[vector<16xi32>], vector<16xf32>,
        %get3A_100 = arith.index_cast %scan3A_61 : i32 to index
        %get3A_101 = arith.constant 80 : index
        %get3A_102 = tpu.vector_load %arg8[%get3A_100, %get3A_101] {strides = array<i32>} : memref<157x128xi32, #tpu.memory_space<vmem>>, vector<16xi32>,
        tpu.vector_store_idx %arg10[%get3A_102], %broadcast_in_dim3A_23 {add = true} : memref<10240xf32, #tpu.memory_space<vmem>>[vector<16xi32>], vector<16xf32>,
        %get3A_103 = arith.index_cast %scan3A_61 : i32 to index
        %get3A_104 = arith.constant 96 : index
        %get3A_105 = tpu.vector_load %arg8[%get3A_103, %get3A_104] {strides = array<i32>} : memref<157x128xi32, #tpu.memory_space<vmem>>, vector<16xi32>,
        tpu.vector_store_idx %arg10[%get3A_105], %broadcast_in_dim3A_23 {add = true} : memref<10240xf32, #tpu.memory_space<vmem>>[vector<16xi32>], vector<16xf32>,
        %get3A_106 = arith.index_cast %scan3A_61 : i32 to index
        %get3A_107 = arith.constant 112 : index
        %get3A_108 = tpu.vector_load %arg8[%get3A_106, %get3A_107] {strides = array<i32>} : memref<157x128xi32, #tpu.memory_space<vmem>>, vector<16xi32>,
        tpu.vector_store_idx %arg10[%get3A_108], %broadcast_in_dim3A_23 {add = true} : memref<10240xf32, #tpu.memory_space<vmem>>[vector<16xi32>], vector<16xf32>,
      } else {
      }
    }
    %scan3A_44 = arith.constant 157 : i32
    %barrier3A_45 = arith.constant 0 : index
    tpu.barrier barrier_id(%barrier3A_45)
    %add3A_46 = arith.constant 0 : i32
    %add3A_47 = arith.addi %mul3A_6, %add3A_46 : i32
    "tpu.region"() ({
      %run_scoped3A_61 = tpu.sem_alloc : memref<!tpu.dma_semaphore, #tpu.memory_space<semaphore_mem>>
      %dma_start3A_62 = arith.constant 0 : i32
      %dma_start3A_63 = tpu.memref_slice %arg5[%arg0, %add3A_47, %dma_start3A_62] : memref<2x10240x64xf32, #tpu.memory_space<hbm>> -> memref<1x128x64xf32, #tpu.memory_space<hbm>>
      %dma_start3A_64 = tpu.memref_squeeze %dma_start3A_63 : memref<1x128x64xf32, #tpu.memory_space<hbm>> -> memref<128x64xf32, #tpu.memory_space<hbm>>
      %dma_start3A_65 = arith.constant 0 : i32
      %dma_start3A_66 = tpu.memref_slice %arg11[%add3A_47, %dma_start3A_65] : memref<10240x64xf32, #tpu.memory_space<vmem_shared>> -> memref<128x64xf32, #tpu.memory_space<vmem_shared>>
      tpu.enqueue_dma source(%dma_start3A_66 : memref<128x64xf32, #tpu.memory_space<vmem_shared>>) target(%dma_start3A_64 : memref<128x64xf32, #tpu.memory_space<hbm>>) target_semaphore(%run_scoped3A_61 : memref<!tpu.dma_semaphore, #tpu.memory_space<semaphore_mem>>)
      %dma_wait3A = arith.constant 0 : i32
      %dma_wait3A_67 = tpu.memref_slice %arg5[%arg0, %add3A_47, %dma_wait3A] : memref<2x10240x64xf32, #tpu.memory_space<hbm>> -> memref<1x128x64xf32, #tpu.memory_space<hbm>>
      %dma_wait3A_68 = tpu.memref_squeeze %dma_wait3A_67 : memref<1x128x64xf32, #tpu.memory_space<hbm>> -> memref<128x64xf32, #tpu.memory_space<hbm>>
      %dma_wait3A_69 = arith.constant 0 : i32
      %dma_wait3A_70 = tpu.memref_slice %arg11[%add3A_47, %dma_wait3A_69] : memref<10240x64xf32, #tpu.memory_space<vmem_shared>> -> memref<128x64xf32, #tpu.memory_space<vmem_shared>>
      tpu.wait_dma2 semaphore(%run_scoped3A_61 : memref<!tpu.dma_semaphore, #tpu.memory_space<semaphore_mem>>) src(%dma_wait3A_70 : memref<128x64xf32, #tpu.memory_space<vmem_shared>>) dst(%dma_wait3A_68 : memref<128x64xf32, #tpu.memory_space<hbm>>)
      tpu.yield
    }) : () -> ()
    %add3A_48 = arith.constant 128 : i32
    %add3A_49 = arith.addi %mul3A_6, %add3A_48 : i32
    "tpu.region"() ({
      %run_scoped3A_61 = tpu.sem_alloc : memref<!tpu.dma_semaphore, #tpu.memory_space<semaphore_mem>>
      %dma_start3A_62 = arith.constant 0 : i32
      %dma_start3A_63 = tpu.memref_slice %arg5[%arg0, %add3A_49, %dma_start3A_62] : memref<2x10240x64xf32, #tpu.memory_space<hbm>> -> memref<1x128x64xf32, #tpu.memory_space<hbm>>
      %dma_start3A_64 = tpu.memref_squeeze %dma_start3A_63 : memref<1x128x64xf32, #tpu.memory_space<hbm>> -> memref<128x64xf32, #tpu.memory_space<hbm>>
      %dma_start3A_65 = arith.constant 0 : i32
      %dma_start3A_66 = tpu.memref_slice %arg11[%add3A_49, %dma_start3A_65] : memref<10240x64xf32, #tpu.memory_space<vmem_shared>> -> memref<128x64xf32, #tpu.memory_space<vmem_shared>>
      tpu.enqueue_dma source(%dma_start3A_66 : memref<128x64xf32, #tpu.memory_space<vmem_shared>>) target(%dma_start3A_64 : memref<128x64xf32, #tpu.memory_space<hbm>>) target_semaphore(%run_scoped3A_61 : memref<!tpu.dma_semaphore, #tpu.memory_space<semaphore_mem>>)
      %dma_wait3A = arith.constant 0 : i32
      %dma_wait3A_67 = tpu.memref_slice %arg5[%arg0, %add3A_49, %dma_wait3A] : memref<2x10240x64xf32, #tpu.memory_space<hbm>> -> memref<1x128x64xf32, #tpu.memory_space<hbm>>
      %dma_wait3A_68 = tpu.memref_squeeze %dma_wait3A_67 : memref<1x128x64xf32, #tpu.memory_space<hbm>> -> memref<128x64xf32, #tpu.memory_space<hbm>>
      %dma_wait3A_69 = arith.constant 0 : i32
      %dma_wait3A_70 = tpu.memref_slice %arg11[%add3A_49, %dma_wait3A_69] : memref<10240x64xf32, #tpu.memory_space<vmem_shared>> -> memref<128x64xf32, #tpu.memory_space<vmem_shared>>
      tpu.wait_dma2 semaphore(%run_scoped3A_61 : memref<!tpu.dma_semaphore, #tpu.memory_space<semaphore_mem>>) src(%dma_wait3A_70 : memref<128x64xf32, #tpu.memory_space<vmem_shared>>) dst(%dma_wait3A_68 : memref<128x64xf32, #tpu.memory_space<hbm>>)
      tpu.yield
    }) : () -> ()
    %add3A_50 = arith.constant 256 : i32
    %add3A_51 = arith.addi %mul3A_6, %add3A_50 : i32
    "tpu.region"() ({
      %run_scoped3A_61 = tpu.sem_alloc : memref<!tpu.dma_semaphore, #tpu.memory_space<semaphore_mem>>
      %dma_start3A_62 = arith.constant 0 : i32
      %dma_start3A_63 = tpu.memref_slice %arg5[%arg0, %add3A_51, %dma_start3A_62] : memref<2x10240x64xf32, #tpu.memory_space<hbm>> -> memref<1x128x64xf32, #tpu.memory_space<hbm>>
      %dma_start3A_64 = tpu.memref_squeeze %dma_start3A_63 : memref<1x128x64xf32, #tpu.memory_space<hbm>> -> memref<128x64xf32, #tpu.memory_space<hbm>>
      %dma_start3A_65 = arith.constant 0 : i32
      %dma_start3A_66 = tpu.memref_slice %arg11[%add3A_51, %dma_start3A_65] : memref<10240x64xf32, #tpu.memory_space<vmem_shared>> -> memref<128x64xf32, #tpu.memory_space<vmem_shared>>
      tpu.enqueue_dma source(%dma_start3A_66 : memref<128x64xf32, #tpu.memory_space<vmem_shared>>) target(%dma_start3A_64 : memref<128x64xf32, #tpu.memory_space<hbm>>) target_semaphore(%run_scoped3A_61 : memref<!tpu.dma_semaphore, #tpu.memory_space<semaphore_mem>>)
      %dma_wait3A = arith.constant 0 : i32
      %dma_wait3A_67 = tpu.memref_slice %arg5[%arg0, %add3A_51, %dma_wait3A] : memref<2x10240x64xf32, #tpu.memory_space<hbm>> -> memref<1x128x64xf32, #tpu.memory_space<hbm>>
      %dma_wait3A_68 = tpu.memref_squeeze %dma_wait3A_67 : memref<1x128x64xf32, #tpu.memory_space<hbm>> -> memref<128x64xf32, #tpu.memory_space<hbm>>
      %dma_wait3A_69 = arith.constant 0 : i32
      %dma_wait3A_70 = tpu.memref_slice %arg11[%add3A_51, %dma_wait3A_69] : memref<10240x64xf32, #tpu.memory_space<vmem_shared>> -> memref<128x64xf32, #tpu.memory_space<vmem_shared>>
      tpu.wait_dma2 semaphore(%run_scoped3A_61 : memref<!tpu.dma_semaphore, #tpu.memory_space<semaphore_mem>>) src(%dma_wait3A_70 : memref<128x64xf32, #tpu.memory_space<vmem_shared>>) dst(%dma_wait3A_68 : memref<128x64xf32, #tpu.memory_space<hbm>>)
      tpu.yield
    }) : () -> ()
    %add3A_52 = arith.constant 384 : i32
    %add3A_53 = arith.addi %mul3A_6, %add3A_52 : i32
    "tpu.region"() ({
      %run_scoped3A_61 = tpu.sem_alloc : memref<!tpu.dma_semaphore, #tpu.memory_space<semaphore_mem>>
      %dma_start3A_62 = arith.constant 0 : i32
      %dma_start3A_63 = tpu.memref_slice %arg5[%arg0, %add3A_53, %dma_start3A_62] : memref<2x10240x64xf32, #tpu.memory_space<hbm>> -> memref<1x128x64xf32, #tpu.memory_space<hbm>>
      %dma_start3A_64 = tpu.memref_squeeze %dma_start3A_63 : memref<1x128x64xf32, #tpu.memory_space<hbm>> -> memref<128x64xf32, #tpu.memory_space<hbm>>
      %dma_start3A_65 = arith.constant 0 : i32
      %dma_start3A_66 = tpu.memref_slice %arg11[%add3A_53, %dma_start3A_65] : memref<10240x64xf32, #tpu.memory_space<vmem_shared>> -> memref<128x64xf32, #tpu.memory_space<vmem_shared>>
      tpu.enqueue_dma source(%dma_start3A_66 : memref<128x64xf32, #tpu.memory_space<vmem_shared>>) target(%dma_start3A_64 : memref<128x64xf32, #tpu.memory_space<hbm>>) target_semaphore(%run_scoped3A_61 : memref<!tpu.dma_semaphore, #tpu.memory_space<semaphore_mem>>)
      %dma_wait3A = arith.constant 0 : i32
      %dma_wait3A_67 = tpu.memref_slice %arg5[%arg0, %add3A_53, %dma_wait3A] : memref<2x10240x64xf32, #tpu.memory_space<hbm>> -> memref<1x128x64xf32, #tpu.memory_space<hbm>>
      %dma_wait3A_68 = tpu.memref_squeeze %dma_wait3A_67 : memref<1x128x64xf32, #tpu.memory_space<hbm>> -> memref<128x64xf32, #tpu.memory_space<hbm>>
      %dma_wait3A_69 = arith.constant 0 : i32
      %dma_wait3A_70 = tpu.memref_slice %arg11[%add3A_53, %dma_wait3A_69] : memref<10240x64xf32, #tpu.memory_space<vmem_shared>> -> memref<128x64xf32, #tpu.memory_space<vmem_shared>>
      tpu.wait_dma2 semaphore(%run_scoped3A_61 : memref<!tpu.dma_semaphore, #tpu.memory_space<semaphore_mem>>) src(%dma_wait3A_70 : memref<128x64xf32, #tpu.memory_space<vmem_shared>>) dst(%dma_wait3A_68 : memref<128x64xf32, #tpu.memory_space<hbm>>)
      tpu.yield
    }) : () -> ()
    %add3A_54 = arith.constant 512 : i32
    %add3A_55 = arith.addi %mul3A_6, %add3A_54 : i32
    "tpu.region"() ({
      %run_scoped3A_61 = tpu.sem_alloc : memref<!tpu.dma_semaphore, #tpu.memory_space<semaphore_mem>>
      %dma_start3A_62 = arith.constant 0 : i32
      %dma_start3A_63 = tpu.memref_slice %arg5[%arg0, %add3A_55, %dma_start3A_62] : memref<2x10240x64xf32, #tpu.memory_space<hbm>> -> memref<1x128x64xf32, #tpu.memory_space<hbm>>
      %dma_start3A_64 = tpu.memref_squeeze %dma_start3A_63 : memref<1x128x64xf32, #tpu.memory_space<hbm>> -> memref<128x64xf32, #tpu.memory_space<hbm>>
      %dma_start3A_65 = arith.constant 0 : i32
      %dma_start3A_66 = tpu.memref_slice %arg11[%add3A_55, %dma_start3A_65] : memref<10240x64xf32, #tpu.memory_space<vmem_shared>> -> memref<128x64xf32, #tpu.memory_space<vmem_shared>>
      tpu.enqueue_dma source(%dma_start3A_66 : memref<128x64xf32, #tpu.memory_space<vmem_shared>>) target(%dma_start3A_64 : memref<128x64xf32, #tpu.memory_space<hbm>>) target_semaphore(%run_scoped3A_61 : memref<!tpu.dma_semaphore, #tpu.memory_space<semaphore_mem>>)
      %dma_wait3A = arith.constant 0 : i32
      %dma_wait3A_67 = tpu.memref_slice %arg5[%arg0, %add3A_55, %dma_wait3A] : memref<2x10240x64xf32, #tpu.memory_space<hbm>> -> memref<1x128x64xf32, #tpu.memory_space<hbm>>
      %dma_wait3A_68 = tpu.memref_squeeze %dma_wait3A_67 : memref<1x128x64xf32, #tpu.memory_space<hbm>> -> memref<128x64xf32, #tpu.memory_space<hbm>>
      %dma_wait3A_69 = arith.constant 0 : i32
      %dma_wait3A_70 = tpu.memref_slice %arg11[%add3A_55, %dma_wait3A_69] : memref<10240x64xf32, #tpu.memory_space<vmem_shared>> -> memref<128x64xf32, #tpu.memory_space<vmem_shared>>
      tpu.wait_dma2 semaphore(%run_scoped3A_61 : memref<!tpu.dma_semaphore, #tpu.memory_space<semaphore_mem>>) src(%dma_wait3A_70 : memref<128x64xf32, #tpu.memory_space<vmem_shared>>) dst(%dma_wait3A_68 : memref<128x64xf32, #tpu.memory_space<hbm>>)
      tpu.yield
    }) : () -> ()
    %eq3A_56 = arith.constant 0 : i32
    %eq3A_57 = arith.cmpi eq, %arg0, %eq3A_56 : i32
    %convert_element_type3A_58 = arith.extui %eq3A_57 : i1 to i32
    %cond3A_59 = arith.constant 0 : i32
    %cond3A_60 = arith.cmpi ne, %convert_element_type3A_58, %cond3A_59 : i32
    scf.if %cond3A_60 {
      "tpu.region"() ({
        %run_scoped3A_61 = tpu.sem_alloc : memref<!tpu.dma_semaphore, #tpu.memory_space<semaphore_mem>>
        %dma_start3A_62 = arith.constant 0 : i32
        %dma_start3A_63 = tpu.memref_slice %arg6[%arg1, %dma_start3A_62] : memref<16x10240xf32, #tpu.memory_space<hbm>> -> memref<1x10240xf32, #tpu.memory_space<hbm>>
        %dma_start3A_64 = tpu.memref_squeeze %dma_start3A_63 : memref<1x10240xf32, #tpu.memory_space<hbm>> -> memref<10240xf32, #tpu.memory_space<hbm>>
        %dma_start3A_65 = arith.constant 0 : i32
        %dma_start3A_66 = tpu.memref_slice %arg6[%arg1, %dma_start3A_65] : memref<16x10240xf32, #tpu.memory_space<hbm>> -> memref<1x10240xf32, #tpu.memory_space<hbm>>
        %dma_start3A_67 = tpu.memref_squeeze %dma_start3A_66 : memref<1x10240xf32, #tpu.memory_space<hbm>> -> memref<10240xf32, #tpu.memory_space<hbm>>
        tpu.enqueue_dma source(%arg10 : memref<10240xf32, #tpu.memory_space<vmem>>) target(%dma_start3A_67 : memref<10240xf32, #tpu.memory_space<hbm>>) target_semaphore(%run_scoped3A_61 : memref<!tpu.dma_semaphore, #tpu.memory_space<semaphore_mem>>)
        %dma_wait3A = arith.constant 0 : i32
        %dma_wait3A_68 = tpu.memref_slice %arg6[%arg1, %dma_wait3A] : memref<16x10240xf32, #tpu.memory_space<hbm>> -> memref<1x10240xf32, #tpu.memory_space<hbm>>
        %dma_wait3A_69 = tpu.memref_squeeze %dma_wait3A_68 : memref<1x10240xf32, #tpu.memory_space<hbm>> -> memref<10240xf32, #tpu.memory_space<hbm>>
        %dma_wait3A_70 = arith.constant 0 : i32
        %dma_wait3A_71 = tpu.memref_slice %arg6[%arg1, %dma_wait3A_70] : memref<16x10240xf32, #tpu.memory_space<hbm>> -> memref<1x10240xf32, #tpu.memory_space<hbm>>
        %dma_wait3A_72 = tpu.memref_squeeze %dma_wait3A_71 : memref<1x10240xf32, #tpu.memory_space<hbm>> -> memref<10240xf32, #tpu.memory_space<hbm>>
        tpu.wait_dma2 semaphore(%run_scoped3A_61 : memref<!tpu.dma_semaphore, #tpu.memory_space<semaphore_mem>>) src(%arg10 : memref<10240xf32, #tpu.memory_space<vmem>>) dst(%dma_wait3A_72 : memref<10240xf32, #tpu.memory_space<hbm>>)
        tpu.yield
      }) : () -> ()
    } else {
    }
    return
  }
}

module attributes {stable_mosaic.version = 14 : i64} {
  func.func @_gidx_body(%arg0: memref<2512x128xi32, #tpu.memory_space<vmem>>, %arg1: memref<2512x128xi32, #tpu.memory_space<vmem>>, %arg2: memref<2512x128xi32, #tpu.memory_space<vmem>>) attributes {dimension_semantics = [], scalar_prefetch = 0 : i64, scratch_operands = 0 : i64, tpu.core_type = #tpu.core_type<tc>} {
    %get3A = arith.constant 0 : index
    %get3A_0 = arith.constant 0 : index
    %get3A_1 = vector.load %arg0[%get3A, %get3A_0] : memref<2512x128xi32, #tpu.memory_space<vmem>>, vector<2512x128xi32>
    %and3A = arith.constant 511 : i32
    %and3A_2 = vector.broadcast %and3A : i32 to vector<2512x128xi32>
    %and3A_3 = arith.andi %get3A_1, %and3A_2 : vector<2512x128xi32>
    %get3A_4 = arith.constant 0 : index
    %get3A_5 = arith.constant 0 : index
    %get3A_6 = vector.load %arg1[%get3A_4, %get3A_5] : memref<2512x128xi32, #tpu.memory_space<vmem>>, vector<2512x128xi32>
    %mul3A = arith.constant 10240 : i32
    %mul3A_7 = vector.broadcast %mul3A : i32 to vector<2512x128xi32>
    %mul3A_8 = arith.muli %get3A_6, %mul3A_7 : vector<2512x128xi32>
    %and3A_9 = arith.constant -512 : i32
    %and3A_10 = vector.broadcast %and3A_9 : i32 to vector<2512x128xi32>
    %and3A_11 = arith.andi %get3A_1, %and3A_10 : vector<2512x128xi32>
    %add3A = arith.addi %mul3A_8, %and3A_11 : vector<2512x128xi32>
    %and3A_12 = arith.constant 255 : i32
    %and3A_13 = vector.broadcast %and3A_12 : i32 to vector<2512x128xi32>
    %and3A_14 = arith.andi %and3A_3, %and3A_13 : vector<2512x128xi32>
    %mul3A_15 = arith.constant 2 : i32
    %mul3A_16 = vector.broadcast %mul3A_15 : i32 to vector<2512x128xi32>
    %mul3A_17 = arith.muli %mul3A_16, %and3A_14 : vector<2512x128xi32>
    %add3A_18 = arith.addi %add3A, %mul3A_17 : vector<2512x128xi32>
    %shift_right_arithmetic3A = arith.constant 8 : i32
    %shift_right_arithmetic3A_19 = vector.broadcast %shift_right_arithmetic3A : i32 to vector<2512x128xi32>
    %shift_right_arithmetic3A_20 = arith.shrsi %and3A_3, %shift_right_arithmetic3A_19 : vector<2512x128xi32>
    %add3A_21 = arith.addi %add3A_18, %shift_right_arithmetic3A_20 : vector<2512x128xi32>
    %swap3A = arith.constant 0 : index
    %swap3A_22 = arith.constant 0 : index
    %swap3A_23 = vector.load %arg2[%swap3A, %swap3A_22] : memref<2512x128xi32, #tpu.memory_space<vmem>>, vector<2512x128xi32>
    tpu.vector_store %arg2[%swap3A, %swap3A_22], %add3A_21 {strides = array<i32>} : memref<2512x128xi32, #tpu.memory_space<vmem>>, vector<2512x128xi32>,
    return
  }
}

module attributes {stable_mosaic.version = 14 : i64} {
  func.func @_dense_body(%arg0: i32, %arg1: memref<512x128xf32, #tpu.memory_space<vmem>>, %arg2: memref<8x128x128xf32, #tpu.memory_space<vmem>>, %arg3: memref<128x128xf32, #tpu.memory_space<vmem>>, %arg4: memref<2x8x256x128xf32, #tpu.memory_space<vmem>>, %arg5: memref<512x128xf32, #tpu.memory_space<vmem>>) attributes {dimension_semantics = [#tpu.dimension_semantics<arbitrary>], iteration_bounds = array<i64: 20>, scalar_prefetch = 0 : i64, scratch_operands = 0 : i64, tpu.core_type = #tpu.core_type<tc>, window_params = [{transform_indices = @transform_0, window_bounds = array<i64: 512, 128>}, {pipeline_mode = #tpu.pipeline_mode<synchronous>, transform_indices = @transform_1, window_bounds = array<i64: 8, 128, 128>}, {pipeline_mode = #tpu.pipeline_mode<synchronous>, transform_indices = @transform_2, window_bounds = array<i64: 128, 128>}, {transform_indices = @transform_3, window_bounds = array<i64: 2, 8, 256, 128>}, {transform_indices = @transform_4, window_bounds = array<i64: 512, 128>}]} {
    %get3A = arith.constant 0 : index
    %get3A_0 = arith.constant 0 : index
    %get3A_1 = vector.load %arg1[%get3A, %get3A_0] : memref<512x128xf32, #tpu.memory_space<vmem>>, vector<512x128xf32>
    %get3A_2 = arith.constant 0 : index
    %get3A_3 = arith.constant 0 : index
    %get3A_4 = arith.constant 0 : index
    %get3A_5 = vector.load %arg2[%get3A_2, %get3A_3, %get3A_4] : memref<8x128x128xf32, #tpu.memory_space<vmem>>, vector<1x128x128xf32>
    %get3A_6 = vector.shape_cast %get3A_5 : vector<1x128x128xf32> to vector<128x128xf32>
    %dot_general3A = arith.constant dense<0.000000e+00> : vector<512x128xf32>
    %dot_general3A_7 = tpu.matmul %get3A_1, %get3A_6, %dot_general3A {dimension_numbers = #tpu.dot_dimension_numbers<[1], [0], [0], [1], [0, 0, 1, 1], [], []>, transpose_lhs_hint = false} : vector<512x128xf32>, vector<128x128xf32>, vector<512x128xf32> -> vector<512x128xf32>
    %slice3A = vector.extract_strided_slice %dot_general3A_7 {offsets = [0, 0], sizes = [512, 64], strides = [1, 1]} : vector<512x128xf32> to vector<512x64xf32>
    %slice3A_8 = vector.extract_strided_slice %dot_general3A_7 {offsets = [0, 64], sizes = [512, 64], strides = [1, 1]} : vector<512x128xf32> to vector<512x64xf32>
    %slice3A_9 = vector.extract_strided_slice %slice3A {offsets = [0, 0], sizes = [256, 64], strides = [1, 1]} : vector<512x64xf32> to vector<256x64xf32>
    %slice3A_10 = vector.extract_strided_slice %slice3A {offsets = [256, 0], sizes = [256, 64], strides = [1, 1]} : vector<512x64xf32> to vector<256x64xf32>
    %concatenate3A = tpu.concatenate %slice3A_9, %slice3A_10 in 1 : vector<256x64xf32>, vector<256x64xf32> -> vector<256x128xf32>
    %swap3A = arith.constant 0 : index
    %swap3A_11 = arith.constant 0 : index
    %swap3A_12 = arith.constant 0 : index
    %swap3A_13 = arith.constant 0 : index
    %swap3A_14 = vector.load %arg4[%swap3A, %swap3A_11, %swap3A_12, %swap3A_13] : memref<2x8x256x128xf32, #tpu.memory_space<vmem>>, vector<1x1x256x128xf32>
    %swap3A_15 = vector.shape_cast %swap3A_14 : vector<1x1x256x128xf32> to vector<256x128xf32>
    %swap3A_16 = vector.shape_cast %concatenate3A : vector<256x128xf32> to vector<1x1x256x128xf32>
    tpu.vector_store %arg4[%swap3A, %swap3A_11, %swap3A_12, %swap3A_13], %swap3A_16 {strides = array<i32>} : memref<2x8x256x128xf32, #tpu.memory_space<vmem>>, vector<1x1x256x128xf32>,
    %slice3A_17 = vector.extract_strided_slice %slice3A_8 {offsets = [0, 0], sizes = [256, 64], strides = [1, 1]} : vector<512x64xf32> to vector<256x64xf32>
    %slice3A_18 = vector.extract_strided_slice %slice3A_8 {offsets = [256, 0], sizes = [256, 64], strides = [1, 1]} : vector<512x64xf32> to vector<256x64xf32>
    %concatenate3A_19 = tpu.concatenate %slice3A_17, %slice3A_18 in 1 : vector<256x64xf32>, vector<256x64xf32> -> vector<256x128xf32>
    %swap3A_20 = arith.constant 1 : index
    %swap3A_21 = arith.constant 0 : index
    %swap3A_22 = arith.constant 0 : index
    %swap3A_23 = arith.constant 0 : index
    %swap3A_24 = vector.load %arg4[%swap3A_20, %swap3A_21, %swap3A_22, %swap3A_23] : memref<2x8x256x128xf32, #tpu.memory_space<vmem>>, vector<1x1x256x128xf32>
    %swap3A_25 = vector.shape_cast %swap3A_24 : vector<1x1x256x128xf32> to vector<256x128xf32>
    %swap3A_26 = vector.shape_cast %concatenate3A_19 : vector<256x128xf32> to vector<1x1x256x128xf32>
    tpu.vector_store %arg4[%swap3A_20, %swap3A_21, %swap3A_22, %swap3A_23], %swap3A_26 {strides = array<i32>} : memref<2x8x256x128xf32, #tpu.memory_space<vmem>>, vector<1x1x256x128xf32>,
    %get3A_27 = arith.constant 1 : index
    %get3A_28 = arith.constant 0 : index
    %get3A_29 = arith.constant 0 : index
    %get3A_30 = vector.load %arg2[%get3A_27, %get3A_28, %get3A_29] : memref<8x128x128xf32, #tpu.memory_space<vmem>>, vector<1x128x128xf32>
    %get3A_31 = vector.shape_cast %get3A_30 : vector<1x128x128xf32> to vector<128x128xf32>
    %dot_general3A_32 = arith.constant dense<0.000000e+00> : vector<512x128xf32>
    %dot_general3A_33 = tpu.matmul %get3A_1, %get3A_31, %dot_general3A_32 {dimension_numbers = #tpu.dot_dimension_numbers<[1], [0], [0], [1], [0, 0, 1, 1], [], []>, transpose_lhs_hint = false} : vector<512x128xf32>, vector<128x128xf32>, vector<512x128xf32> -> vector<512x128xf32>
    %slice3A_34 = vector.extract_strided_slice %dot_general3A_33 {offsets = [0, 0], sizes = [512, 64], strides = [1, 1]} : vector<512x128xf32> to vector<512x64xf32>
    %slice3A_35 = vector.extract_strided_slice %dot_general3A_33 {offsets = [0, 64], sizes = [512, 64], strides = [1, 1]} : vector<512x128xf32> to vector<512x64xf32>
    %slice3A_36 = vector.extract_strided_slice %slice3A_34 {offsets = [0, 0], sizes = [256, 64], strides = [1, 1]} : vector<512x64xf32> to vector<256x64xf32>
    %slice3A_37 = vector.extract_strided_slice %slice3A_34 {offsets = [256, 0], sizes = [256, 64], strides = [1, 1]} : vector<512x64xf32> to vector<256x64xf32>
    %concatenate3A_38 = tpu.concatenate %slice3A_36, %slice3A_37 in 1 : vector<256x64xf32>, vector<256x64xf32> -> vector<256x128xf32>
    %swap3A_39 = arith.constant 0 : index
    %swap3A_40 = arith.constant 1 : index
    %swap3A_41 = arith.constant 0 : index
    %swap3A_42 = arith.constant 0 : index
    %swap3A_43 = vector.load %arg4[%swap3A_39, %swap3A_40, %swap3A_41, %swap3A_42] : memref<2x8x256x128xf32, #tpu.memory_space<vmem>>, vector<1x1x256x128xf32>
    %swap3A_44 = vector.shape_cast %swap3A_43 : vector<1x1x256x128xf32> to vector<256x128xf32>
    %swap3A_45 = vector.shape_cast %concatenate3A_38 : vector<256x128xf32> to vector<1x1x256x128xf32>
    tpu.vector_store %arg4[%swap3A_39, %swap3A_40, %swap3A_41, %swap3A_42], %swap3A_45 {strides = array<i32>} : memref<2x8x256x128xf32, #tpu.memory_space<vmem>>, vector<1x1x256x128xf32>,
    %slice3A_46 = vector.extract_strided_slice %slice3A_35 {offsets = [0, 0], sizes = [256, 64], strides = [1, 1]} : vector<512x64xf32> to vector<256x64xf32>
    %slice3A_47 = vector.extract_strided_slice %slice3A_35 {offsets = [256, 0], sizes = [256, 64], strides = [1, 1]} : vector<512x64xf32> to vector<256x64xf32>
    %concatenate3A_48 = tpu.concatenate %slice3A_46, %slice3A_47 in 1 : vector<256x64xf32>, vector<256x64xf32> -> vector<256x128xf32>
    %swap3A_49 = arith.constant 1 : index
    %swap3A_50 = arith.constant 1 : index
    %swap3A_51 = arith.constant 0 : index
    %swap3A_52 = arith.constant 0 : index
    %swap3A_53 = vector.load %arg4[%swap3A_49, %swap3A_50, %swap3A_51, %swap3A_52] : memref<2x8x256x128xf32, #tpu.memory_space<vmem>>, vector<1x1x256x128xf32>
    %swap3A_54 = vector.shape_cast %swap3A_53 : vector<1x1x256x128xf32> to vector<256x128xf32>
    %swap3A_55 = vector.shape_cast %concatenate3A_48 : vector<256x128xf32> to vector<1x1x256x128xf32>
    tpu.vector_store %arg4[%swap3A_49, %swap3A_50, %swap3A_51, %swap3A_52], %swap3A_55 {strides = array<i32>} : memref<2x8x256x128xf32, #tpu.memory_space<vmem>>, vector<1x1x256x128xf32>,
    %get3A_56 = arith.constant 2 : index
    %get3A_57 = arith.constant 0 : index
    %get3A_58 = arith.constant 0 : index
    %get3A_59 = vector.load %arg2[%get3A_56, %get3A_57, %get3A_58] : memref<8x128x128xf32, #tpu.memory_space<vmem>>, vector<1x128x128xf32>
    %get3A_60 = vector.shape_cast %get3A_59 : vector<1x128x128xf32> to vector<128x128xf32>
    %dot_general3A_61 = arith.constant dense<0.000000e+00> : vector<512x128xf32>
    %dot_general3A_62 = tpu.matmul %get3A_1, %get3A_60, %dot_general3A_61 {dimension_numbers = #tpu.dot_dimension_numbers<[1], [0], [0], [1], [0, 0, 1, 1], [], []>, transpose_lhs_hint = false} : vector<512x128xf32>, vector<128x128xf32>, vector<512x128xf32> -> vector<512x128xf32>
    %slice3A_63 = vector.extract_strided_slice %dot_general3A_62 {offsets = [0, 0], sizes = [512, 64], strides = [1, 1]} : vector<512x128xf32> to vector<512x64xf32>
    %slice3A_64 = vector.extract_strided_slice %dot_general3A_62 {offsets = [0, 64], sizes = [512, 64], strides = [1, 1]} : vector<512x128xf32> to vector<512x64xf32>
    %slice3A_65 = vector.extract_strided_slice %slice3A_63 {offsets = [0, 0], sizes = [256, 64], strides = [1, 1]} : vector<512x64xf32> to vector<256x64xf32>
    %slice3A_66 = vector.extract_strided_slice %slice3A_63 {offsets = [256, 0], sizes = [256, 64], strides = [1, 1]} : vector<512x64xf32> to vector<256x64xf32>
    %concatenate3A_67 = tpu.concatenate %slice3A_65, %slice3A_66 in 1 : vector<256x64xf32>, vector<256x64xf32> -> vector<256x128xf32>
    %swap3A_68 = arith.constant 0 : index
    %swap3A_69 = arith.constant 2 : index
    %swap3A_70 = arith.constant 0 : index
    %swap3A_71 = arith.constant 0 : index
    %swap3A_72 = vector.load %arg4[%swap3A_68, %swap3A_69, %swap3A_70, %swap3A_71] : memref<2x8x256x128xf32, #tpu.memory_space<vmem>>, vector<1x1x256x128xf32>
    %swap3A_73 = vector.shape_cast %swap3A_72 : vector<1x1x256x128xf32> to vector<256x128xf32>
    %swap3A_74 = vector.shape_cast %concatenate3A_67 : vector<256x128xf32> to vector<1x1x256x128xf32>
    tpu.vector_store %arg4[%swap3A_68, %swap3A_69, %swap3A_70, %swap3A_71], %swap3A_74 {strides = array<i32>} : memref<2x8x256x128xf32, #tpu.memory_space<vmem>>, vector<1x1x256x128xf32>,
    %slice3A_75 = vector.extract_strided_slice %slice3A_64 {offsets = [0, 0], sizes = [256, 64], strides = [1, 1]} : vector<512x64xf32> to vector<256x64xf32>
    %slice3A_76 = vector.extract_strided_slice %slice3A_64 {offsets = [256, 0], sizes = [256, 64], strides = [1, 1]} : vector<512x64xf32> to vector<256x64xf32>
    %concatenate3A_77 = tpu.concatenate %slice3A_75, %slice3A_76 in 1 : vector<256x64xf32>, vector<256x64xf32> -> vector<256x128xf32>
    %swap3A_78 = arith.constant 1 : index
    %swap3A_79 = arith.constant 2 : index
    %swap3A_80 = arith.constant 0 : index
    %swap3A_81 = arith.constant 0 : index
    %swap3A_82 = vector.load %arg4[%swap3A_78, %swap3A_79, %swap3A_80, %swap3A_81] : memref<2x8x256x128xf32, #tpu.memory_space<vmem>>, vector<1x1x256x128xf32>
    %swap3A_83 = vector.shape_cast %swap3A_82 : vector<1x1x256x128xf32> to vector<256x128xf32>
    %swap3A_84 = vector.shape_cast %concatenate3A_77 : vector<256x128xf32> to vector<1x1x256x128xf32>
    tpu.vector_store %arg4[%swap3A_78, %swap3A_79, %swap3A_80, %swap3A_81], %swap3A_84 {strides = array<i32>} : memref<2x8x256x128xf32, #tpu.memory_space<vmem>>, vector<1x1x256x128xf32>,
    %get3A_85 = arith.constant 3 : index
    %get3A_86 = arith.constant 0 : index
    %get3A_87 = arith.constant 0 : index
    %get3A_88 = vector.load %arg2[%get3A_85, %get3A_86, %get3A_87] : memref<8x128x128xf32, #tpu.memory_space<vmem>>, vector<1x128x128xf32>
    %get3A_89 = vector.shape_cast %get3A_88 : vector<1x128x128xf32> to vector<128x128xf32>
    %dot_general3A_90 = arith.constant dense<0.000000e+00> : vector<512x128xf32>
    %dot_general3A_91 = tpu.matmul %get3A_1, %get3A_89, %dot_general3A_90 {dimension_numbers = #tpu.dot_dimension_numbers<[1], [0], [0], [1], [0, 0, 1, 1], [], []>, transpose_lhs_hint = false} : vector<512x128xf32>, vector<128x128xf32>, vector<512x128xf32> -> vector<512x128xf32>
    %slice3A_92 = vector.extract_strided_slice %dot_general3A_91 {offsets = [0, 0], sizes = [512, 64], strides = [1, 1]} : vector<512x128xf32> to vector<512x64xf32>
    %slice3A_93 = vector.extract_strided_slice %dot_general3A_91 {offsets = [0, 64], sizes = [512, 64], strides = [1, 1]} : vector<512x128xf32> to vector<512x64xf32>
    %slice3A_94 = vector.extract_strided_slice %slice3A_92 {offsets = [0, 0], sizes = [256, 64], strides = [1, 1]} : vector<512x64xf32> to vector<256x64xf32>
    %slice3A_95 = vector.extract_strided_slice %slice3A_92 {offsets = [256, 0], sizes = [256, 64], strides = [1, 1]} : vector<512x64xf32> to vector<256x64xf32>
    %concatenate3A_96 = tpu.concatenate %slice3A_94, %slice3A_95 in 1 : vector<256x64xf32>, vector<256x64xf32> -> vector<256x128xf32>
    %swap3A_97 = arith.constant 0 : index
    %swap3A_98 = arith.constant 3 : index
    %swap3A_99 = arith.constant 0 : index
    %swap3A_100 = arith.constant 0 : index
    %swap3A_101 = vector.load %arg4[%swap3A_97, %swap3A_98, %swap3A_99, %swap3A_100] : memref<2x8x256x128xf32, #tpu.memory_space<vmem>>, vector<1x1x256x128xf32>
    %swap3A_102 = vector.shape_cast %swap3A_101 : vector<1x1x256x128xf32> to vector<256x128xf32>
    %swap3A_103 = vector.shape_cast %concatenate3A_96 : vector<256x128xf32> to vector<1x1x256x128xf32>
    tpu.vector_store %arg4[%swap3A_97, %swap3A_98, %swap3A_99, %swap3A_100], %swap3A_103 {strides = array<i32>} : memref<2x8x256x128xf32, #tpu.memory_space<vmem>>, vector<1x1x256x128xf32>,
    %slice3A_104 = vector.extract_strided_slice %slice3A_93 {offsets = [0, 0], sizes = [256, 64], strides = [1, 1]} : vector<512x64xf32> to vector<256x64xf32>
    %slice3A_105 = vector.extract_strided_slice %slice3A_93 {offsets = [256, 0], sizes = [256, 64], strides = [1, 1]} : vector<512x64xf32> to vector<256x64xf32>
    %concatenate3A_106 = tpu.concatenate %slice3A_104, %slice3A_105 in 1 : vector<256x64xf32>, vector<256x64xf32> -> vector<256x128xf32>
    %swap3A_107 = arith.constant 1 : index
    %swap3A_108 = arith.constant 3 : index
    %swap3A_109 = arith.constant 0 : index
    %swap3A_110 = arith.constant 0 : index
    %swap3A_111 = vector.load %arg4[%swap3A_107, %swap3A_108, %swap3A_109, %swap3A_110] : memref<2x8x256x128xf32, #tpu.memory_space<vmem>>, vector<1x1x256x128xf32>
    %swap3A_112 = vector.shape_cast %swap3A_111 : vector<1x1x256x128xf32> to vector<256x128xf32>
    %swap3A_113 = vector.shape_cast %concatenate3A_106 : vector<256x128xf32> to vector<1x1x256x128xf32>
    tpu.vector_store %arg4[%swap3A_107, %swap3A_108, %swap3A_109, %swap3A_110], %swap3A_113 {strides = array<i32>} : memref<2x8x256x128xf32, #tpu.memory_space<vmem>>, vector<1x1x256x128xf32>,
    %get3A_114 = arith.constant 4 : index
    %get3A_115 = arith.constant 0 : index
    %get3A_116 = arith.constant 0 : index
    %get3A_117 = vector.load %arg2[%get3A_114, %get3A_115, %get3A_116] : memref<8x128x128xf32, #tpu.memory_space<vmem>>, vector<1x128x128xf32>
    %get3A_118 = vector.shape_cast %get3A_117 : vector<1x128x128xf32> to vector<128x128xf32>
    %dot_general3A_119 = arith.constant dense<0.000000e+00> : vector<512x128xf32>
    %dot_general3A_120 = tpu.matmul %get3A_1, %get3A_118, %dot_general3A_119 {dimension_numbers = #tpu.dot_dimension_numbers<[1], [0], [0], [1], [0, 0, 1, 1], [], []>, transpose_lhs_hint = false} : vector<512x128xf32>, vector<128x128xf32>, vector<512x128xf32> -> vector<512x128xf32>
    %slice3A_121 = vector.extract_strided_slice %dot_general3A_120 {offsets = [0, 0], sizes = [512, 64], strides = [1, 1]} : vector<512x128xf32> to vector<512x64xf32>
    %slice3A_122 = vector.extract_strided_slice %dot_general3A_120 {offsets = [0, 64], sizes = [512, 64], strides = [1, 1]} : vector<512x128xf32> to vector<512x64xf32>
    %slice3A_123 = vector.extract_strided_slice %slice3A_121 {offsets = [0, 0], sizes = [256, 64], strides = [1, 1]} : vector<512x64xf32> to vector<256x64xf32>
    %slice3A_124 = vector.extract_strided_slice %slice3A_121 {offsets = [256, 0], sizes = [256, 64], strides = [1, 1]} : vector<512x64xf32> to vector<256x64xf32>
    %concatenate3A_125 = tpu.concatenate %slice3A_123, %slice3A_124 in 1 : vector<256x64xf32>, vector<256x64xf32> -> vector<256x128xf32>
    %swap3A_126 = arith.constant 0 : index
    %swap3A_127 = arith.constant 4 : index
    %swap3A_128 = arith.constant 0 : index
    %swap3A_129 = arith.constant 0 : index
    %swap3A_130 = vector.load %arg4[%swap3A_126, %swap3A_127, %swap3A_128, %swap3A_129] : memref<2x8x256x128xf32, #tpu.memory_space<vmem>>, vector<1x1x256x128xf32>
    %swap3A_131 = vector.shape_cast %swap3A_130 : vector<1x1x256x128xf32> to vector<256x128xf32>
    %swap3A_132 = vector.shape_cast %concatenate3A_125 : vector<256x128xf32> to vector<1x1x256x128xf32>
    tpu.vector_store %arg4[%swap3A_126, %swap3A_127, %swap3A_128, %swap3A_129], %swap3A_132 {strides = array<i32>} : memref<2x8x256x128xf32, #tpu.memory_space<vmem>>, vector<1x1x256x128xf32>,
    %slice3A_133 = vector.extract_strided_slice %slice3A_122 {offsets = [0, 0], sizes = [256, 64], strides = [1, 1]} : vector<512x64xf32> to vector<256x64xf32>
    %slice3A_134 = vector.extract_strided_slice %slice3A_122 {offsets = [256, 0], sizes = [256, 64], strides = [1, 1]} : vector<512x64xf32> to vector<256x64xf32>
    %concatenate3A_135 = tpu.concatenate %slice3A_133, %slice3A_134 in 1 : vector<256x64xf32>, vector<256x64xf32> -> vector<256x128xf32>
    %swap3A_136 = arith.constant 1 : index
    %swap3A_137 = arith.constant 4 : index
    %swap3A_138 = arith.constant 0 : index
    %swap3A_139 = arith.constant 0 : index
    %swap3A_140 = vector.load %arg4[%swap3A_136, %swap3A_137, %swap3A_138, %swap3A_139] : memref<2x8x256x128xf32, #tpu.memory_space<vmem>>, vector<1x1x256x128xf32>
    %swap3A_141 = vector.shape_cast %swap3A_140 : vector<1x1x256x128xf32> to vector<256x128xf32>
    %swap3A_142 = vector.shape_cast %concatenate3A_135 : vector<256x128xf32> to vector<1x1x256x128xf32>
    tpu.vector_store %arg4[%swap3A_136, %swap3A_137, %swap3A_138, %swap3A_139], %swap3A_142 {strides = array<i32>} : memref<2x8x256x128xf32, #tpu.memory_space<vmem>>, vector<1x1x256x128xf32>,
    %get3A_143 = arith.constant 5 : index
    %get3A_144 = arith.constant 0 : index
    %get3A_145 = arith.constant 0 : index
    %get3A_146 = vector.load %arg2[%get3A_143, %get3A_144, %get3A_145] : memref<8x128x128xf32, #tpu.memory_space<vmem>>, vector<1x128x128xf32>
    %get3A_147 = vector.shape_cast %get3A_146 : vector<1x128x128xf32> to vector<128x128xf32>
    %dot_general3A_148 = arith.constant dense<0.000000e+00> : vector<512x128xf32>
    %dot_general3A_149 = tpu.matmul %get3A_1, %get3A_147, %dot_general3A_148 {dimension_numbers = #tpu.dot_dimension_numbers<[1], [0], [0], [1], [0, 0, 1, 1], [], []>, transpose_lhs_hint = false} : vector<512x128xf32>, vector<128x128xf32>, vector<512x128xf32> -> vector<512x128xf32>
    %slice3A_150 = vector.extract_strided_slice %dot_general3A_149 {offsets = [0, 0], sizes = [512, 64], strides = [1, 1]} : vector<512x128xf32> to vector<512x64xf32>
    %slice3A_151 = vector.extract_strided_slice %dot_general3A_149 {offsets = [0, 64], sizes = [512, 64], strides = [1, 1]} : vector<512x128xf32> to vector<512x64xf32>
    %slice3A_152 = vector.extract_strided_slice %slice3A_150 {offsets = [0, 0], sizes = [256, 64], strides = [1, 1]} : vector<512x64xf32> to vector<256x64xf32>
    %slice3A_153 = vector.extract_strided_slice %slice3A_150 {offsets = [256, 0], sizes = [256, 64], strides = [1, 1]} : vector<512x64xf32> to vector<256x64xf32>
    %concatenate3A_154 = tpu.concatenate %slice3A_152, %slice3A_153 in 1 : vector<256x64xf32>, vector<256x64xf32> -> vector<256x128xf32>
    %swap3A_155 = arith.constant 0 : index
    %swap3A_156 = arith.constant 5 : index
    %swap3A_157 = arith.constant 0 : index
    %swap3A_158 = arith.constant 0 : index
    %swap3A_159 = vector.load %arg4[%swap3A_155, %swap3A_156, %swap3A_157, %swap3A_158] : memref<2x8x256x128xf32, #tpu.memory_space<vmem>>, vector<1x1x256x128xf32>
    %swap3A_160 = vector.shape_cast %swap3A_159 : vector<1x1x256x128xf32> to vector<256x128xf32>
    %swap3A_161 = vector.shape_cast %concatenate3A_154 : vector<256x128xf32> to vector<1x1x256x128xf32>
    tpu.vector_store %arg4[%swap3A_155, %swap3A_156, %swap3A_157, %swap3A_158], %swap3A_161 {strides = array<i32>} : memref<2x8x256x128xf32, #tpu.memory_space<vmem>>, vector<1x1x256x128xf32>,
    %slice3A_162 = vector.extract_strided_slice %slice3A_151 {offsets = [0, 0], sizes = [256, 64], strides = [1, 1]} : vector<512x64xf32> to vector<256x64xf32>
    %slice3A_163 = vector.extract_strided_slice %slice3A_151 {offsets = [256, 0], sizes = [256, 64], strides = [1, 1]} : vector<512x64xf32> to vector<256x64xf32>
    %concatenate3A_164 = tpu.concatenate %slice3A_162, %slice3A_163 in 1 : vector<256x64xf32>, vector<256x64xf32> -> vector<256x128xf32>
    %swap3A_165 = arith.constant 1 : index
    %swap3A_166 = arith.constant 5 : index
    %swap3A_167 = arith.constant 0 : index
    %swap3A_168 = arith.constant 0 : index
    %swap3A_169 = vector.load %arg4[%swap3A_165, %swap3A_166, %swap3A_167, %swap3A_168] : memref<2x8x256x128xf32, #tpu.memory_space<vmem>>, vector<1x1x256x128xf32>
    %swap3A_170 = vector.shape_cast %swap3A_169 : vector<1x1x256x128xf32> to vector<256x128xf32>
    %swap3A_171 = vector.shape_cast %concatenate3A_164 : vector<256x128xf32> to vector<1x1x256x128xf32>
    tpu.vector_store %arg4[%swap3A_165, %swap3A_166, %swap3A_167, %swap3A_168], %swap3A_171 {strides = array<i32>} : memref<2x8x256x128xf32, #tpu.memory_space<vmem>>, vector<1x1x256x128xf32>,
    %get3A_172 = arith.constant 6 : index
    %get3A_173 = arith.constant 0 : index
    %get3A_174 = arith.constant 0 : index
    %get3A_175 = vector.load %arg2[%get3A_172, %get3A_173, %get3A_174] : memref<8x128x128xf32, #tpu.memory_space<vmem>>, vector<1x128x128xf32>
    %get3A_176 = vector.shape_cast %get3A_175 : vector<1x128x128xf32> to vector<128x128xf32>
    %dot_general3A_177 = arith.constant dense<0.000000e+00> : vector<512x128xf32>
    %dot_general3A_178 = tpu.matmul %get3A_1, %get3A_176, %dot_general3A_177 {dimension_numbers = #tpu.dot_dimension_numbers<[1], [0], [0], [1], [0, 0, 1, 1], [], []>, transpose_lhs_hint = false} : vector<512x128xf32>, vector<128x128xf32>, vector<512x128xf32> -> vector<512x128xf32>
    %slice3A_179 = vector.extract_strided_slice %dot_general3A_178 {offsets = [0, 0], sizes = [512, 64], strides = [1, 1]} : vector<512x128xf32> to vector<512x64xf32>
    %slice3A_180 = vector.extract_strided_slice %dot_general3A_178 {offsets = [0, 64], sizes = [512, 64], strides = [1, 1]} : vector<512x128xf32> to vector<512x64xf32>
    %slice3A_181 = vector.extract_strided_slice %slice3A_179 {offsets = [0, 0], sizes = [256, 64], strides = [1, 1]} : vector<512x64xf32> to vector<256x64xf32>
    %slice3A_182 = vector.extract_strided_slice %slice3A_179 {offsets = [256, 0], sizes = [256, 64], strides = [1, 1]} : vector<512x64xf32> to vector<256x64xf32>
    %concatenate3A_183 = tpu.concatenate %slice3A_181, %slice3A_182 in 1 : vector<256x64xf32>, vector<256x64xf32> -> vector<256x128xf32>
    %swap3A_184 = arith.constant 0 : index
    %swap3A_185 = arith.constant 6 : index
    %swap3A_186 = arith.constant 0 : index
    %swap3A_187 = arith.constant 0 : index
    %swap3A_188 = vector.load %arg4[%swap3A_184, %swap3A_185, %swap3A_186, %swap3A_187] : memref<2x8x256x128xf32, #tpu.memory_space<vmem>>, vector<1x1x256x128xf32>
    %swap3A_189 = vector.shape_cast %swap3A_188 : vector<1x1x256x128xf32> to vector<256x128xf32>
    %swap3A_190 = vector.shape_cast %concatenate3A_183 : vector<256x128xf32> to vector<1x1x256x128xf32>
    tpu.vector_store %arg4[%swap3A_184, %swap3A_185, %swap3A_186, %swap3A_187], %swap3A_190 {strides = array<i32>} : memref<2x8x256x128xf32, #tpu.memory_space<vmem>>, vector<1x1x256x128xf32>,
    %slice3A_191 = vector.extract_strided_slice %slice3A_180 {offsets = [0, 0], sizes = [256, 64], strides = [1, 1]} : vector<512x64xf32> to vector<256x64xf32>
    %slice3A_192 = vector.extract_strided_slice %slice3A_180 {offsets = [256, 0], sizes = [256, 64], strides = [1, 1]} : vector<512x64xf32> to vector<256x64xf32>
    %concatenate3A_193 = tpu.concatenate %slice3A_191, %slice3A_192 in 1 : vector<256x64xf32>, vector<256x64xf32> -> vector<256x128xf32>
    %swap3A_194 = arith.constant 1 : index
    %swap3A_195 = arith.constant 6 : index
    %swap3A_196 = arith.constant 0 : index
    %swap3A_197 = arith.constant 0 : index
    %swap3A_198 = vector.load %arg4[%swap3A_194, %swap3A_195, %swap3A_196, %swap3A_197] : memref<2x8x256x128xf32, #tpu.memory_space<vmem>>, vector<1x1x256x128xf32>
    %swap3A_199 = vector.shape_cast %swap3A_198 : vector<1x1x256x128xf32> to vector<256x128xf32>
    %swap3A_200 = vector.shape_cast %concatenate3A_193 : vector<256x128xf32> to vector<1x1x256x128xf32>
    tpu.vector_store %arg4[%swap3A_194, %swap3A_195, %swap3A_196, %swap3A_197], %swap3A_200 {strides = array<i32>} : memref<2x8x256x128xf32, #tpu.memory_space<vmem>>, vector<1x1x256x128xf32>,
    %get3A_201 = arith.constant 7 : index
    %get3A_202 = arith.constant 0 : index
    %get3A_203 = arith.constant 0 : index
    %get3A_204 = vector.load %arg2[%get3A_201, %get3A_202, %get3A_203] : memref<8x128x128xf32, #tpu.memory_space<vmem>>, vector<1x128x128xf32>
    %get3A_205 = vector.shape_cast %get3A_204 : vector<1x128x128xf32> to vector<128x128xf32>
    %dot_general3A_206 = arith.constant dense<0.000000e+00> : vector<512x128xf32>
    %dot_general3A_207 = tpu.matmul %get3A_1, %get3A_205, %dot_general3A_206 {dimension_numbers = #tpu.dot_dimension_numbers<[1], [0], [0], [1], [0, 0, 1, 1], [], []>, transpose_lhs_hint = false} : vector<512x128xf32>, vector<128x128xf32>, vector<512x128xf32> -> vector<512x128xf32>
    %slice3A_208 = vector.extract_strided_slice %dot_general3A_207 {offsets = [0, 0], sizes = [512, 64], strides = [1, 1]} : vector<512x128xf32> to vector<512x64xf32>
    %slice3A_209 = vector.extract_strided_slice %dot_general3A_207 {offsets = [0, 64], sizes = [512, 64], strides = [1, 1]} : vector<512x128xf32> to vector<512x64xf32>
    %slice3A_210 = vector.extract_strided_slice %slice3A_208 {offsets = [0, 0], sizes = [256, 64], strides = [1, 1]} : vector<512x64xf32> to vector<256x64xf32>
    %slice3A_211 = vector.extract_strided_slice %slice3A_208 {offsets = [256, 0], sizes = [256, 64], strides = [1, 1]} : vector<512x64xf32> to vector<256x64xf32>
    %concatenate3A_212 = tpu.concatenate %slice3A_210, %slice3A_211 in 1 : vector<256x64xf32>, vector<256x64xf32> -> vector<256x128xf32>
    %swap3A_213 = arith.constant 0 : index
    %swap3A_214 = arith.constant 7 : index
    %swap3A_215 = arith.constant 0 : index
    %swap3A_216 = arith.constant 0 : index
    %swap3A_217 = vector.load %arg4[%swap3A_213, %swap3A_214, %swap3A_215, %swap3A_216] : memref<2x8x256x128xf32, #tpu.memory_space<vmem>>, vector<1x1x256x128xf32>
    %swap3A_218 = vector.shape_cast %swap3A_217 : vector<1x1x256x128xf32> to vector<256x128xf32>
    %swap3A_219 = vector.shape_cast %concatenate3A_212 : vector<256x128xf32> to vector<1x1x256x128xf32>
    tpu.vector_store %arg4[%swap3A_213, %swap3A_214, %swap3A_215, %swap3A_216], %swap3A_219 {strides = array<i32>} : memref<2x8x256x128xf32, #tpu.memory_space<vmem>>, vector<1x1x256x128xf32>,
    %slice3A_220 = vector.extract_strided_slice %slice3A_209 {offsets = [0, 0], sizes = [256, 64], strides = [1, 1]} : vector<512x64xf32> to vector<256x64xf32>
    %slice3A_221 = vector.extract_strided_slice %slice3A_209 {offsets = [256, 0], sizes = [256, 64], strides = [1, 1]} : vector<512x64xf32> to vector<256x64xf32>
    %concatenate3A_222 = tpu.concatenate %slice3A_220, %slice3A_221 in 1 : vector<256x64xf32>, vector<256x64xf32> -> vector<256x128xf32>
    %swap3A_223 = arith.constant 1 : index
    %swap3A_224 = arith.constant 7 : index
    %swap3A_225 = arith.constant 0 : index
    %swap3A_226 = arith.constant 0 : index
    %swap3A_227 = vector.load %arg4[%swap3A_223, %swap3A_224, %swap3A_225, %swap3A_226] : memref<2x8x256x128xf32, #tpu.memory_space<vmem>>, vector<1x1x256x128xf32>
    %swap3A_228 = vector.shape_cast %swap3A_227 : vector<1x1x256x128xf32> to vector<256x128xf32>
    %swap3A_229 = vector.shape_cast %concatenate3A_222 : vector<256x128xf32> to vector<1x1x256x128xf32>
    tpu.vector_store %arg4[%swap3A_223, %swap3A_224, %swap3A_225, %swap3A_226], %swap3A_229 {strides = array<i32>} : memref<2x8x256x128xf32, #tpu.memory_space<vmem>>, vector<1x1x256x128xf32>,
    %get3A_230 = arith.constant 0 : index
    %get3A_231 = arith.constant 0 : index
    %get3A_232 = vector.load %arg3[%get3A_230, %get3A_231] : memref<128x128xf32, #tpu.memory_space<vmem>>, vector<128x128xf32>
    %dot_general3A_233 = arith.constant dense<0.000000e+00> : vector<512x128xf32>
    %dot_general3A_234 = tpu.matmul %get3A_1, %get3A_232, %dot_general3A_233 {dimension_numbers = #tpu.dot_dimension_numbers<[1], [0], [0], [1], [0, 0, 1, 1], [], []>, transpose_lhs_hint = false} : vector<512x128xf32>, vector<128x128xf32>, vector<512x128xf32> -> vector<512x128xf32>
    %swap3A_235 = arith.constant 0 : index
    %swap3A_236 = arith.constant 0 : index
    %swap3A_237 = vector.load %arg5[%swap3A_235, %swap3A_236] : memref<512x128xf32, #tpu.memory_space<vmem>>, vector<512x128xf32>
    tpu.vector_store %arg5[%swap3A_235, %swap3A_236], %dot_general3A_234 {strides = array<i32>} : memref<512x128xf32, #tpu.memory_space<vmem>>, vector<512x128xf32>,
    return
  }
  func.func @transform_0(%arg0: i32) -> (i32, i32) {
    %c0_i32 = arith.constant 0 : i32
    %c0_i32_0 = arith.constant 0 : i32
    return %arg0, %c0_i32 : i32, i32
  }
  func.func @transform_1(%arg0: i32) -> (i32, i32, i32) {
    %c0_i32 = arith.constant 0 : i32
    %c0_i32_0 = arith.constant 0 : i32
    %c0_i32_1 = arith.constant 0 : i32
    %c0_i32_2 = arith.constant 0 : i32
    return %c0_i32, %c0_i32_0, %c0_i32_1 : i32, i32, i32
  }
  func.func @transform_2(%arg0: i32) -> (i32, i32) {
    %c0_i32 = arith.constant 0 : i32
    %c0_i32_0 = arith.constant 0 : i32
    %c0_i32_1 = arith.constant 0 : i32
    return %c0_i32, %c0_i32_0 : i32, i32
  }
  func.func @transform_3(%arg0: i32) -> (i32, i32, i32, i32) {
    %c0_i32 = arith.constant 0 : i32
    %c0_i32_0 = arith.constant 0 : i32
    %c0_i32_1 = arith.constant 0 : i32
    %c0_i32_2 = arith.constant 0 : i32
    return %c0_i32, %c0_i32_0, %arg0, %c0_i32_1 : i32, i32, i32, i32
  }
  func.func @transform_4(%arg0: i32) -> (i32, i32) {
    %c0_i32 = arith.constant 0 : i32
    %c0_i32_0 = arith.constant 0 : i32
    return %arg0, %c0_i32 : i32, i32
  }
}

module attributes {stable_mosaic.version = 14 : i64} {
  func.func @_combine_dense_body(%arg0: i32, %arg1: memref<2x512x64xf32, #tpu.memory_space<vmem>>, %arg2: memref<16x512xf32, #tpu.memory_space<vmem>>, %arg3: memref<512x128xf32, #tpu.memory_space<vmem>>, %arg4: memref<1x128xf32, #tpu.memory_space<vmem>>, %arg5: memref<8x128x128xf32, #tpu.memory_space<vmem>>, %arg6: memref<128x128xf32, #tpu.memory_space<vmem>>, %arg7: memref<2x8x256x128xf32, #tpu.memory_space<vmem>>, %arg8: memref<512x128xf32, #tpu.memory_space<vmem>>, %arg9: memref<512xf32, #tpu.memory_space<vmem>>) attributes {dimension_semantics = [#tpu.dimension_semantics<arbitrary>], iteration_bounds = array<i64: 20>, scalar_prefetch = 0 : i64, scratch_operands = 0 : i64, tpu.core_type = #tpu.core_type<tc>, window_params = [{transform_indices = @transform_0, window_bounds = array<i64: 2, 512, 64>}, {transform_indices = @transform_1, window_bounds = array<i64: 16, 512>}, {transform_indices = @transform_2, window_bounds = array<i64: 512, 128>}, {pipeline_mode = #tpu.pipeline_mode<synchronous>, transform_indices = @transform_3, window_bounds = array<i64: 1, 128>}, {pipeline_mode = #tpu.pipeline_mode<synchronous>, transform_indices = @transform_4, window_bounds = array<i64: 8, 128, 128>}, {pipeline_mode = #tpu.pipeline_mode<synchronous>, transform_indices = @transform_5, window_bounds = array<i64: 128, 128>}, {transform_indices = @transform_6, window_bounds = array<i64: 2, 8, 256, 128>}, {transform_indices = @transform_7, window_bounds = array<i64: 512, 128>}, {transform_indices = @transform_8, window_bounds = array<i64: 512>}]} {
    %get3A = arith.constant 0 : index
    %get3A_0 = arith.constant 0 : index
    %get3A_1 = vector.load %arg2[%get3A, %get3A_0] : memref<16x512xf32, #tpu.memory_space<vmem>>, vector<16x512xf32>
    %reduce_sum3A = arith.constant dense<0.000000e+00> : vector<512xf32>
    %reduce_sum3A_2 = vector.multi_reduction <add>, %get3A_1, %reduce_sum3A [0] : vector<16x512xf32> to vector<512xf32>
    %max3A = arith.constant 1.000000e+00 : f32
    %max3A_3 = vector.broadcast %max3A : f32 to vector<512xf32>
    %max3A_4 = arith.maximumf %reduce_sum3A_2, %max3A_3 : vector<512xf32>
    %swap3A = arith.constant 0 : index
    %swap3A_5 = vector.load %arg9[%swap3A] : memref<512xf32, #tpu.memory_space<vmem>>, vector<512xf32>
    tpu.vector_store %arg9[%swap3A], %max3A_4 {strides = array<i32>} : memref<512xf32, #tpu.memory_space<vmem>>, vector<512xf32>,
    %get3A_6 = arith.constant 0 : index
    %get3A_7 = arith.constant 0 : index
    %get3A_8 = arith.constant 0 : index
    %get3A_9 = vector.load %arg1[%get3A_6, %get3A_7, %get3A_8] : memref<2x512x64xf32, #tpu.memory_space<vmem>>, vector<1x512x64xf32>
    %get3A_10 = vector.shape_cast %get3A_9 : vector<1x512x64xf32> to vector<512x64xf32>
    %get3A_11 = arith.constant 1 : index
    %get3A_12 = arith.constant 0 : index
    %get3A_13 = arith.constant 0 : index
    %get3A_14 = vector.load %arg1[%get3A_11, %get3A_12, %get3A_13] : memref<2x512x64xf32, #tpu.memory_space<vmem>>, vector<1x512x64xf32>
    %get3A_15 = vector.shape_cast %get3A_14 : vector<1x512x64xf32> to vector<512x64xf32>
    %concatenate3A = tpu.concatenate %get3A_10, %get3A_15 in 1 : vector<512x64xf32>, vector<512x64xf32> -> vector<512x128xf32>
    %broadcast_in_dim3A = vector.shape_cast %max3A_4 : vector<512xf32> to vector<512x1xf32>
    %div3A = vector.broadcast %broadcast_in_dim3A : vector<512x1xf32> to vector<512x128xf32>
    %div3A_16 = arith.divf %concatenate3A, %div3A : vector<512x128xf32>
    %get3A_17 = arith.constant 0 : index
    %get3A_18 = arith.constant 0 : index
    %get3A_19 = vector.load %arg3[%get3A_17, %get3A_18] : memref<512x128xf32, #tpu.memory_space<vmem>>, vector<512x128xf32>
    %add3A = arith.addf %div3A_16, %get3A_19 : vector<512x128xf32>
    %get3A_20 = arith.constant 0 : index
    %get3A_21 = arith.constant 0 : index
    %get3A_22 = vector.load %arg4[%get3A_20, %get3A_21] : memref<1x128xf32, #tpu.memory_space<vmem>>, vector<1x128xf32>
    %add3A_23 = vector.broadcast %get3A_22 : vector<1x128xf32> to vector<512x128xf32>
    %add3A_24 = arith.addf %add3A, %add3A_23 : vector<512x128xf32>
    %max3A_25 = arith.constant 0.000000e+00 : f32
    %max3A_26 = vector.broadcast %max3A_25 : f32 to vector<512x128xf32>
    %max3A_27 = arith.maximumf %add3A_24, %max3A_26 : vector<512x128xf32>
    %get3A_28 = arith.constant 0 : index
    %get3A_29 = arith.constant 0 : index
    %get3A_30 = arith.constant 0 : index
    %get3A_31 = vector.load %arg5[%get3A_28, %get3A_29, %get3A_30] : memref<8x128x128xf32, #tpu.memory_space<vmem>>, vector<1x128x128xf32>
    %get3A_32 = vector.shape_cast %get3A_31 : vector<1x128x128xf32> to vector<128x128xf32>
    %dot_general3A = arith.constant dense<0.000000e+00> : vector<512x128xf32>
    %dot_general3A_33 = tpu.matmul %max3A_27, %get3A_32, %dot_general3A {dimension_numbers = #tpu.dot_dimension_numbers<[1], [0], [0], [1], [0, 0, 1, 1], [], []>, transpose_lhs_hint = false} : vector<512x128xf32>, vector<128x128xf32>, vector<512x128xf32> -> vector<512x128xf32>
    %slice3A = vector.extract_strided_slice %dot_general3A_33 {offsets = [0, 0], sizes = [512, 64], strides = [1, 1]} : vector<512x128xf32> to vector<512x64xf32>
    %slice3A_34 = vector.extract_strided_slice %dot_general3A_33 {offsets = [0, 64], sizes = [512, 64], strides = [1, 1]} : vector<512x128xf32> to vector<512x64xf32>
    %slice3A_35 = vector.extract_strided_slice %slice3A {offsets = [0, 0], sizes = [256, 64], strides = [1, 1]} : vector<512x64xf32> to vector<256x64xf32>
    %slice3A_36 = vector.extract_strided_slice %slice3A {offsets = [256, 0], sizes = [256, 64], strides = [1, 1]} : vector<512x64xf32> to vector<256x64xf32>
    %concatenate3A_37 = tpu.concatenate %slice3A_35, %slice3A_36 in 1 : vector<256x64xf32>, vector<256x64xf32> -> vector<256x128xf32>
    %swap3A_38 = arith.constant 0 : index
    %swap3A_39 = arith.constant 0 : index
    %swap3A_40 = arith.constant 0 : index
    %swap3A_41 = arith.constant 0 : index
    %swap3A_42 = vector.load %arg7[%swap3A_38, %swap3A_39, %swap3A_40, %swap3A_41] : memref<2x8x256x128xf32, #tpu.memory_space<vmem>>, vector<1x1x256x128xf32>
    %swap3A_43 = vector.shape_cast %swap3A_42 : vector<1x1x256x128xf32> to vector<256x128xf32>
    %swap3A_44 = vector.shape_cast %concatenate3A_37 : vector<256x128xf32> to vector<1x1x256x128xf32>
    tpu.vector_store %arg7[%swap3A_38, %swap3A_39, %swap3A_40, %swap3A_41], %swap3A_44 {strides = array<i32>} : memref<2x8x256x128xf32, #tpu.memory_space<vmem>>, vector<1x1x256x128xf32>,
    %slice3A_45 = vector.extract_strided_slice %slice3A_34 {offsets = [0, 0], sizes = [256, 64], strides = [1, 1]} : vector<512x64xf32> to vector<256x64xf32>
    %slice3A_46 = vector.extract_strided_slice %slice3A_34 {offsets = [256, 0], sizes = [256, 64], strides = [1, 1]} : vector<512x64xf32> to vector<256x64xf32>
    %concatenate3A_47 = tpu.concatenate %slice3A_45, %slice3A_46 in 1 : vector<256x64xf32>, vector<256x64xf32> -> vector<256x128xf32>
    %swap3A_48 = arith.constant 1 : index
    %swap3A_49 = arith.constant 0 : index
    %swap3A_50 = arith.constant 0 : index
    %swap3A_51 = arith.constant 0 : index
    %swap3A_52 = vector.load %arg7[%swap3A_48, %swap3A_49, %swap3A_50, %swap3A_51] : memref<2x8x256x128xf32, #tpu.memory_space<vmem>>, vector<1x1x256x128xf32>
    %swap3A_53 = vector.shape_cast %swap3A_52 : vector<1x1x256x128xf32> to vector<256x128xf32>
    %swap3A_54 = vector.shape_cast %concatenate3A_47 : vector<256x128xf32> to vector<1x1x256x128xf32>
    tpu.vector_store %arg7[%swap3A_48, %swap3A_49, %swap3A_50, %swap3A_51], %swap3A_54 {strides = array<i32>} : memref<2x8x256x128xf32, #tpu.memory_space<vmem>>, vector<1x1x256x128xf32>,
    %get3A_55 = arith.constant 1 : index
    %get3A_56 = arith.constant 0 : index
    %get3A_57 = arith.constant 0 : index
    %get3A_58 = vector.load %arg5[%get3A_55, %get3A_56, %get3A_57] : memref<8x128x128xf32, #tpu.memory_space<vmem>>, vector<1x128x128xf32>
    %get3A_59 = vector.shape_cast %get3A_58 : vector<1x128x128xf32> to vector<128x128xf32>
    %dot_general3A_60 = arith.constant dense<0.000000e+00> : vector<512x128xf32>
    %dot_general3A_61 = tpu.matmul %max3A_27, %get3A_59, %dot_general3A_60 {dimension_numbers = #tpu.dot_dimension_numbers<[1], [0], [0], [1], [0, 0, 1, 1], [], []>, transpose_lhs_hint = false} : vector<512x128xf32>, vector<128x128xf32>, vector<512x128xf32> -> vector<512x128xf32>
    %slice3A_62 = vector.extract_strided_slice %dot_general3A_61 {offsets = [0, 0], sizes = [512, 64], strides = [1, 1]} : vector<512x128xf32> to vector<512x64xf32>
    %slice3A_63 = vector.extract_strided_slice %dot_general3A_61 {offsets = [0, 64], sizes = [512, 64], strides = [1, 1]} : vector<512x128xf32> to vector<512x64xf32>
    %slice3A_64 = vector.extract_strided_slice %slice3A_62 {offsets = [0, 0], sizes = [256, 64], strides = [1, 1]} : vector<512x64xf32> to vector<256x64xf32>
    %slice3A_65 = vector.extract_strided_slice %slice3A_62 {offsets = [256, 0], sizes = [256, 64], strides = [1, 1]} : vector<512x64xf32> to vector<256x64xf32>
    %concatenate3A_66 = tpu.concatenate %slice3A_64, %slice3A_65 in 1 : vector<256x64xf32>, vector<256x64xf32> -> vector<256x128xf32>
    %swap3A_67 = arith.constant 0 : index
    %swap3A_68 = arith.constant 1 : index
    %swap3A_69 = arith.constant 0 : index
    %swap3A_70 = arith.constant 0 : index
    %swap3A_71 = vector.load %arg7[%swap3A_67, %swap3A_68, %swap3A_69, %swap3A_70] : memref<2x8x256x128xf32, #tpu.memory_space<vmem>>, vector<1x1x256x128xf32>
    %swap3A_72 = vector.shape_cast %swap3A_71 : vector<1x1x256x128xf32> to vector<256x128xf32>
    %swap3A_73 = vector.shape_cast %concatenate3A_66 : vector<256x128xf32> to vector<1x1x256x128xf32>
    tpu.vector_store %arg7[%swap3A_67, %swap3A_68, %swap3A_69, %swap3A_70], %swap3A_73 {strides = array<i32>} : memref<2x8x256x128xf32, #tpu.memory_space<vmem>>, vector<1x1x256x128xf32>,
    %slice3A_74 = vector.extract_strided_slice %slice3A_63 {offsets = [0, 0], sizes = [256, 64], strides = [1, 1]} : vector<512x64xf32> to vector<256x64xf32>
    %slice3A_75 = vector.extract_strided_slice %slice3A_63 {offsets = [256, 0], sizes = [256, 64], strides = [1, 1]} : vector<512x64xf32> to vector<256x64xf32>
    %concatenate3A_76 = tpu.concatenate %slice3A_74, %slice3A_75 in 1 : vector<256x64xf32>, vector<256x64xf32> -> vector<256x128xf32>
    %swap3A_77 = arith.constant 1 : index
    %swap3A_78 = arith.constant 1 : index
    %swap3A_79 = arith.constant 0 : index
    %swap3A_80 = arith.constant 0 : index
    %swap3A_81 = vector.load %arg7[%swap3A_77, %swap3A_78, %swap3A_79, %swap3A_80] : memref<2x8x256x128xf32, #tpu.memory_space<vmem>>, vector<1x1x256x128xf32>
    %swap3A_82 = vector.shape_cast %swap3A_81 : vector<1x1x256x128xf32> to vector<256x128xf32>
    %swap3A_83 = vector.shape_cast %concatenate3A_76 : vector<256x128xf32> to vector<1x1x256x128xf32>
    tpu.vector_store %arg7[%swap3A_77, %swap3A_78, %swap3A_79, %swap3A_80], %swap3A_83 {strides = array<i32>} : memref<2x8x256x128xf32, #tpu.memory_space<vmem>>, vector<1x1x256x128xf32>,
    %get3A_84 = arith.constant 2 : index
    %get3A_85 = arith.constant 0 : index
    %get3A_86 = arith.constant 0 : index
    %get3A_87 = vector.load %arg5[%get3A_84, %get3A_85, %get3A_86] : memref<8x128x128xf32, #tpu.memory_space<vmem>>, vector<1x128x128xf32>
    %get3A_88 = vector.shape_cast %get3A_87 : vector<1x128x128xf32> to vector<128x128xf32>
    %dot_general3A_89 = arith.constant dense<0.000000e+00> : vector<512x128xf32>
    %dot_general3A_90 = tpu.matmul %max3A_27, %get3A_88, %dot_general3A_89 {dimension_numbers = #tpu.dot_dimension_numbers<[1], [0], [0], [1], [0, 0, 1, 1], [], []>, transpose_lhs_hint = false} : vector<512x128xf32>, vector<128x128xf32>, vector<512x128xf32> -> vector<512x128xf32>
    %slice3A_91 = vector.extract_strided_slice %dot_general3A_90 {offsets = [0, 0], sizes = [512, 64], strides = [1, 1]} : vector<512x128xf32> to vector<512x64xf32>
    %slice3A_92 = vector.extract_strided_slice %dot_general3A_90 {offsets = [0, 64], sizes = [512, 64], strides = [1, 1]} : vector<512x128xf32> to vector<512x64xf32>
    %slice3A_93 = vector.extract_strided_slice %slice3A_91 {offsets = [0, 0], sizes = [256, 64], strides = [1, 1]} : vector<512x64xf32> to vector<256x64xf32>
    %slice3A_94 = vector.extract_strided_slice %slice3A_91 {offsets = [256, 0], sizes = [256, 64], strides = [1, 1]} : vector<512x64xf32> to vector<256x64xf32>
    %concatenate3A_95 = tpu.concatenate %slice3A_93, %slice3A_94 in 1 : vector<256x64xf32>, vector<256x64xf32> -> vector<256x128xf32>
    %swap3A_96 = arith.constant 0 : index
    %swap3A_97 = arith.constant 2 : index
    %swap3A_98 = arith.constant 0 : index
    %swap3A_99 = arith.constant 0 : index
    %swap3A_100 = vector.load %arg7[%swap3A_96, %swap3A_97, %swap3A_98, %swap3A_99] : memref<2x8x256x128xf32, #tpu.memory_space<vmem>>, vector<1x1x256x128xf32>
    %swap3A_101 = vector.shape_cast %swap3A_100 : vector<1x1x256x128xf32> to vector<256x128xf32>
    %swap3A_102 = vector.shape_cast %concatenate3A_95 : vector<256x128xf32> to vector<1x1x256x128xf32>
    tpu.vector_store %arg7[%swap3A_96, %swap3A_97, %swap3A_98, %swap3A_99], %swap3A_102 {strides = array<i32>} : memref<2x8x256x128xf32, #tpu.memory_space<vmem>>, vector<1x1x256x128xf32>,
    %slice3A_103 = vector.extract_strided_slice %slice3A_92 {offsets = [0, 0], sizes = [256, 64], strides = [1, 1]} : vector<512x64xf32> to vector<256x64xf32>
    %slice3A_104 = vector.extract_strided_slice %slice3A_92 {offsets = [256, 0], sizes = [256, 64], strides = [1, 1]} : vector<512x64xf32> to vector<256x64xf32>
    %concatenate3A_105 = tpu.concatenate %slice3A_103, %slice3A_104 in 1 : vector<256x64xf32>, vector<256x64xf32> -> vector<256x128xf32>
    %swap3A_106 = arith.constant 1 : index
    %swap3A_107 = arith.constant 2 : index
    %swap3A_108 = arith.constant 0 : index
    %swap3A_109 = arith.constant 0 : index
    %swap3A_110 = vector.load %arg7[%swap3A_106, %swap3A_107, %swap3A_108, %swap3A_109] : memref<2x8x256x128xf32, #tpu.memory_space<vmem>>, vector<1x1x256x128xf32>
    %swap3A_111 = vector.shape_cast %swap3A_110 : vector<1x1x256x128xf32> to vector<256x128xf32>
    %swap3A_112 = vector.shape_cast %concatenate3A_105 : vector<256x128xf32> to vector<1x1x256x128xf32>
    tpu.vector_store %arg7[%swap3A_106, %swap3A_107, %swap3A_108, %swap3A_109], %swap3A_112 {strides = array<i32>} : memref<2x8x256x128xf32, #tpu.memory_space<vmem>>, vector<1x1x256x128xf32>,
    %get3A_113 = arith.constant 3 : index
    %get3A_114 = arith.constant 0 : index
    %get3A_115 = arith.constant 0 : index
    %get3A_116 = vector.load %arg5[%get3A_113, %get3A_114, %get3A_115] : memref<8x128x128xf32, #tpu.memory_space<vmem>>, vector<1x128x128xf32>
    %get3A_117 = vector.shape_cast %get3A_116 : vector<1x128x128xf32> to vector<128x128xf32>
    %dot_general3A_118 = arith.constant dense<0.000000e+00> : vector<512x128xf32>
    %dot_general3A_119 = tpu.matmul %max3A_27, %get3A_117, %dot_general3A_118 {dimension_numbers = #tpu.dot_dimension_numbers<[1], [0], [0], [1], [0, 0, 1, 1], [], []>, transpose_lhs_hint = false} : vector<512x128xf32>, vector<128x128xf32>, vector<512x128xf32> -> vector<512x128xf32>
    %slice3A_120 = vector.extract_strided_slice %dot_general3A_119 {offsets = [0, 0], sizes = [512, 64], strides = [1, 1]} : vector<512x128xf32> to vector<512x64xf32>
    %slice3A_121 = vector.extract_strided_slice %dot_general3A_119 {offsets = [0, 64], sizes = [512, 64], strides = [1, 1]} : vector<512x128xf32> to vector<512x64xf32>
    %slice3A_122 = vector.extract_strided_slice %slice3A_120 {offsets = [0, 0], sizes = [256, 64], strides = [1, 1]} : vector<512x64xf32> to vector<256x64xf32>
    %slice3A_123 = vector.extract_strided_slice %slice3A_120 {offsets = [256, 0], sizes = [256, 64], strides = [1, 1]} : vector<512x64xf32> to vector<256x64xf32>
    %concatenate3A_124 = tpu.concatenate %slice3A_122, %slice3A_123 in 1 : vector<256x64xf32>, vector<256x64xf32> -> vector<256x128xf32>
    %swap3A_125 = arith.constant 0 : index
    %swap3A_126 = arith.constant 3 : index
    %swap3A_127 = arith.constant 0 : index
    %swap3A_128 = arith.constant 0 : index
    %swap3A_129 = vector.load %arg7[%swap3A_125, %swap3A_126, %swap3A_127, %swap3A_128] : memref<2x8x256x128xf32, #tpu.memory_space<vmem>>, vector<1x1x256x128xf32>
    %swap3A_130 = vector.shape_cast %swap3A_129 : vector<1x1x256x128xf32> to vector<256x128xf32>
    %swap3A_131 = vector.shape_cast %concatenate3A_124 : vector<256x128xf32> to vector<1x1x256x128xf32>
    tpu.vector_store %arg7[%swap3A_125, %swap3A_126, %swap3A_127, %swap3A_128], %swap3A_131 {strides = array<i32>} : memref<2x8x256x128xf32, #tpu.memory_space<vmem>>, vector<1x1x256x128xf32>,
    %slice3A_132 = vector.extract_strided_slice %slice3A_121 {offsets = [0, 0], sizes = [256, 64], strides = [1, 1]} : vector<512x64xf32> to vector<256x64xf32>
    %slice3A_133 = vector.extract_strided_slice %slice3A_121 {offsets = [256, 0], sizes = [256, 64], strides = [1, 1]} : vector<512x64xf32> to vector<256x64xf32>
    %concatenate3A_134 = tpu.concatenate %slice3A_132, %slice3A_133 in 1 : vector<256x64xf32>, vector<256x64xf32> -> vector<256x128xf32>
    %swap3A_135 = arith.constant 1 : index
    %swap3A_136 = arith.constant 3 : index
    %swap3A_137 = arith.constant 0 : index
    %swap3A_138 = arith.constant 0 : index
    %swap3A_139 = vector.load %arg7[%swap3A_135, %swap3A_136, %swap3A_137, %swap3A_138] : memref<2x8x256x128xf32, #tpu.memory_space<vmem>>, vector<1x1x256x128xf32>
    %swap3A_140 = vector.shape_cast %swap3A_139 : vector<1x1x256x128xf32> to vector<256x128xf32>
    %swap3A_141 = vector.shape_cast %concatenate3A_134 : vector<256x128xf32> to vector<1x1x256x128xf32>
    tpu.vector_store %arg7[%swap3A_135, %swap3A_136, %swap3A_137, %swap3A_138], %swap3A_141 {strides = array<i32>} : memref<2x8x256x128xf32, #tpu.memory_space<vmem>>, vector<1x1x256x128xf32>,
    %get3A_142 = arith.constant 4 : index
    %get3A_143 = arith.constant 0 : index
    %get3A_144 = arith.constant 0 : index
    %get3A_145 = vector.load %arg5[%get3A_142, %get3A_143, %get3A_144] : memref<8x128x128xf32, #tpu.memory_space<vmem>>, vector<1x128x128xf32>
    %get3A_146 = vector.shape_cast %get3A_145 : vector<1x128x128xf32> to vector<128x128xf32>
    %dot_general3A_147 = arith.constant dense<0.000000e+00> : vector<512x128xf32>
    %dot_general3A_148 = tpu.matmul %max3A_27, %get3A_146, %dot_general3A_147 {dimension_numbers = #tpu.dot_dimension_numbers<[1], [0], [0], [1], [0, 0, 1, 1], [], []>, transpose_lhs_hint = false} : vector<512x128xf32>, vector<128x128xf32>, vector<512x128xf32> -> vector<512x128xf32>
    %slice3A_149 = vector.extract_strided_slice %dot_general3A_148 {offsets = [0, 0], sizes = [512, 64], strides = [1, 1]} : vector<512x128xf32> to vector<512x64xf32>
    %slice3A_150 = vector.extract_strided_slice %dot_general3A_148 {offsets = [0, 64], sizes = [512, 64], strides = [1, 1]} : vector<512x128xf32> to vector<512x64xf32>
    %slice3A_151 = vector.extract_strided_slice %slice3A_149 {offsets = [0, 0], sizes = [256, 64], strides = [1, 1]} : vector<512x64xf32> to vector<256x64xf32>
    %slice3A_152 = vector.extract_strided_slice %slice3A_149 {offsets = [256, 0], sizes = [256, 64], strides = [1, 1]} : vector<512x64xf32> to vector<256x64xf32>
    %concatenate3A_153 = tpu.concatenate %slice3A_151, %slice3A_152 in 1 : vector<256x64xf32>, vector<256x64xf32> -> vector<256x128xf32>
    %swap3A_154 = arith.constant 0 : index
    %swap3A_155 = arith.constant 4 : index
    %swap3A_156 = arith.constant 0 : index
    %swap3A_157 = arith.constant 0 : index
    %swap3A_158 = vector.load %arg7[%swap3A_154, %swap3A_155, %swap3A_156, %swap3A_157] : memref<2x8x256x128xf32, #tpu.memory_space<vmem>>, vector<1x1x256x128xf32>
    %swap3A_159 = vector.shape_cast %swap3A_158 : vector<1x1x256x128xf32> to vector<256x128xf32>
    %swap3A_160 = vector.shape_cast %concatenate3A_153 : vector<256x128xf32> to vector<1x1x256x128xf32>
    tpu.vector_store %arg7[%swap3A_154, %swap3A_155, %swap3A_156, %swap3A_157], %swap3A_160 {strides = array<i32>} : memref<2x8x256x128xf32, #tpu.memory_space<vmem>>, vector<1x1x256x128xf32>,
    %slice3A_161 = vector.extract_strided_slice %slice3A_150 {offsets = [0, 0], sizes = [256, 64], strides = [1, 1]} : vector<512x64xf32> to vector<256x64xf32>
    %slice3A_162 = vector.extract_strided_slice %slice3A_150 {offsets = [256, 0], sizes = [256, 64], strides = [1, 1]} : vector<512x64xf32> to vector<256x64xf32>
    %concatenate3A_163 = tpu.concatenate %slice3A_161, %slice3A_162 in 1 : vector<256x64xf32>, vector<256x64xf32> -> vector<256x128xf32>
    %swap3A_164 = arith.constant 1 : index
    %swap3A_165 = arith.constant 4 : index
    %swap3A_166 = arith.constant 0 : index
    %swap3A_167 = arith.constant 0 : index
    %swap3A_168 = vector.load %arg7[%swap3A_164, %swap3A_165, %swap3A_166, %swap3A_167] : memref<2x8x256x128xf32, #tpu.memory_space<vmem>>, vector<1x1x256x128xf32>
    %swap3A_169 = vector.shape_cast %swap3A_168 : vector<1x1x256x128xf32> to vector<256x128xf32>
    %swap3A_170 = vector.shape_cast %concatenate3A_163 : vector<256x128xf32> to vector<1x1x256x128xf32>
    tpu.vector_store %arg7[%swap3A_164, %swap3A_165, %swap3A_166, %swap3A_167], %swap3A_170 {strides = array<i32>} : memref<2x8x256x128xf32, #tpu.memory_space<vmem>>, vector<1x1x256x128xf32>,
    %get3A_171 = arith.constant 5 : index
    %get3A_172 = arith.constant 0 : index
    %get3A_173 = arith.constant 0 : index
    %get3A_174 = vector.load %arg5[%get3A_171, %get3A_172, %get3A_173] : memref<8x128x128xf32, #tpu.memory_space<vmem>>, vector<1x128x128xf32>
    %get3A_175 = vector.shape_cast %get3A_174 : vector<1x128x128xf32> to vector<128x128xf32>
    %dot_general3A_176 = arith.constant dense<0.000000e+00> : vector<512x128xf32>
    %dot_general3A_177 = tpu.matmul %max3A_27, %get3A_175, %dot_general3A_176 {dimension_numbers = #tpu.dot_dimension_numbers<[1], [0], [0], [1], [0, 0, 1, 1], [], []>, transpose_lhs_hint = false} : vector<512x128xf32>, vector<128x128xf32>, vector<512x128xf32> -> vector<512x128xf32>
    %slice3A_178 = vector.extract_strided_slice %dot_general3A_177 {offsets = [0, 0], sizes = [512, 64], strides = [1, 1]} : vector<512x128xf32> to vector<512x64xf32>
    %slice3A_179 = vector.extract_strided_slice %dot_general3A_177 {offsets = [0, 64], sizes = [512, 64], strides = [1, 1]} : vector<512x128xf32> to vector<512x64xf32>
    %slice3A_180 = vector.extract_strided_slice %slice3A_178 {offsets = [0, 0], sizes = [256, 64], strides = [1, 1]} : vector<512x64xf32> to vector<256x64xf32>
    %slice3A_181 = vector.extract_strided_slice %slice3A_178 {offsets = [256, 0], sizes = [256, 64], strides = [1, 1]} : vector<512x64xf32> to vector<256x64xf32>
    %concatenate3A_182 = tpu.concatenate %slice3A_180, %slice3A_181 in 1 : vector<256x64xf32>, vector<256x64xf32> -> vector<256x128xf32>
    %swap3A_183 = arith.constant 0 : index
    %swap3A_184 = arith.constant 5 : index
    %swap3A_185 = arith.constant 0 : index
    %swap3A_186 = arith.constant 0 : index
    %swap3A_187 = vector.load %arg7[%swap3A_183, %swap3A_184, %swap3A_185, %swap3A_186] : memref<2x8x256x128xf32, #tpu.memory_space<vmem>>, vector<1x1x256x128xf32>
    %swap3A_188 = vector.shape_cast %swap3A_187 : vector<1x1x256x128xf32> to vector<256x128xf32>
    %swap3A_189 = vector.shape_cast %concatenate3A_182 : vector<256x128xf32> to vector<1x1x256x128xf32>
    tpu.vector_store %arg7[%swap3A_183, %swap3A_184, %swap3A_185, %swap3A_186], %swap3A_189 {strides = array<i32>} : memref<2x8x256x128xf32, #tpu.memory_space<vmem>>, vector<1x1x256x128xf32>,
    %slice3A_190 = vector.extract_strided_slice %slice3A_179 {offsets = [0, 0], sizes = [256, 64], strides = [1, 1]} : vector<512x64xf32> to vector<256x64xf32>
    %slice3A_191 = vector.extract_strided_slice %slice3A_179 {offsets = [256, 0], sizes = [256, 64], strides = [1, 1]} : vector<512x64xf32> to vector<256x64xf32>
    %concatenate3A_192 = tpu.concatenate %slice3A_190, %slice3A_191 in 1 : vector<256x64xf32>, vector<256x64xf32> -> vector<256x128xf32>
    %swap3A_193 = arith.constant 1 : index
    %swap3A_194 = arith.constant 5 : index
    %swap3A_195 = arith.constant 0 : index
    %swap3A_196 = arith.constant 0 : index
    %swap3A_197 = vector.load %arg7[%swap3A_193, %swap3A_194, %swap3A_195, %swap3A_196] : memref<2x8x256x128xf32, #tpu.memory_space<vmem>>, vector<1x1x256x128xf32>
    %swap3A_198 = vector.shape_cast %swap3A_197 : vector<1x1x256x128xf32> to vector<256x128xf32>
    %swap3A_199 = vector.shape_cast %concatenate3A_192 : vector<256x128xf32> to vector<1x1x256x128xf32>
    tpu.vector_store %arg7[%swap3A_193, %swap3A_194, %swap3A_195, %swap3A_196], %swap3A_199 {strides = array<i32>} : memref<2x8x256x128xf32, #tpu.memory_space<vmem>>, vector<1x1x256x128xf32>,
    %get3A_200 = arith.constant 6 : index
    %get3A_201 = arith.constant 0 : index
    %get3A_202 = arith.constant 0 : index
    %get3A_203 = vector.load %arg5[%get3A_200, %get3A_201, %get3A_202] : memref<8x128x128xf32, #tpu.memory_space<vmem>>, vector<1x128x128xf32>
    %get3A_204 = vector.shape_cast %get3A_203 : vector<1x128x128xf32> to vector<128x128xf32>
    %dot_general3A_205 = arith.constant dense<0.000000e+00> : vector<512x128xf32>
    %dot_general3A_206 = tpu.matmul %max3A_27, %get3A_204, %dot_general3A_205 {dimension_numbers = #tpu.dot_dimension_numbers<[1], [0], [0], [1], [0, 0, 1, 1], [], []>, transpose_lhs_hint = false} : vector<512x128xf32>, vector<128x128xf32>, vector<512x128xf32> -> vector<512x128xf32>
    %slice3A_207 = vector.extract_strided_slice %dot_general3A_206 {offsets = [0, 0], sizes = [512, 64], strides = [1, 1]} : vector<512x128xf32> to vector<512x64xf32>
    %slice3A_208 = vector.extract_strided_slice %dot_general3A_206 {offsets = [0, 64], sizes = [512, 64], strides = [1, 1]} : vector<512x128xf32> to vector<512x64xf32>
    %slice3A_209 = vector.extract_strided_slice %slice3A_207 {offsets = [0, 0], sizes = [256, 64], strides = [1, 1]} : vector<512x64xf32> to vector<256x64xf32>
    %slice3A_210 = vector.extract_strided_slice %slice3A_207 {offsets = [256, 0], sizes = [256, 64], strides = [1, 1]} : vector<512x64xf32> to vector<256x64xf32>
    %concatenate3A_211 = tpu.concatenate %slice3A_209, %slice3A_210 in 1 : vector<256x64xf32>, vector<256x64xf32> -> vector<256x128xf32>
    %swap3A_212 = arith.constant 0 : index
    %swap3A_213 = arith.constant 6 : index
    %swap3A_214 = arith.constant 0 : index
    %swap3A_215 = arith.constant 0 : index
    %swap3A_216 = vector.load %arg7[%swap3A_212, %swap3A_213, %swap3A_214, %swap3A_215] : memref<2x8x256x128xf32, #tpu.memory_space<vmem>>, vector<1x1x256x128xf32>
    %swap3A_217 = vector.shape_cast %swap3A_216 : vector<1x1x256x128xf32> to vector<256x128xf32>
    %swap3A_218 = vector.shape_cast %concatenate3A_211 : vector<256x128xf32> to vector<1x1x256x128xf32>
    tpu.vector_store %arg7[%swap3A_212, %swap3A_213, %swap3A_214, %swap3A_215], %swap3A_218 {strides = array<i32>} : memref<2x8x256x128xf32, #tpu.memory_space<vmem>>, vector<1x1x256x128xf32>,
    %slice3A_219 = vector.extract_strided_slice %slice3A_208 {offsets = [0, 0], sizes = [256, 64], strides = [1, 1]} : vector<512x64xf32> to vector<256x64xf32>
    %slice3A_220 = vector.extract_strided_slice %slice3A_208 {offsets = [256, 0], sizes = [256, 64], strides = [1, 1]} : vector<512x64xf32> to vector<256x64xf32>
    %concatenate3A_221 = tpu.concatenate %slice3A_219, %slice3A_220 in 1 : vector<256x64xf32>, vector<256x64xf32> -> vector<256x128xf32>
    %swap3A_222 = arith.constant 1 : index
    %swap3A_223 = arith.constant 6 : index
    %swap3A_224 = arith.constant 0 : index
    %swap3A_225 = arith.constant 0 : index
    %swap3A_226 = vector.load %arg7[%swap3A_222, %swap3A_223, %swap3A_224, %swap3A_225] : memref<2x8x256x128xf32, #tpu.memory_space<vmem>>, vector<1x1x256x128xf32>
    %swap3A_227 = vector.shape_cast %swap3A_226 : vector<1x1x256x128xf32> to vector<256x128xf32>
    %swap3A_228 = vector.shape_cast %concatenate3A_221 : vector<256x128xf32> to vector<1x1x256x128xf32>
    tpu.vector_store %arg7[%swap3A_222, %swap3A_223, %swap3A_224, %swap3A_225], %swap3A_228 {strides = array<i32>} : memref<2x8x256x128xf32, #tpu.memory_space<vmem>>, vector<1x1x256x128xf32>,
    %get3A_229 = arith.constant 7 : index
    %get3A_230 = arith.constant 0 : index
    %get3A_231 = arith.constant 0 : index
    %get3A_232 = vector.load %arg5[%get3A_229, %get3A_230, %get3A_231] : memref<8x128x128xf32, #tpu.memory_space<vmem>>, vector<1x128x128xf32>
    %get3A_233 = vector.shape_cast %get3A_232 : vector<1x128x128xf32> to vector<128x128xf32>
    %dot_general3A_234 = arith.constant dense<0.000000e+00> : vector<512x128xf32>
    %dot_general3A_235 = tpu.matmul %max3A_27, %get3A_233, %dot_general3A_234 {dimension_numbers = #tpu.dot_dimension_numbers<[1], [0], [0], [1], [0, 0, 1, 1], [], []>, transpose_lhs_hint = false} : vector<512x128xf32>, vector<128x128xf32>, vector<512x128xf32> -> vector<512x128xf32>
    %slice3A_236 = vector.extract_strided_slice %dot_general3A_235 {offsets = [0, 0], sizes = [512, 64], strides = [1, 1]} : vector<512x128xf32> to vector<512x64xf32>
    %slice3A_237 = vector.extract_strided_slice %dot_general3A_235 {offsets = [0, 64], sizes = [512, 64], strides = [1, 1]} : vector<512x128xf32> to vector<512x64xf32>
    %slice3A_238 = vector.extract_strided_slice %slice3A_236 {offsets = [0, 0], sizes = [256, 64], strides = [1, 1]} : vector<512x64xf32> to vector<256x64xf32>
    %slice3A_239 = vector.extract_strided_slice %slice3A_236 {offsets = [256, 0], sizes = [256, 64], strides = [1, 1]} : vector<512x64xf32> to vector<256x64xf32>
    %concatenate3A_240 = tpu.concatenate %slice3A_238, %slice3A_239 in 1 : vector<256x64xf32>, vector<256x64xf32> -> vector<256x128xf32>
    %swap3A_241 = arith.constant 0 : index
    %swap3A_242 = arith.constant 7 : index
    %swap3A_243 = arith.constant 0 : index
    %swap3A_244 = arith.constant 0 : index
    %swap3A_245 = vector.load %arg7[%swap3A_241, %swap3A_242, %swap3A_243, %swap3A_244] : memref<2x8x256x128xf32, #tpu.memory_space<vmem>>, vector<1x1x256x128xf32>
    %swap3A_246 = vector.shape_cast %swap3A_245 : vector<1x1x256x128xf32> to vector<256x128xf32>
    %swap3A_247 = vector.shape_cast %concatenate3A_240 : vector<256x128xf32> to vector<1x1x256x128xf32>
    tpu.vector_store %arg7[%swap3A_241, %swap3A_242, %swap3A_243, %swap3A_244], %swap3A_247 {strides = array<i32>} : memref<2x8x256x128xf32, #tpu.memory_space<vmem>>, vector<1x1x256x128xf32>,
    %slice3A_248 = vector.extract_strided_slice %slice3A_237 {offsets = [0, 0], sizes = [256, 64], strides = [1, 1]} : vector<512x64xf32> to vector<256x64xf32>
    %slice3A_249 = vector.extract_strided_slice %slice3A_237 {offsets = [256, 0], sizes = [256, 64], strides = [1, 1]} : vector<512x64xf32> to vector<256x64xf32>
    %concatenate3A_250 = tpu.concatenate %slice3A_248, %slice3A_249 in 1 : vector<256x64xf32>, vector<256x64xf32> -> vector<256x128xf32>
    %swap3A_251 = arith.constant 1 : index
    %swap3A_252 = arith.constant 7 : index
    %swap3A_253 = arith.constant 0 : index
    %swap3A_254 = arith.constant 0 : index
    %swap3A_255 = vector.load %arg7[%swap3A_251, %swap3A_252, %swap3A_253, %swap3A_254] : memref<2x8x256x128xf32, #tpu.memory_space<vmem>>, vector<1x1x256x128xf32>
    %swap3A_256 = vector.shape_cast %swap3A_255 : vector<1x1x256x128xf32> to vector<256x128xf32>
    %swap3A_257 = vector.shape_cast %concatenate3A_250 : vector<256x128xf32> to vector<1x1x256x128xf32>
    tpu.vector_store %arg7[%swap3A_251, %swap3A_252, %swap3A_253, %swap3A_254], %swap3A_257 {strides = array<i32>} : memref<2x8x256x128xf32, #tpu.memory_space<vmem>>, vector<1x1x256x128xf32>,
    %get3A_258 = arith.constant 0 : index
    %get3A_259 = arith.constant 0 : index
    %get3A_260 = vector.load %arg6[%get3A_258, %get3A_259] : memref<128x128xf32, #tpu.memory_space<vmem>>, vector<128x128xf32>
    %dot_general3A_261 = arith.constant dense<0.000000e+00> : vector<512x128xf32>
    %dot_general3A_262 = tpu.matmul %max3A_27, %get3A_260, %dot_general3A_261 {dimension_numbers = #tpu.dot_dimension_numbers<[1], [0], [0], [1], [0, 0, 1, 1], [], []>, transpose_lhs_hint = false} : vector<512x128xf32>, vector<128x128xf32>, vector<512x128xf32> -> vector<512x128xf32>
    %swap3A_263 = arith.constant 0 : index
    %swap3A_264 = arith.constant 0 : index
    %swap3A_265 = vector.load %arg8[%swap3A_263, %swap3A_264] : memref<512x128xf32, #tpu.memory_space<vmem>>, vector<512x128xf32>
    tpu.vector_store %arg8[%swap3A_263, %swap3A_264], %dot_general3A_262 {strides = array<i32>} : memref<512x128xf32, #tpu.memory_space<vmem>>, vector<512x128xf32>,
    return
  }
  func.func @transform_0(%arg0: i32) -> (i32, i32, i32) {
    %c0_i32 = arith.constant 0 : i32
    %c0_i32_0 = arith.constant 0 : i32
    %c0_i32_1 = arith.constant 0 : i32
    return %c0_i32, %arg0, %c0_i32_0 : i32, i32, i32
  }
  func.func @transform_1(%arg0: i32) -> (i32, i32) {
    %c0_i32 = arith.constant 0 : i32
    %c0_i32_0 = arith.constant 0 : i32
    return %c0_i32, %arg0 : i32, i32
  }
  func.func @transform_2(%arg0: i32) -> (i32, i32) {
    %c0_i32 = arith.constant 0 : i32
    %c0_i32_0 = arith.constant 0 : i32
    return %arg0, %c0_i32 : i32, i32
  }
  func.func @transform_3(%arg0: i32) -> (i32, i32) {
    %c0_i32 = arith.constant 0 : i32
    %c0_i32_0 = arith.constant 0 : i32
    %c0_i32_1 = arith.constant 0 : i32
    return %c0_i32, %c0_i32_0 : i32, i32
  }
  func.func @transform_4(%arg0: i32) -> (i32, i32, i32) {
    %c0_i32 = arith.constant 0 : i32
    %c0_i32_0 = arith.constant 0 : i32
    %c0_i32_1 = arith.constant 0 : i32
    %c0_i32_2 = arith.constant 0 : i32
    return %c0_i32, %c0_i32_0, %c0_i32_1 : i32, i32, i32
  }
  func.func @transform_5(%arg0: i32) -> (i32, i32) {
    %c0_i32 = arith.constant 0 : i32
    %c0_i32_0 = arith.constant 0 : i32
    %c0_i32_1 = arith.constant 0 : i32
    return %c0_i32, %c0_i32_0 : i32, i32
  }
  func.func @transform_6(%arg0: i32) -> (i32, i32, i32, i32) {
    %c0_i32 = arith.constant 0 : i32
    %c0_i32_0 = arith.constant 0 : i32
    %c0_i32_1 = arith.constant 0 : i32
    %c0_i32_2 = arith.constant 0 : i32
    return %c0_i32, %c0_i32_0, %arg0, %c0_i32_1 : i32, i32, i32, i32
  }
  func.func @transform_7(%arg0: i32) -> (i32, i32) {
    %c0_i32 = arith.constant 0 : i32
    %c0_i32_0 = arith.constant 0 : i32
    return %arg0, %c0_i32 : i32, i32
  }
  func.func @transform_8(%arg0: i32) -> i32 {
    %c0_i32 = arith.constant 0 : i32
    return %arg0 : i32
  }
}

module attributes {stable_mosaic.version = 14 : i64} {
  func.func @_mlp_body(%arg0: memref<2x4096x128xf32, #tpu.memory_space<vmem>>, %arg1: memref<4096x128xf32, #tpu.memory_space<vmem>>, %arg2: memref<4096x128xf32, #tpu.memory_space<vmem>>, %arg3: memref<4096x2xf32, #tpu.memory_space<vmem>>, %arg4: memref<1x128xf32, #tpu.memory_space<vmem>>, %arg5: memref<128x256xf32, #tpu.memory_space<vmem>>, %arg6: memref<1x256xf32, #tpu.memory_space<vmem>>, %arg7: memref<1x256xf32, #tpu.memory_space<vmem>>, %arg8: memref<1x256xf32, #tpu.memory_space<vmem>>, %arg9: memref<256x128xf32, #tpu.memory_space<vmem>>, %arg10: memref<1x128xf32, #tpu.memory_space<vmem>>, %arg11: memref<4096x128xf32, #tpu.memory_space<vmem>>) attributes {dimension_semantics = [], scalar_prefetch = 0 : i64, scratch_operands = 0 : i64, tpu.core_type = #tpu.core_type<tc>} {
    %get3A = arith.constant 0 : index
    %get3A_0 = arith.constant 0 : index
    %get3A_1 = arith.constant 0 : index
    %get3A_2 = vector.load %arg0[%get3A, %get3A_0, %get3A_1] : memref<2x4096x128xf32, #tpu.memory_space<vmem>>, vector<1x4096x128xf32>
    %get3A_3 = vector.shape_cast %get3A_2 : vector<1x4096x128xf32> to vector<4096x128xf32>
    %get3A_4 = arith.constant 1 : index
    %get3A_5 = arith.constant 0 : index
    %get3A_6 = arith.constant 0 : index
    %get3A_7 = vector.load %arg0[%get3A_4, %get3A_5, %get3A_6] : memref<2x4096x128xf32, #tpu.memory_space<vmem>>, vector<1x4096x128xf32>
    %get3A_8 = vector.shape_cast %get3A_7 : vector<1x4096x128xf32> to vector<4096x128xf32>
    %slice3A = vector.extract_strided_slice %get3A_3 {offsets = [0, 0], sizes = [4096, 64], strides = [1, 1]} : vector<4096x128xf32> to vector<4096x64xf32>
    %slice3A_9 = vector.extract_strided_slice %get3A_8 {offsets = [0, 0], sizes = [4096, 64], strides = [1, 1]} : vector<4096x128xf32> to vector<4096x64xf32>
    %concatenate3A = tpu.concatenate %slice3A, %slice3A_9 in 1 : vector<4096x64xf32>, vector<4096x64xf32> -> vector<4096x128xf32>
    %slice3A_10 = vector.extract_strided_slice %get3A_3 {offsets = [0, 64], sizes = [4096, 64], strides = [1, 1]} : vector<4096x128xf32> to vector<4096x64xf32>
    %slice3A_11 = vector.extract_strided_slice %get3A_8 {offsets = [0, 64], sizes = [4096, 64], strides = [1, 1]} : vector<4096x128xf32> to vector<4096x64xf32>
    %concatenate3A_12 = tpu.concatenate %slice3A_10, %slice3A_11 in 1 : vector<4096x64xf32>, vector<4096x64xf32> -> vector<4096x128xf32>
    %get3A_13 = arith.constant 0 : index
    %get3A_14 = arith.constant 0 : index
    %get3A_15 = vector.load %arg3[%get3A_13, %get3A_14] : memref<4096x2xf32, #tpu.memory_space<vmem>>, vector<4096x1xf32>
    %div3A = vector.broadcast %get3A_15 : vector<4096x1xf32> to vector<4096x128xf32>
    %div3A_16 = arith.divf %concatenate3A, %div3A : vector<4096x128xf32>
    %get3A_17 = arith.constant 0 : index
    %get3A_18 = arith.constant 0 : index
    %get3A_19 = vector.load %arg1[%get3A_17, %get3A_18] : memref<4096x128xf32, #tpu.memory_space<vmem>>, vector<4096x128xf32>
    %add3A = arith.addf %div3A_16, %get3A_19 : vector<4096x128xf32>
    %get3A_20 = arith.constant 0 : index
    %get3A_21 = arith.constant 0 : index
    %get3A_22 = vector.load %arg4[%get3A_20, %get3A_21] : memref<1x128xf32, #tpu.memory_space<vmem>>, vector<1x128xf32>
    %add3A_23 = vector.broadcast %get3A_22 : vector<1x128xf32> to vector<4096x128xf32>
    %add3A_24 = arith.addf %add3A, %add3A_23 : vector<4096x128xf32>
    %max3A = arith.constant 0.000000e+00 : f32
    %max3A_25 = vector.broadcast %max3A : f32 to vector<4096x128xf32>
    %max3A_26 = arith.maximumf %add3A_24, %max3A_25 : vector<4096x128xf32>
    %get3A_27 = arith.constant 0 : index
    %get3A_28 = arith.constant 1 : index
    %get3A_29 = vector.load %arg3[%get3A_27, %get3A_28] : memref<4096x2xf32, #tpu.memory_space<vmem>>, vector<4096x1xf32>
    %div3A_30 = vector.broadcast %get3A_29 : vector<4096x1xf32> to vector<4096x128xf32>
    %div3A_31 = arith.divf %concatenate3A_12, %div3A_30 : vector<4096x128xf32>
    %get3A_32 = arith.constant 0 : index
    %get3A_33 = arith.constant 0 : index
    %get3A_34 = vector.load %arg2[%get3A_32, %get3A_33] : memref<4096x128xf32, #tpu.memory_space<vmem>>, vector<4096x128xf32>
    %add3A_35 = arith.addf %div3A_31, %get3A_34 : vector<4096x128xf32>
    %get3A_36 = arith.constant 0 : index
    %get3A_37 = arith.constant 0 : index
    %get3A_38 = vector.load %arg4[%get3A_36, %get3A_37] : memref<1x128xf32, #tpu.memory_space<vmem>>, vector<1x128xf32>
    %add3A_39 = vector.broadcast %get3A_38 : vector<1x128xf32> to vector<4096x128xf32>
    %add3A_40 = arith.addf %add3A_35, %add3A_39 : vector<4096x128xf32>
    %max3A_41 = arith.constant 0.000000e+00 : f32
    %max3A_42 = vector.broadcast %max3A_41 : f32 to vector<4096x128xf32>
    %max3A_43 = arith.maximumf %add3A_40, %max3A_42 : vector<4096x128xf32>
    %add3A_44 = arith.addf %max3A_26, %max3A_43 : vector<4096x128xf32>
    %get3A_45 = arith.constant 0 : index
    %get3A_46 = arith.constant 0 : index
    %get3A_47 = vector.load %arg5[%get3A_45, %get3A_46] : memref<128x256xf32, #tpu.memory_space<vmem>>, vector<128x256xf32>
    %dot_general3A = arith.constant dense<0.000000e+00> : vector<4096x256xf32>
    %dot_general3A_48 = tpu.matmul %add3A_44, %get3A_47, %dot_general3A {dimension_numbers = #tpu.dot_dimension_numbers<[1], [0], [0], [1], [0, 0, 1, 1], [], []>, transpose_lhs_hint = false} : vector<4096x128xf32>, vector<128x256xf32>, vector<4096x256xf32> -> vector<4096x256xf32>
    %get3A_49 = arith.constant 0 : index
    %get3A_50 = arith.constant 0 : index
    %get3A_51 = vector.load %arg6[%get3A_49, %get3A_50] : memref<1x256xf32, #tpu.memory_space<vmem>>, vector<1x256xf32>
    %add3A_52 = vector.broadcast %get3A_51 : vector<1x256xf32> to vector<4096x256xf32>
    %add3A_53 = arith.addf %dot_general3A_48, %add3A_52 : vector<4096x256xf32>
    %reduce_sum3A = arith.constant dense<0.000000e+00> : vector<256xf32>
    %reduce_sum3A_54 = vector.multi_reduction <add>, %add3A_53, %reduce_sum3A [0] : vector<4096x256xf32> to vector<256xf32>
    %broadcast_in_dim3A = vector.shape_cast %reduce_sum3A_54 : vector<256xf32> to vector<1x256xf32>
    %div3A_55 = arith.constant 4.096000e+03 : f32
    %div3A_56 = vector.broadcast %div3A_55 : f32 to vector<1x256xf32>
    %div3A_57 = arith.divf %broadcast_in_dim3A, %div3A_56 : vector<1x256xf32>
    %sub3A = vector.broadcast %div3A_57 : vector<1x256xf32> to vector<4096x256xf32>
    %sub3A_58 = arith.subf %add3A_53, %sub3A : vector<4096x256xf32>
    %integer_pow3A = arith.mulf %sub3A_58, %sub3A_58 : vector<4096x256xf32>
    %reduce_sum3A_59 = arith.constant dense<0.000000e+00> : vector<256xf32>
    %reduce_sum3A_60 = vector.multi_reduction <add>, %integer_pow3A, %reduce_sum3A_59 [0] : vector<4096x256xf32> to vector<256xf32>
    %broadcast_in_dim3A_61 = vector.shape_cast %reduce_sum3A_60 : vector<256xf32> to vector<1x256xf32>
    %div3A_62 = arith.constant 4.096000e+03 : f32
    %div3A_63 = vector.broadcast %div3A_62 : f32 to vector<1x256xf32>
    %div3A_64 = arith.divf %broadcast_in_dim3A_61, %div3A_63 : vector<1x256xf32>
    %sub3A_65 = vector.broadcast %div3A_57 : vector<1x256xf32> to vector<4096x256xf32>
    %sub3A_66 = arith.subf %add3A_53, %sub3A_65 : vector<4096x256xf32>
    %add3A_67 = arith.constant 9.99999974E-6 : f32
    %add3A_68 = vector.broadcast %add3A_67 : f32 to vector<1x256xf32>
    %add3A_69 = arith.addf %div3A_64, %add3A_68 : vector<1x256xf32>
    %rsqrt3A = math.rsqrt %add3A_69 : vector<1x256xf32>
    %mul3A = vector.broadcast %rsqrt3A : vector<1x256xf32> to vector<4096x256xf32>
    %mul3A_70 = arith.mulf %sub3A_66, %mul3A : vector<4096x256xf32>
    %get3A_71 = arith.constant 0 : index
    %get3A_72 = arith.constant 0 : index
    %get3A_73 = vector.load %arg7[%get3A_71, %get3A_72] : memref<1x256xf32, #tpu.memory_space<vmem>>, vector<1x256xf32>
    %mul3A_74 = vector.broadcast %get3A_73 : vector<1x256xf32> to vector<4096x256xf32>
    %mul3A_75 = arith.mulf %mul3A_70, %mul3A_74 : vector<4096x256xf32>
    %get3A_76 = arith.constant 0 : index
    %get3A_77 = arith.constant 0 : index
    %get3A_78 = vector.load %arg8[%get3A_76, %get3A_77] : memref<1x256xf32, #tpu.memory_space<vmem>>, vector<1x256xf32>
    %add3A_79 = vector.broadcast %get3A_78 : vector<1x256xf32> to vector<4096x256xf32>
    %add3A_80 = arith.addf %mul3A_75, %add3A_79 : vector<4096x256xf32>
    %max3A_81 = arith.constant 0.000000e+00 : f32
    %max3A_82 = vector.broadcast %max3A_81 : f32 to vector<4096x256xf32>
    %max3A_83 = arith.maximumf %add3A_80, %max3A_82 : vector<4096x256xf32>
    %get3A_84 = arith.constant 0 : index
    %get3A_85 = arith.constant 0 : index
    %get3A_86 = vector.load %arg9[%get3A_84, %get3A_85] : memref<256x128xf32, #tpu.memory_space<vmem>>, vector<256x128xf32>
    %dot_general3A_87 = arith.constant dense<0.000000e+00> : vector<4096x128xf32>
    %dot_general3A_88 = tpu.matmul %max3A_83, %get3A_86, %dot_general3A_87 {dimension_numbers = #tpu.dot_dimension_numbers<[1], [0], [0], [1], [0, 0, 1, 1], [], []>, transpose_lhs_hint = false} : vector<4096x256xf32>, vector<256x128xf32>, vector<4096x128xf32> -> vector<4096x128xf32>
    %get3A_89 = arith.constant 0 : index
    %get3A_90 = arith.constant 0 : index
    %get3A_91 = vector.load %arg10[%get3A_89, %get3A_90] : memref<1x128xf32, #tpu.memory_space<vmem>>, vector<1x128xf32>
    %add3A_92 = vector.broadcast %get3A_91 : vector<1x128xf32> to vector<4096x128xf32>
    %add3A_93 = arith.addf %dot_general3A_88, %add3A_92 : vector<4096x128xf32>
    %swap3A = arith.constant 0 : index
    %swap3A_94 = arith.constant 0 : index
    %swap3A_95 = vector.load %arg11[%swap3A, %swap3A_94] : memref<4096x128xf32, #tpu.memory_space<vmem>>, vector<4096x128xf32>
    tpu.vector_store %arg11[%swap3A, %swap3A_94], %add3A_93 {strides = array<i32>} : memref<4096x128xf32, #tpu.memory_space<vmem>>, vector<4096x128xf32>,
    return
  }
}

</mosaic_0001>

<sc_bundles>
// kernel: kernel.11.cloned.1.call-start
scs
__scs_entry_jumppad:
0x0: {  	(pc) =	sbr.rel $0x88, $3  }
0x1: {  	(tag) =	ssettag $0x0;
	lr =	simm.s32 $0x1  }
0x2: {  	[smem:$0x3F94] =	sst lr;
	_ =	strace $0xD0000000  }
0x3: {  	_ = 	snop  }
0x4: {  	_ = 	snop  }
0x5: {  	_ = 	snop  }
0x6: {  	_ = 	snop  }
0x7: {  	_ = 	snop  }
__scs_overlays_trampoline_lowered:
0x8: {  	[smem:$0x3FA3] =	sst s0  }
0x9: {  	[smem:$0x3FA4] =	sst s1  }
0xa: {  	[smem:$0x3FA5] =	sst s2  }
0xb: {  	[smem:$0x3FA6] =	sst s3  }
0xc: {  	[smem:$0x3FA7] =	sst s4  }
0xd: {  	[smem:$0x3FA8] =	sst s5  }
0xe: {  	[smem:$0x3FA9] =	sst s6  }
0xf: {  	[smem:$0x3FAA] =	sst s7  }
0x10: {  	[smem:$0x3FAB] =	sst s8  }
0x11: {  	[smem:$0x3FAC] =	sst s9;
	s0 =	simm.s32 @!p0 $0x0  }
0x12: {  	s1 =	sld [smem:$0x3F92];
	s0 =	simm.s32 @p0 $0x1  }
0x13: {  	[smem:$0x3FAD] =	sst s0;
	s0 =	simm.s32 @!p1 $0x0  }
0x14: {  	s2 =	sld [smem:$0x3F91];
	s0 =	simm.s32 @p1 $0x1  }
0x15: {  	[smem:$0x3FAE] =	sst s0;
	s0 =	simm.s32 @!p2 $0x0  }
0x16: {  	s3 =	sld [smem:$0x3FDB];
	s0 =	simm.s32 @p2 $0x1  }
0x17: {  	s4 =	simm.s32 $0x1BF5;
	[smem:$0x3FB0] =	sst s0  }
0x18: {  	s0 =	sld [smem:$0x3F93];
	_ =	swait.ge [sflag:s4], $0x0  }
0x19: {  	s7 =	sld [smem:$0x3F94]  }
0x1a: {  	s8 =	sadd.s32 $0xFFFFE003, lr  }
0x1b: {  	s9 =	sadd.s32 $0xFFFFFEF7, lr;
	s5 =	simm.s32 $0xFFFFFFFF;
	p2 =	slt.u32 s8, $0xFFFFF086  }
0x1c: {  	p1 =	slt.u32 s9, $0xF7A;
	s5 =	simm.s32 @!p2 $0x0  }
0x1d: {  	s5 =	simm.s32 @p1 $0x1;
	p0 =	seq.s32 s7, s2  }
0x1e: {  	s7 =	smul.u32 @!p0 $0xF7A, s2;
	p2 =	seq.s32 @!p0 s5, $0x0  }
0x1f: {  	s9 =	smul.u32 $0xF7A, s1;
	s8 =	simm.s32 @!p0 $0x1BF5;
	p2 =	por !p2, p0  }
0x20: {  	[sflag:s8] =	ssyncset.s32 @!p0 $0xFFFFF086;
	s6 =	sadd.s32 @!p0 s3, s7;
	s7 =	simm.s32 @!p0 $0x108  }
0x21: {  	s3 =	sadd.s32 s3, s9;
	s6 =	sadd.s32 @!p0 $0x88, s6;
	s7 =	simm.s32 @p2 $0x1082  }
0x22: {  	[simem:s7], [sflag:s8] =	dma.local @!p0 [hbm:s6], $0xF7A  }
0x23: {  	s9 =	sor.u32 $0xD0000000, s2;
	s6 =	simm.s32 $0x108;
	_ =	swait.ge @!p0 [sflag:s8], $0x0  }
0x24: {  	s3 =	sadd.s32 $0x88, s3;
	s6 =	simm.s32 @!p1 $0x1082;
	[sflag:s4] =	ssyncset.s32 $0xFFFFF086  }
0x25: {  	[simem:s6], [sflag:s4] =	dma.local [hbm:s3], $0xF7A  }
0x26: {  	[smem:$0x3F94] =	sst s1;
	(tag) =	ssettag s2;
	_ =	strace s9  }
0x27: {  	s1 =	sld [smem:$0x3FA4]  }
0x28: {  	s2 =	sld [smem:$0x3FA5]  }
0x29: {  	s4 =	sld [smem:$0x3FA7]  }
0x2a: {  	p0 =	seq.s32 s5, $0x0;
	s5 =	sld [smem:$0x3FA8]  }
0x2b: {  	s6 =	sld [smem:$0x3FA9]  }
0x2c: {  	s7 =	sld [smem:$0x3FAA]  }
0x2d: {  	s3 =	simm.s32 $0x108;
	s8 =	sld [smem:$0x3FAB]  }
0x2e: {  	s3 =	simm.s32 @!p0 $0x1082;
	s9 =	sld [smem:$0x3FAC]  }
0x2f: {  	lr =	sadd.s32 s0, s3;
	s0 =	sld [smem:$0x3FA3]  }
0x30: {  	s3 =	sld [smem:$0x3FA6]  }
0x31: {  	[smem:$0x3FAF] =	sst s10  }
0x32: {  	s10 =	sld [smem:$0x3FAD];
	_ =	sdelay $0x3  }
0x33: {  	p0 =	seq.s32 s10, $0x1;
	s10 =	sld [smem:$0x3FAF];
	_ =	sdelay $0x3  }
0x34: {  	[smem:$0x3FAF] =	sst s10  }
0x35: {  	s10 =	sld [smem:$0x3FAE];
	_ =	sdelay $0x3  }
0x36: {  	p1 =	seq.s32 s10, $0x1;
	s10 =	sld [smem:$0x3FAF];
	_ =	sdelay $0x3  }
0x37: {  	[smem:$0x3FAF] =	sst s10  }
0x38: {  	s10 =	sld [smem:$0x3FB0]  }
0x39: {  	_ = 	snop;
	(pc) =	sbr.ind lr, $3  }
0x3a: {  	_ = 	snop  }
0x3b: {  	_ = 	snop  }
0x3c: {  	p2 =	seq.s32 s10, $0x1;
	s10 =	sld [smem:$0x3FAF]  }
0x3d: {  	_ =	shalt  }
0x3e: {  	_ =	shalt  }
0x3f: {  	_ =	shalt  }
0x40: {  	_ =	shalt  }
0x41: {  	_ =	shalt  }
0x42: {  	_ =	shalt  }
0x43: {  	_ =	shalt  }
0x44: {  	_ =	shalt  }
0x45: {  	_ =	shalt  }
0x46: {  	_ =	shalt  }
0x47: {  	_ =	shalt  }
0x48: {  	_ =	shalt  }
0x49: {  	_ =	shalt  }
0x4a: {  	_ =	shalt  }
0x4b: {  	_ =	shalt  }
0x4c: {  	_ =	shalt  }
0x4d: {  	_ =	shalt  }
0x4e: {  	_ =	shalt  }
0x4f: {  	_ =	shalt  }
0x50: {  	_ =	shalt  }
0x51: {  	_ =	shalt  }
0x52: {  	_ =	shalt  }
0x53: {  	_ =	shalt  }
0x54: {  	_ =	shalt  }
0x55: {  	_ =	shalt  }
0x56: {  	_ =	shalt  }
0x57: {  	_ =	shalt  }
0x58: {  	_ =	shalt  }
0x59: {  	_ =	shalt  }
0x5a: {  	_ =	shalt  }
0x5b: {  	_ =	shalt  }
0x5c: {  	_ =	shalt  }
0x5d: {  	_ =	shalt  }
0x5e: {  	_ =	shalt  }
0x5f: {  	_ =	shalt  }
0x60: {  	_ =	shalt  }
0x61: {  	_ =	shalt  }
0x62: {  	_ =	shalt  }
0x63: {  	_ =	shalt  }
0x64: {  	_ =	shalt  }
0x65: {  	_ =	shalt  }
0x66: {  	_ =	shalt  }
0x67: {  	_ =	shalt  }
0x68: {  	_ =	shalt  }
0x69: {  	_ =	shalt  }
0x6a: {  	_ =	shalt  }
0x6b: {  	_ =	shalt  }
0x6c: {  	_ =	shalt  }
0x6d: {  	_ =	shalt  }
0x6e: {  	_ =	shalt  }
0x6f: {  	_ =	shalt  }
0x70: {  	_ =	shalt  }
0x71: {  	_ =	shalt  }
0x72: {  	_ =	shalt  }
0x73: {  	_ =	shalt  }
0x74: {  	_ =	shalt  }
0x75: {  	_ =	shalt  }
0x76: {  	_ =	shalt  }
0x77: {  	_ =	shalt  }
0x78: {  	_ =	shalt  }
0x79: {  	_ =	shalt  }
0x7a: {  	_ =	shalt  }
0x7b: {  	_ =	shalt  }
0x7c: {  	_ =	shalt  }
0x7d: {  	_ =	shalt  }
0x7e: {  	_ =	shalt  }
0x7f: {  	_ =	shalt  }
0x80: {  	_ =	shalt  }
0x81: {  	_ =	shalt  }
0x82: {  	_ =	shalt  }
0x83: {  	_ =	shalt  }
0x84: {  	_ =	shalt  }
0x85: {  	_ =	shalt  }
0x86: {  	_ =	shalt  }
0x87: {  	_ =	shalt  }
.Lfunc_end0:
.L_simem_size_0:
called_computation.1_lowered:
.L_overlay_start_0:
0x88: {  	s2 =	sld [smem:$0x3FD9]  }
0x89: {  	s3 =	sld [smem:$0x3FFE];
	_ =	sdelay $0x1  }
0x8a: {  	s1 =	srdreg.scid  }
0x8b: {  	s0 =	sand.u32 $0x1, s1  }
0x8c: {  	s17 =	sshll.u32 s0, $0xA;
	s2 =	sadd.s32 s3, s2  }
0x8d: {  	s2 =	sadd.s32 s2, s17  }
0x8e: {  	[smem:$0x3FBB] =	sst s2  }
0x8f: {  	_ = 	snop  }
0x90: {  	s2 =	sld [smem:$0x3FD0];
	(tm) =	ssettm $0x1  }
0x91: {  	s18 =	sld [smem:$0x3FFB];
	_ =	sdelay $0x3  }
0x92: {  	_ =	strace s18  }
0x93: {  	s3 =	sld [smem:$0x3FFC];
	_ =	sdelay $0x3  }
0x94: {  	_ =	strace s3  }
0x95: {  	s3 =	sld [smem:$0x3FFD];
	_ =	sdelay $0x3  }
0x96: {  	_ =	strace s3  }
0x97: {  	_ =	strace $0x8FFFFFFF  }
0x98: {  	s19 =	sld [smem:$0x3FDB];
	_ =	sdelay $0x1  }
0x99: {  	s4 =	simm.s32 $_scs_section_size  }
0x9a: {  	s5 =	simm.s32 $_size__tile_overlayer_lowered;
	s6 =	simm.s32 $_tile_overlayer_lowered  }
0x9b: {  	s22 =	simm.s32 $0x1BFF;
	s21 =	sshll.u32 s6, $0x1;
	s3 =	sadd.s32 s4, s19  }
0x9c: {  	s7 =	simm.s32 $0x0;
	s20 =	sshll.u32 s5, $0x1;
	s5 =	sadd.s32 s21, s3  }
0x9d: {  	[timem:s7], [sflag:s22] =	dma.local [hbm:s5], s20  }
0x9e: {  	_ =	swait.ge [sflag:s22], s20  }
0x9f: {  	s4 =	ssub.s32 $0x0, s20;
	[sflag:s22] =	ssyncset.done $0x0  }
0xa0: {  	[sflag:s22] =	ssyncadd.s32 s4;
	_ =	sdelay $0x1  }
0xa1: {  	s23 =	simm.s32 $0x1B8B  }
0xa2: {  	_ =	swait.ge [sflag:s23], $0x1  }
0xa3: {  	[sflag:s23] =	ssyncset.done $0x0  }
0xa4: {  	s25 =	simm.s32 $0x1B8E;
	s24 =	sld [smem:$0x3FFE];
	[sflag:s23] =	ssyncadd.s32 $0xFFFFFFFF  }
0xa5: {  	s26 =	simm.s32 $execute0_lowered;
	[smem:$0x3FD2] =	sst s25  }
0xa6: {  	s5 =	sshll.u32 s26, $0x1;
	_ =	strace $0x80000049;
	[dreg:$0x1] =	wrdreg $0xFFFFFFFF  }
0xa7: {  	s28 =	simm.s32 $_size_execute0_lowered;
	s3 =	sadd.s32 s3, s5;
	[dreg:$0x0] =	wrdreg $0x0  }
0xa8: {  	s5 =	sshll.u32 s28, $0x1;
	[dreg:$0x2] =	wrdreg s3  }
0xa9: {  	[dreg:$0x3] =	wrdreg s5  }
0xaa: {  	[dreg:$0x4] =	wrdreg $0xC0  }
0xab: {  	_ =	task [dreg:s7], $0x5FFFF  }
0xac: {  	[dreg:$0x1] =	wrdreg $0xFFFFFFFF  }
0xad: {  	[dreg:$0x0] =	wrdreg $0x60  }
0xae: {  	[dreg:$0x2] =	wrdreg s24  }
0xaf: {  	[dreg:$0x3] =	wrdreg s2  }
0xb0: {  	[dreg:$0x4] =	wrdreg $0x105000  }
0xb1: {  	[dreg:$0x5] =	wrdreg $0x9  }
0xb2: {  	_ =	task.clear_ibuf [dreg:s7], $0x6FFFF;
	_ =	strace $0x90000049  }
0xb3: {  	s29 =	simm.s32 $0x9;
	_ =	strace $0x8000004B  }
0xb4: {  	_ =	swait.ge [sflag:s29], $0x1  }
0xb5: {  	[sflag:s29] =	ssyncadd.s32 $0xFFFFFFFF  }
0xb6: {  	_ =	strace $0x9000004B  }
0xb7: {  	_ =	sfence  }
0xb8: {  	s30 =	sld [smem:$0x0];
	_ =	sdelay $0x2  }
0xb9: {  	s31 =	sshll.u32 s1, $0xD;
	s1 =	sshrl.u32 s1, $0x2  }
0xba: {  	s3 =	sand.u32 $0x4000, s31;
	s1 =	sadd.s32 s1, s30  }
0xbb: {  	s0 =	sor.u32 s3, s0;
	s1 =	sshll.u32 s1, $0x11  }
0xbc: {  	s0 =	sor.u32 s1, s0  }
0xbd: {  	s0 =	sadd.s32 $0x8F2B, s0  }
0xbe: {  	[sflag:s0] =	ssyncadd.remote.s32 $0x1  }
0xbf: {  	_ =	sfence.sel $0xFFFF  }
0xc0: {  	[dreg:$0x0] =	wrdreg $0xFFFFFFFF;
	(pc) =	sbr.abs _section_cstart, $3  }
0xc1: {  	[dreg:$0x1] =	wrdreg $0xFFFFFFFF  }
0xc2: {  	_ =	task.clear_ibuf [dreg:s7], $0x2FFFF;
	_ =	strace $0x9FFFFFFF  }
0xc3: {  	(tm) =	ssettm $0x7FFFFFFF  }
tec
execute0_lowered:
.L_overlay_start_1:
0x0: {  	(tag) =	ssettag $0x1  }
0x1: {  	s0 =	rddreg [dreg:$0x0]  }
0x2: {  	s2 =	rddreg [dreg:$0x1]  }
0x3: {  	s1 =	rddreg [dreg:$0x2]  }
0x4: {  	s3 =	srdreg.scid;
	s17 =	stileid.u32  }
0x5: {  	s28 =	simm.s32 $0x9D00;
	s29 =	simm.s32 $0x1;
	s30 =	simm.s32 $0x80  }
0x6: {  	s5 =	sand.u32 $0x1, s3;
	s3 =	simm.s32 $0x0;
	s6 =	smul.u32 $0x9D0, s17  }
0x7: {  	s9 =	sadd.s32 $0x175000, s0;
	s11 =	sshll.u32 s17, $0x6;
	s13 =	smul.u32 $0x28000, s17  }
0x8: {  	s21 =	sadd.s32 $0x17B200, s0;
	s22 =	sshll.u32 s17, $0xF;
	s26 =	sshll.u32 s17, $0x9  }
0x9: {  	s4 =	smul.u32 $0xA0000, s5;
	[smem:$0x7FF] =	sst s3;
	s10 =	ssub.s32 $0x2, s5  }
0xa: {  	s18 =	sshll.u32 s5, $0x13;
	s19 =	sor.u32 $0x80, s26;
	s20 =	sor.u32 $0x100, s26  }
0xb: {  	p0 =	seq.s32 s5, $0x0;
	p1 =	sne.s32 s5, $0x0;
	_ =	strace $0x8000004A  }
0xc: {  	s8 =	sadd.s32 s6, s0;
	[dreg:$0x4] =	wrdreg s9;
	s9 =	sadd.s32 $0x19B200, s0  }
0xd: {  	s12 =	sshrl.u32 s10, $0x1;
	s2 =	sadd.s32 s2, s6;
	s16 =	sshrl.u32 s13, $0x2  }
0xe: {  	s6 =	sor.u32 s22, s18;
	s22 =	sor.u32 $0x180, s26;
	s31 =	sshll.u32 s19, $0x6  }
0xf: {  	s26 =	sshll.u32 s20, $0x4;
	s7 =	sadd.s32 s4, s0;
	s4 =	sadd.s32 $0x14DE00, s0  }
0x10: {  	s0 =	sadd.s32 s11, s0;
	s24 =	ssub.s32 s10, s12;
	[dreg:$0x5] =	wrdreg s2  }
0x11: {  	s15 =	sadd.s32 $0x4000, s8;
	s8 =	sadd.s32 s16, s1;
	s6 =	sshrl.u32 s6, $0x3  }
0x12: {  	s10 =	sshll.u32 s20, $0x6;
	s14 =	sshll.u32 s22, $0x6;
	s20 =	sadd.s32 s21, s26  }
0x13: {  	[dreg:$0x6] =	wrdreg s15;
	s23 =	sadd.s32 $0x2000, s8;
	s25 =	sadd.s32 $0x4000, s8  }
0x14: {  	s11 =	sadd.s32 $0x6000, s8;
	s15 =	sor.u32 s18, s31;
	s16 =	sor.u32 s18, s10  }
0x15: {  	s2 =	sor.u32 s18, s14;
	s12 =	sadd.s32 $0x8000, s8;
	s13 =	sadd.s32 s9, s6  }
0x16: {  	s31 =	sshll.u32 s22, $0x4;
	s22 =	sadd.s32 $0x17AE00, s0;
	[dreg:$0x7] =	wrdreg s23  }
0x17: {  	s24 =	smax.u32 s24, $0x1;
	[dreg:$0x8] =	wrdreg s25;
	s15 =	sshrl.u32 s15, $0x3  }
0x18: {  	s18 =	sshrl.u32 s16, $0x3;
	s2 =	sshrl.u32 s2, $0x3;
	s23 =	sshll.u32 s17, $0xD  }
0x19: {  	s17 =	sadd.s32 $0xDE00, s7;
	s25 =	sshll.u32 s19, $0x4;
	s14 =	sadd.s32 s9, s15  }
0x1a: {  	s15 =	sadd.s32 s9, s18;
	s16 =	sadd.s32 s9, s2;
	s18 =	sadd.s32 s21, s23  }
0x1b: {  	s19 =	sadd.s32 s21, s25;
	s21 =	sadd.s32 s21, s31;
	s23 =	sadd.s32 $0x175600, s0  }
0x1c: {  	v0 =	vimm.f32 $0.0e+00;
	s25 =	simm.s32 $0x2;
	s0 =	simm.s32 $0x1A500;
	s2 =	simm.s32 $0x0  }
.LBB2_1:
0x1d: {  	s5 =	rddreg [dreg:$0x5]  }
0x1e: {  	[tilespmem:s3], [sflag:$0x2] =	stream.linear.gather [hbm4b:s5+s3], $0x4E80, $0x38;
	[tilespmem:$0x1E900] =	vst v63  }
0x1f: {  	_ =	swait.ge [sflag:s25], $0x4E80  }
0x20: {  	[sflag:s25] =	ssyncset.done $0x0  }
0x21: {  	s6 =	simm.s32 $0x4E80;
	s31 =	rddreg [dreg:$0x6];
	[sflag:s25] =	ssyncadd.s32 $0xFFFFB180  }
0x22: {  	[tilespmem:s6], [sflag:$0x2] =	stream.linear.gather [hbm4b:s31+s3], $0x4E80, $0x38;
	[tilespmem:$0x1E900] =	vst v63  }
0x23: {  	_ =	swait.ge [sflag:s25], $0x4E80  }
0x24: {  	[sflag:s25] =	ssyncset.done $0x0  }
0x25: {  	s5 =	simm.s32 $0x0;
	s6 =	simm.s32 $0x100;
	[sflag:s25] =	ssyncadd.s32 $0xFFFFB180  }
.LBB2_2:
0x26: {  	p2 =	sne.s32 s6, $0x7F00;
	[tilespmem:s5+$0x9D30] =	vst v0;
	s7 =	smov.u32 s6;
	s6 =	sadd.s32 $0x100, s6  }
.Ltmp0:
0x27: {  	[tilespmem:s5+$0x9D20] =	vst v0;
	(pc) =	sbr.rel @p2 .LBB2_2-.Ltmp0, $3  }
0x28: {  	[tilespmem:s5+$0x9D00] =	vst v0  }
0x29: {  	[tilespmem:s5+$0x9D10] =	vst v0;
	_ =	sdelay $0x1  }
0x2a: {  	s5 =	sshra.s32 s7, $0x2  }
0x2b: {  	[tilespmem:s5+$0x9D30] =	vst v0  }
0x2c: {  	[tilespmem:s5+$0x9D20] =	vst v0  }
0x2d: {  	[tilespmem:s5+$0x9D00] =	vst v0  }
0x2e: {  	[tilespmem:s5+$0x9D10] =	vst v0  }
0x2f: {  	[spmem:s8] =	stream.linear.scatter [tilespmem:s28], [sflag:$0x2], $0x2000, $0x38;
	[tilespmem:$0x1E900] =	vst v63  }
0x30: {  	_ =	swait.ge [sflag:s25], $0x2000  }
0x31: {  	[sflag:s25] =	ssyncset.done $0x0  }
0x32: {  	s10 =	rddreg [dreg:$0x7];
	[sflag:s25] =	ssyncadd.s32 $0xFFFFE000  }
0x33: {  	[spmem:s10] =	stream.linear.scatter [tilespmem:s28], [sflag:$0x2], $0x2000, $0x38;
	[tilespmem:$0x1E900] =	vst v63  }
0x34: {  	_ =	swait.ge [sflag:s25], $0x2000  }
0x35: {  	[sflag:s25] =	ssyncset.done $0x0  }
0x36: {  	s26 =	rddreg [dreg:$0x8];
	[sflag:s25] =	ssyncadd.s32 $0xFFFFE000  }
0x37: {  	[spmem:s26] =	stream.linear.scatter [tilespmem:s28], [sflag:$0x2], $0x2000, $0x38;
	[tilespmem:$0x1E900] =	vst v63  }
0x38: {  	_ =	swait.ge [sflag:s25], $0x2000  }
0x39: {  	[sflag:s25] =	ssyncset.done $0x0  }
0x3a: {  	[sflag:s25] =	ssyncadd.s32 $0xFFFFE000  }
0x3b: {  	[spmem:s11] =	stream.linear.scatter [tilespmem:s28], [sflag:$0x2], $0x2000, $0x38;
	[tilespmem:$0x1E900] =	vst v63  }
0x3c: {  	_ =	swait.ge [sflag:s25], $0x2000  }
0x3d: {  	[sflag:s25] =	ssyncset.done $0x0  }
0x3e: {  	[sflag:s25] =	ssyncadd.s32 $0xFFFFE000  }
0x3f: {  	[spmem:s12] =	stream.linear.scatter [tilespmem:s28], [sflag:$0x2], $0x2000, $0x38;
	[tilespmem:$0x1E900] =	vst v63  }
0x40: {  	_ =	swait.ge [sflag:s25], $0x2000  }
0x41: {  	[sflag:s25] =	ssyncset.done $0x0  }
0x42: {  	[sflag:s25] =	ssyncadd.s32 $0xFFFFE000  }
0x43: {  	s5 =	simm.s32 $0x80;
	s6 =	simm.s32 $0x0;
	[bflag:$0x0] =	sbarrier.arrive $0xFFFF  }
0x44: {  	[tilespmem:s28], [sflag:$0x1] =	stream.indirect.gather [hbm4b:s17+s5], $0x40, s6, s5, $0xb8;
	[tilespmem:$0x1E900] =	vst v63  }
0x45: {  	s31 =	simm.s32 $0x0;
	_ =	swait.ge [sflag:s29], $0x2000  }
0x46: {  	s7 =	sand.u32 $0x2000, s31;
	[sflag:s29] =	ssyncset.done $0x0  }
0x47: {  	s6 =	sxor.u32 $0xBD00, s7;
	[sflag:s29] =	ssyncadd.s32 $0xFFFFE000  }
0x48: {  	[tilespmem:s6], [sflag:$0x1] =	stream.indirect.gather [hbm4b:s17+s30], $0x40, s5, s30, $0xb8;
	[tilespmem:$0x1E900] =	vst v63  }
0x49: {  	s7 =	sor.u32 $0x9D00, s7;
	s6 =	simm.s32 $0x4E80  }
0x4a: {  	[spmem:s1] =	stream.indirect.scatter.add.f32 [tilespmem:s7], [sflag:$0x2], $0x40, s6, s30, $0xb8;
	[tilespmem:$0x1E900] =	vst v63  }
0x4b: {  	_ =	swait.ge [sflag:s25], $0x2000  }
0x4c: {  	s7 =	simm.s32 $0x1;
	[sflag:s25] =	ssyncset.done $0x0  }
.LBB2_4:
0x4d: {  	[sflag:s25] =	ssyncadd.s32 $0xFFFFE000  }
0x4e: {  	s6 =	sadd.s32 $0x80, s6;
	s5 =	sadd.s32 $0x80, s5;
	s9 =	smov.u32 s7  }
0x4f: {  	p2 =	sne.s32 s7, $0x9B;
	s7 =	sadd.s32 $0x1, s7;
	_ =	swait.ge [sflag:s29], $0x2000  }
0x50: {  	s9 =	sshll.u32 s9, $0xD;
	[sflag:s29] =	ssyncset.done $0x0  }
0x51: {  	s9 =	sand.u32 $0x2000, s9;
	[sflag:s29] =	ssyncadd.s32 $0xFFFFE000  }
0x52: {  	s26 =	sxor.u32 $0xBD00, s9  }
0x53: {  	[tilespmem:s26], [sflag:$0x1] =	stream.indirect.gather [hbm4b:s17+s30], $0x40, s5, s30, $0xb8;
	[tilespmem:$0x1E900] =	vst v63  }
.Ltmp1:
0x54: {  	_ = 	snop;
	(pc) =	sbr.rel @p2 .LBB2_4-.Ltmp1, $4  }
0x55: {  	s9 =	sor.u32 $0x9D00, s9  }
0x56: {  	[spmem:s1] =	stream.indirect.scatter.add.f32 [tilespmem:s9], [sflag:$0x2], $0x40, s6, s30, $0xb8;
	[tilespmem:$0x1E900] =	vst v63  }
0x57: {  	_ =	swait.ge [sflag:s25], $0x2000  }
0x58: {  	[sflag:s25] =	ssyncset.done $0x0  }
0x59: {  	[sflag:s25] =	ssyncadd.s32 $0xFFFFE000  }
0x5a: {  	_ =	swait.ge [sflag:s29], $0x2000  }
0x5b: {  	[sflag:s29] =	ssyncset.done $0x0  }
0x5c: {  	s5 =	simm.s32 $0x9C80;
	[sflag:s29] =	ssyncadd.s32 $0xFFFFE000  }
0x5d: {  	[spmem:s1] =	stream.indirect.scatter.add.f32 [tilespmem:s28], [sflag:$0x2], $0x40, s5, s30, $0xb8;
	[tilespmem:$0x1E900] =	vst v63  }
0x5e: {  	_ =	swait.ge [sflag:s25], $0x2000  }
0x5f: {  	[sflag:s25] =	ssyncset.done $0x0  }
0x60: {  	[sflag:s25] =	ssyncadd.s32 $0xFFFFE000  }
0x61: {  	[bflag:$0x0] =	sbarrier.arrive $0xFFFF  }
0x62: {  	[tilespmem:s0], [sflag:$0x2] =	stream.linear.gather [hbm4b:s22+s3], $0x200, $0x38;
	[tilespmem:$0x1E900] =	vst v63  }
0x63: {  	_ =	swait.ge [sflag:s25], $0x200  }
0x64: {  	s6 =	simm.s32 @!p0 $0xDD00;
	[sflag:s25] =	ssyncset.done $0x0  }
0x65: {  	s5 =	simm.s32 @!p0 $0x0;
	s7 =	rddreg [dreg:$0x4];
	[sflag:s25] =	ssyncadd.s32 $0xFFFFFE00  }
0x66: {  	[tilespmem:s6], [sflag:$0x2] =	stream.linear.gather @!p0 [hbm4b:s7+s5], $0x2800, $0x38;
	[tilespmem:$0x1E900] =	vst v63  }
0x67: {  	s5 =	simm.s32 @!p0 $0x2  }
0x68: {  	_ =	swait.ge @!p0 [sflag:s5], $0x2800  }
0x69: {  	[sflag:s5] =	ssyncset.done @!p0 $0x0  }
0x6a: {  	[sflag:s5] =	ssyncadd.s32 @!p0 $0xFFFFD800  }
0x6b: {  	[tilespmem:s28], [sflag:$0x1] =	stream.indirect.gather [spmem:s1], $0x40, s0, s30, $0xb8;
	[tilespmem:$0x1E900] =	vst v63  }
0x6c: {  	_ =	swait.ge [sflag:s29], $0x2000  }
0x6d: {  	[sflag:s29] =	ssyncset.done $0x0  }
0x6e: {  	[sflag:s29] =	ssyncadd.s32 $0xFFFFE000  }
0x6f: {  	[hbm4b:s13+s3] =	stream.linear.scatter [tilespmem:s28], [sflag:$0x2], $0x2000, $0x38;
	[tilespmem:$0x1E900] =	vst v63  }
0x70: {  	_ =	swait.ge [sflag:s25], $0x2000  }
0x71: {  	[sflag:s25] =	ssyncset.done $0x0  }
0x72: {  	[sflag:s25] =	ssyncadd.s32 $0xFFFFE000  }
0x73: {  	v1 =	vld @p1 [tilespmem:$0x1A500];
	_ =	sdelay $0x5  }
0x74: {  	v2 =	vld @p1 [tilespmem:$0x1A510]  }
0x75: {  	s26 =	simm.s32 @p1 $0xDD00  }
0x76: {  	v1 =	vld.idx.msk @p1 [tilespmem:v1+s26+$0x0], $0xffff;
	_ =	sdelay $0x3  }
0x77: {  	v3 =	vld @p1 [tilespmem:$0x1A520]  }
0x78: {  	[tilespmem:$0x1E700] =	vst @p1 v1  }
0x79: {  	v1 =	vld.idx.msk @p1 [tilespmem:v2+s26+$0x0], $0xffff;
	_ =	sdelay $0x3  }
0x7a: {  	v2 =	vld @p1 [tilespmem:$0x1A530]  }
0x7b: {  	[tilespmem:$0x1E710] =	vst @p1 v1  }
0x7c: {  	v1 =	vld.idx.msk @p1 [tilespmem:v3+s26+$0x0], $0xffff;
	_ =	sdelay $0x3  }
0x7d: {  	v3 =	vld @p1 [tilespmem:$0x1A540]  }
0x7e: {  	[tilespmem:$0x1E720] =	vst @p1 v1  }
0x7f: {  	v1 =	vld.idx.msk @p1 [tilespmem:v2+s26+$0x0], $0xffff;
	_ =	sdelay $0x3  }
0x80: {  	v2 =	vld @p1 [tilespmem:$0x1A550]  }
0x81: {  	[tilespmem:$0x1E730] =	vst @p1 v1  }
0x82: {  	v1 =	vld.idx.msk @p1 [tilespmem:v3+s26+$0x0], $0xffff;
	_ =	sdelay $0x3  }
0x83: {  	v3 =	vld @p1 [tilespmem:$0x1A560]  }
0x84: {  	[tilespmem:$0x1E740] =	vst @p1 v1  }
0x85: {  	v1 =	vld.idx.msk @p1 [tilespmem:v2+s26+$0x0], $0xffff;
	_ =	sdelay $0x3  }
0x86: {  	v2 =	vld @p1 [tilespmem:$0x1A570]  }
0x87: {  	[tilespmem:$0x1E750] =	vst @p1 v1  }
0x88: {  	v1 =	vld.idx.msk @p1 [tilespmem:v3+s26+$0x0], $0xffff;
	_ =	sdelay $0x4  }
0x89: {  	[tilespmem:$0x1E760] =	vst @p1 v1  }
0x8a: {  	v1 =	vld.idx.msk @p1 [tilespmem:v2+s26+$0x0], $0xffff;
	_ =	sdelay $0x4  }
0x8b: {  	s31 =	simm.s32 @!p1 $0x1A700;
	s6 =	simm.s32 @!p1 $0x1A500;
	s5 =	simm.s32 @!p1 $0x80;
	[tilespmem:$0x1E770] =	vst @p1 v1  }
0x8c: {  	[tilespmem:s31], [sflag:$0x1] =	stream.indirect.gather @!p1 [hbm4b:s4+s5], $0x80, s6, s5, $0xb8;
	[tilespmem:$0x1E900] =	vst v63  }
0x8d: {  	s6 =	simm.s32 @!p1 $0x1  }
0x8e: {  	_ =	swait.ge @!p1 [sflag:s6], $0x4000  }
0x8f: {  	[sflag:s6] =	ssyncset.done @!p1 $0x0  }
0x90: {  	s9 =	simm.s32 @!p1 $0x0;
	s7 =	simm.s32 @!p1 $0x2;
	[sflag:s6] =	ssyncadd.s32 @!p1 $0xFFFFC000  }
0x91: {  	[hbm4b:s18+s9] =	stream.linear.scatter @!p1 [tilespmem:s31], [sflag:$0x2], $0x4000, $0x38;
	[tilespmem:$0x1E900] =	vst v63  }
0x92: {  	_ =	swait.ge @!p1 [sflag:s7], $0x4000  }
0x93: {  	[sflag:s7] =	ssyncset.done @!p1 $0x0  }
0x94: {  	s10 =	simm.s32 $0x1A580;
	[sflag:s7] =	ssyncadd.s32 @!p1 $0xFFFFC000  }
0x95: {  	[tilespmem:s28], [sflag:$0x1] =	stream.indirect.gather [spmem:s1], $0x40, s10, s30, $0xb8;
	[tilespmem:$0x1E900] =	vst v63  }
0x96: {  	_ =	swait.ge [sflag:s29], $0x2000  }
0x97: {  	[sflag:s29] =	ssyncset.done $0x0  }
0x98: {  	[sflag:s29] =	ssyncadd.s32 $0xFFFFE000  }
0x99: {  	[hbm4b:s14+s3] =	stream.linear.scatter [tilespmem:s28], [sflag:$0x2], $0x2000, $0x38;
	[tilespmem:$0x1E900] =	vst v63  }
0x9a: {  	_ =	swait.ge [sflag:s25], $0x2000  }
0x9b: {  	[sflag:s25] =	ssyncset.done $0x0  }
0x9c: {  	[sflag:s25] =	ssyncadd.s32 $0xFFFFE000  }
0x9d: {  	v1 =	vld @p1 [tilespmem:$0x1A580];
	_ =	sdelay $0x5  }
0x9e: {  	v2 =	vld @p1 [tilespmem:$0x1A590];
	_ =	sdelay $0x1  }
0x9f: {  	v1 =	vld.idx.msk @p1 [tilespmem:v1+s26+$0x0], $0xffff;
	_ =	sdelay $0x3  }
0xa0: {  	v3 =	vld @p1 [tilespmem:$0x1A5A0]  }
0xa1: {  	[tilespmem:$0x1E780] =	vst @p1 v1  }
0xa2: {  	v1 =	vld.idx.msk @p1 [tilespmem:v2+s26+$0x0], $0xffff;
	_ =	sdelay $0x3  }
0xa3: {  	v2 =	vld @p1 [tilespmem:$0x1A5B0]  }
0xa4: {  	[tilespmem:$0x1E790] =	vst @p1 v1  }
0xa5: {  	v1 =	vld.idx.msk @p1 [tilespmem:v3+s26+$0x0], $0xffff;
	_ =	sdelay $0x3  }
0xa6: {  	v3 =	vld @p1 [tilespmem:$0x1A5C0]  }
0xa7: {  	[tilespmem:$0x1E7A0] =	vst @p1 v1  }
0xa8: {  	v1 =	vld.idx.msk @p1 [tilespmem:v2+s26+$0x0], $0xffff;
	_ =	sdelay $0x3  }
0xa9: {  	v2 =	vld @p1 [tilespmem:$0x1A5D0]  }
0xaa: {  	[tilespmem:$0x1E7B0] =	vst @p1 v1  }
0xab: {  	v1 =	vld.idx.msk @p1 [tilespmem:v3+s26+$0x0], $0xffff;
	_ =	sdelay $0x3  }
0xac: {  	v3 =	vld @p1 [tilespmem:$0x1A5E0]  }
0xad: {  	[tilespmem:$0x1E7C0] =	vst @p1 v1  }
0xae: {  	v1 =	vld.idx.msk @p1 [tilespmem:v2+s26+$0x0], $0xffff;
	_ =	sdelay $0x3  }
0xaf: {  	v2 =	vld @p1 [tilespmem:$0x1A5F0]  }
0xb0: {  	[tilespmem:$0x1E7D0] =	vst @p1 v1  }
0xb1: {  	v1 =	vld.idx.msk @p1 [tilespmem:v3+s26+$0x0], $0xffff;
	_ =	sdelay $0x4  }
0xb2: {  	[tilespmem:$0x1E7E0] =	vst @p1 v1  }
0xb3: {  	v1 =	vld.idx.msk @p1 [tilespmem:v2+s26+$0x0], $0xffff;
	_ =	sdelay $0x4  }
0xb4: {  	s10 =	simm.s32 @!p1 $0x1A580;
	[tilespmem:$0x1E7F0] =	vst @p1 v1  }
0xb5: {  	[tilespmem:s31], [sflag:$0x1] =	stream.indirect.gather @!p1 [hbm4b:s4+s5], $0x80, s10, s5, $0xb8;
	[tilespmem:$0x1E900] =	vst v63  }
0xb6: {  	_ =	swait.ge @!p1 [sflag:s6], $0x4000  }
0xb7: {  	[sflag:s6] =	ssyncset.done @!p1 $0x0  }
0xb8: {  	[sflag:s6] =	ssyncadd.s32 @!p1 $0xFFFFC000  }
0xb9: {  	[hbm4b:s19+s9] =	stream.linear.scatter @!p1 [tilespmem:s31], [sflag:$0x2], $0x4000, $0x38;
	[tilespmem:$0x1E900] =	vst v63  }
0xba: {  	_ =	swait.ge @!p1 [sflag:s7], $0x4000  }
0xbb: {  	[sflag:s7] =	ssyncset.done @!p1 $0x0  }
0xbc: {  	s10 =	simm.s32 $0x1A600;
	[sflag:s7] =	ssyncadd.s32 @!p1 $0xFFFFC000  }
0xbd: {  	[tilespmem:s28], [sflag:$0x1] =	stream.indirect.gather [spmem:s1], $0x40, s10, s30, $0xb8;
	[tilespmem:$0x1E900] =	vst v63  }
0xbe: {  	_ =	swait.ge [sflag:s29], $0x2000  }
0xbf: {  	[sflag:s29] =	ssyncset.done $0x0  }
0xc0: {  	[sflag:s29] =	ssyncadd.s32 $0xFFFFE000  }
0xc1: {  	[hbm4b:s15+s3] =	stream.linear.scatter [tilespmem:s28], [sflag:$0x2], $0x2000, $0x38;
	[tilespmem:$0x1E900] =	vst v63  }
0xc2: {  	_ =	swait.ge [sflag:s25], $0x2000  }
0xc3: {  	[sflag:s25] =	ssyncset.done $0x0  }
0xc4: {  	[sflag:s25] =	ssyncadd.s32 $0xFFFFE000  }
0xc5: {  	v1 =	vld @p1 [tilespmem:$0x1A600];
	_ =	sdelay $0x5  }
0xc6: {  	v2 =	vld @p1 [tilespmem:$0x1A610];
	_ =	sdelay $0x1  }
0xc7: {  	v1 =	vld.idx.msk @p1 [tilespmem:v1+s26+$0x0], $0xffff;
	_ =	sdelay $0x3  }
0xc8: {  	v3 =	vld @p1 [tilespmem:$0x1A620]  }
0xc9: {  	[tilespmem:$0x1E800] =	vst @p1 v1  }
0xca: {  	v1 =	vld.idx.msk @p1 [tilespmem:v2+s26+$0x0], $0xffff;
	_ =	sdelay $0x3  }
0xcb: {  	v2 =	vld @p1 [tilespmem:$0x1A630]  }
0xcc: {  	[tilespmem:$0x1E810] =	vst @p1 v1  }
0xcd: {  	v1 =	vld.idx.msk @p1 [tilespmem:v3+s26+$0x0], $0xffff;
	_ =	sdelay $0x3  }
0xce: {  	v3 =	vld @p1 [tilespmem:$0x1A640]  }
0xcf: {  	[tilespmem:$0x1E820] =	vst @p1 v1  }
0xd0: {  	v1 =	vld.idx.msk @p1 [tilespmem:v2+s26+$0x0], $0xffff;
	_ =	sdelay $0x3  }
0xd1: {  	v2 =	vld @p1 [tilespmem:$0x1A650]  }
0xd2: {  	[tilespmem:$0x1E830] =	vst @p1 v1  }
0xd3: {  	v1 =	vld.idx.msk @p1 [tilespmem:v3+s26+$0x0], $0xffff;
	_ =	sdelay $0x3  }
0xd4: {  	v3 =	vld @p1 [tilespmem:$0x1A660]  }
0xd5: {  	[tilespmem:$0x1E840] =	vst @p1 v1  }
0xd6: {  	v1 =	vld.idx.msk @p1 [tilespmem:v2+s26+$0x0], $0xffff;
	_ =	sdelay $0x3  }
0xd7: {  	v2 =	vld @p1 [tilespmem:$0x1A670]  }
0xd8: {  	[tilespmem:$0x1E850] =	vst @p1 v1  }
0xd9: {  	v1 =	vld.idx.msk @p1 [tilespmem:v3+s26+$0x0], $0xffff;
	_ =	sdelay $0x4  }
0xda: {  	[tilespmem:$0x1E860] =	vst @p1 v1  }
0xdb: {  	v1 =	vld.idx.msk @p1 [tilespmem:v2+s26+$0x0], $0xffff;
	_ =	sdelay $0x4  }
0xdc: {  	s10 =	simm.s32 @!p1 $0x1A600;
	[tilespmem:$0x1E870] =	vst @p1 v1  }
0xdd: {  	[tilespmem:s31], [sflag:$0x1] =	stream.indirect.gather @!p1 [hbm4b:s4+s5], $0x80, s10, s5, $0xb8;
	[tilespmem:$0x1E900] =	vst v63  }
0xde: {  	_ =	swait.ge @!p1 [sflag:s6], $0x4000  }
0xdf: {  	[sflag:s6] =	ssyncset.done @!p1 $0x0  }
0xe0: {  	[sflag:s6] =	ssyncadd.s32 @!p1 $0xFFFFC000  }
0xe1: {  	[hbm4b:s20+s9] =	stream.linear.scatter @!p1 [tilespmem:s31], [sflag:$0x2], $0x4000, $0x38;
	[tilespmem:$0x1E900] =	vst v63  }
0xe2: {  	_ =	swait.ge @!p1 [sflag:s7], $0x4000  }
0xe3: {  	[sflag:s7] =	ssyncset.done @!p1 $0x0  }
0xe4: {  	s10 =	simm.s32 $0x1A680;
	[sflag:s7] =	ssyncadd.s32 @!p1 $0xFFFFC000  }
0xe5: {  	[tilespmem:s28], [sflag:$0x1] =	stream.indirect.gather [spmem:s1], $0x40, s10, s30, $0xb8;
	[tilespmem:$0x1E900] =	vst v63  }
0xe6: {  	_ =	swait.ge [sflag:s29], $0x2000  }
0xe7: {  	[sflag:s29] =	ssyncset.done $0x0  }
0xe8: {  	[sflag:s29] =	ssyncadd.s32 $0xFFFFE000  }
0xe9: {  	[hbm4b:s16+s3] =	stream.linear.scatter [tilespmem:s28], [sflag:$0x2], $0x2000, $0x38;
	[tilespmem:$0x1E900] =	vst v63  }
0xea: {  	_ =	swait.ge [sflag:s25], $0x2000  }
0xeb: {  	[sflag:s25] =	ssyncset.done $0x0  }
0xec: {  	[sflag:s25] =	ssyncadd.s32 $0xFFFFE000  }
0xed: {  	v1 =	vld @p1 [tilespmem:$0x1A680];
	_ =	sdelay $0x5  }
0xee: {  	v2 =	vld @p1 [tilespmem:$0x1A690];
	_ =	sdelay $0x1  }
0xef: {  	v1 =	vld.idx.msk @p1 [tilespmem:v1+s26+$0x0], $0xffff;
	_ =	sdelay $0x3  }
0xf0: {  	v3 =	vld @p1 [tilespmem:$0x1A6A0]  }
0xf1: {  	[tilespmem:$0x1E880] =	vst @p1 v1  }
0xf2: {  	v1 =	vld.idx.msk @p1 [tilespmem:v2+s26+$0x0], $0xffff;
	_ =	sdelay $0x3  }
0xf3: {  	v2 =	vld @p1 [tilespmem:$0x1A6B0]  }
0xf4: {  	[tilespmem:$0x1E890] =	vst @p1 v1  }
0xf5: {  	v1 =	vld.idx.msk @p1 [tilespmem:v3+s26+$0x0], $0xffff;
	_ =	sdelay $0x3  }
0xf6: {  	v3 =	vld @p1 [tilespmem:$0x1A6C0]  }
0xf7: {  	[tilespmem:$0x1E8A0] =	vst @p1 v1  }
0xf8: {  	v1 =	vld.idx.msk @p1 [tilespmem:v2+s26+$0x0], $0xffff;
	_ =	sdelay $0x3  }
0xf9: {  	v2 =	vld @p1 [tilespmem:$0x1A6D0]  }
0xfa: {  	[tilespmem:$0x1E8B0] =	vst @p1 v1  }
0xfb: {  	v1 =	vld.idx.msk @p1 [tilespmem:v3+s26+$0x0], $0xffff;
	_ =	sdelay $0x3  }
0xfc: {  	v3 =	vld @p1 [tilespmem:$0x1A6E0]  }
0xfd: {  	[tilespmem:$0x1E8C0] =	vst @p1 v1  }
0xfe: {  	v1 =	vld.idx.msk @p1 [tilespmem:v2+s26+$0x0], $0xffff;
	_ =	sdelay $0x3  }
0xff: {  	v2 =	vld @p1 [tilespmem:$0x1A6F0]  }
0x100: {  	[tilespmem:$0x1E8D0] =	vst @p1 v1  }
0x101: {  	v1 =	vld.idx.msk @p1 [tilespmem:v3+s26+$0x0], $0xffff;
	_ =	sdelay $0x4  }
0x102: {  	[tilespmem:$0x1E8E0] =	vst @p1 v1  }
0x103: {  	v1 =	vld.idx.msk @p1 [tilespmem:v2+s26+$0x0], $0xffff;
	_ =	sdelay $0x4  }
0x104: {  	s10 =	simm.s32 @p1 $0x0;
	s26 =	simm.s32 @p1 $0x1E700;
	[tilespmem:$0x1E8F0] =	vst @p1 v1  }
0x105: {  	[hbm4b:s23+s10] =	stream.linear.scatter @p1 [tilespmem:s26], [sflag:$0x2], $0x200, $0x38;
	[tilespmem:$0x1E900] =	vst v63  }
0x106: {  	s10 =	simm.s32 @p1 $0x2  }
0x107: {  	_ =	swait.ge @p1 [sflag:s10], $0x200  }
0x108: {  	[sflag:s10] =	ssyncset.done @p1 $0x0  }
0x109: {  	[sflag:s10] =	ssyncadd.s32 @p1 $0xFFFFFE00;
	s10 =	simm.s32 @!p1 $0x1A680  }
0x10a: {  	[tilespmem:s31], [sflag:$0x1] =	stream.indirect.gather @!p1 [hbm4b:s4+s5], $0x80, s10, s5, $0xb8;
	[tilespmem:$0x1E900] =	vst v63  }
0x10b: {  	s2 =	sadd.s32 $0x1, s2;
	_ =	swait.ge @!p1 [sflag:s6], $0x4000  }
0x10c: {  	p2 =	sne.s32 s2, s24;
	[sflag:s6] =	ssyncset.done @!p1 $0x0  }
.Ltmp2:
0x10d: {  	[sflag:s6] =	ssyncadd.s32 @!p1 $0xFFFFC000;
	(pc) =	sbr.rel @p2 .LBB2_1-.Ltmp2, $4  }
0x10e: {  	[hbm4b:s21+s9] =	stream.linear.scatter @!p1 [tilespmem:s31], [sflag:$0x2], $0x4000, $0x38;
	[tilespmem:$0x1E900] =	vst v63  }
0x10f: {  	_ =	swait.ge @!p1 [sflag:s7], $0x4000  }
0x110: {  	[sflag:s7] =	ssyncset.done @!p1 $0x0  }
0x111: {  	[sflag:s7] =	ssyncadd.s32 @!p1 $0xFFFFC000  }
0x112: {  	_ =	sfence.sel $0x180000  }
0x113: {  	[bflag:$0x0] =	sbarrier.arrive $0xFFFF  }
0x114: {  	_ =	strace $0x9000004A  }
0x115: {  	s0 =	stileid.u32;
	[bflag:$0x2] =	sbarrier.arrive $0xFFFF  }
0x116: {  	p0 =	sne.s32 s0, $0x0;
	s0 =	rddreg [dreg:$0x3]  }
0x117: {  	s0 =	sadd.s32 @!p0 $0x100000, s0  }
0x118: {  	[sflag:s0] =	ssyncadd.tile.s32 @!p0 $0x1;
	_ =	shalt  }
.Lfunc_end2:
_tile_overlayer_lowered:
.L_overlay_start_2:
0x119: {  	(tag) =	ssettag $0x2  }
0x11a: {  	s0 =	rddreg [dreg:$0x0];
	s2 =	stileid.u32  }
0x11b: {  	s1 =	rddreg [dreg:$0x1];
	p0 =	sne.s32 s2, $0x0  }
0x11c: {  	s3 =	rddreg [dreg:$0x2];
	[bflag:$0x3] =	sbarrier.arrive $0xFFFF;
	s2 =	simm.s32 @!p0 $0x1C02  }
0x11d: {  	[timem:s3], [sflag:s2] =	dma.local @!p0 [hbm:s0], s1  }
0x11e: {  	s0 =	simm.s32 @!p0 $0x2  }
0x11f: {  	_ =	swait.ge @!p0 [sflag:s0], s1  }
0x120: {  	s1 =	ssub.s32 @!p0 $0x0, s1;
	[sflag:s0] =	ssyncset.done @!p0 $0x0  }
0x121: {  	[sflag:s0] =	ssyncadd.s32 @!p0 s1  }
0x122: {  	[bflag:$0x3] =	sbarrier.arrive $0xFFFF  }
0x123: {  	_ =	shalt  }

// kernel: kernel.8.cloned.1.call-start
scs
__scs_entry_jumppad:
0x0: {  	(pc) =	sbr.rel $0x88, $3  }
0x1: {  	(tag) =	ssettag $0x0;
	lr =	simm.s32 $0x1  }
0x2: {  	[smem:$0x3F94] =	sst lr;
	_ =	strace $0xD0000000  }
0x3: {  	_ = 	snop  }
0x4: {  	_ = 	snop  }
0x5: {  	_ = 	snop  }
0x6: {  	_ = 	snop  }
0x7: {  	_ = 	snop  }
__scs_overlays_trampoline_lowered:
0x8: {  	[smem:$0x3FA3] =	sst s0  }
0x9: {  	[smem:$0x3FA4] =	sst s1  }
0xa: {  	[smem:$0x3FA5] =	sst s2  }
0xb: {  	[smem:$0x3FA6] =	sst s3  }
0xc: {  	[smem:$0x3FA7] =	sst s4  }
0xd: {  	[smem:$0x3FA8] =	sst s5  }
0xe: {  	[smem:$0x3FA9] =	sst s6  }
0xf: {  	[smem:$0x3FAA] =	sst s7  }
0x10: {  	[smem:$0x3FAB] =	sst s8  }
0x11: {  	[smem:$0x3FAC] =	sst s9;
	s0 =	simm.s32 @!p0 $0x0  }
0x12: {  	s1 =	sld [smem:$0x3F92];
	s0 =	simm.s32 @p0 $0x1  }
0x13: {  	[smem:$0x3FAD] =	sst s0;
	s0 =	simm.s32 @!p1 $0x0  }
0x14: {  	s2 =	sld [smem:$0x3F91];
	s0 =	simm.s32 @p1 $0x1  }
0x15: {  	[smem:$0x3FAE] =	sst s0;
	s0 =	simm.s32 @!p2 $0x0  }
0x16: {  	s3 =	sld [smem:$0x3FDB];
	s0 =	simm.s32 @p2 $0x1  }
0x17: {  	s4 =	simm.s32 $0x1BF5;
	[smem:$0x3FB0] =	sst s0  }
0x18: {  	s0 =	sld [smem:$0x3F93];
	_ =	swait.ge [sflag:s4], $0x0  }
0x19: {  	s7 =	sld [smem:$0x3F94]  }
0x1a: {  	s8 =	sadd.s32 $0xFFFFE003, lr  }
0x1b: {  	s9 =	sadd.s32 $0xFFFFFEF7, lr;
	s5 =	simm.s32 $0xFFFFFFFF;
	p2 =	slt.u32 s8, $0xFFFFF086  }
0x1c: {  	p1 =	slt.u32 s9, $0xF7A;
	s5 =	simm.s32 @!p2 $0x0  }
0x1d: {  	s5 =	simm.s32 @p1 $0x1;
	p0 =	seq.s32 s7, s2  }
0x1e: {  	s7 =	smul.u32 @!p0 $0xF7A, s2;
	p2 =	seq.s32 @!p0 s5, $0x0  }
0x1f: {  	s9 =	smul.u32 $0xF7A, s1;
	s8 =	simm.s32 @!p0 $0x1BF5;
	p2 =	por !p2, p0  }
0x20: {  	[sflag:s8] =	ssyncset.s32 @!p0 $0xFFFFF086;
	s6 =	sadd.s32 @!p0 s3, s7;
	s7 =	simm.s32 @!p0 $0x108  }
0x21: {  	s3 =	sadd.s32 s3, s9;
	s6 =	sadd.s32 @!p0 $0x88, s6;
	s7 =	simm.s32 @p2 $0x1082  }
0x22: {  	[simem:s7], [sflag:s8] =	dma.local @!p0 [hbm:s6], $0xF7A  }
0x23: {  	s9 =	sor.u32 $0xD0000000, s2;
	s6 =	simm.s32 $0x108;
	_ =	swait.ge @!p0 [sflag:s8], $0x0  }
0x24: {  	s3 =	sadd.s32 $0x88, s3;
	s6 =	simm.s32 @!p1 $0x1082;
	[sflag:s4] =	ssyncset.s32 $0xFFFFF086  }
0x25: {  	[simem:s6], [sflag:s4] =	dma.local [hbm:s3], $0xF7A  }
0x26: {  	[smem:$0x3F94] =	sst s1;
	(tag) =	ssettag s2;
	_ =	strace s9  }
0x27: {  	s1 =	sld [smem:$0x3FA4]  }
0x28: {  	s2 =	sld [smem:$0x3FA5]  }
0x29: {  	s4 =	sld [smem:$0x3FA7]  }
0x2a: {  	p0 =	seq.s32 s5, $0x0;
	s5 =	sld [smem:$0x3FA8]  }
0x2b: {  	s6 =	sld [smem:$0x3FA9]  }
0x2c: {  	s7 =	sld [smem:$0x3FAA]  }
0x2d: {  	s3 =	simm.s32 $0x108;
	s8 =	sld [smem:$0x3FAB]  }
0x2e: {  	s3 =	simm.s32 @!p0 $0x1082;
	s9 =	sld [smem:$0x3FAC]  }
0x2f: {  	lr =	sadd.s32 s0, s3;
	s0 =	sld [smem:$0x3FA3]  }
0x30: {  	s3 =	sld [smem:$0x3FA6]  }
0x31: {  	[smem:$0x3FAF] =	sst s10  }
0x32: {  	s10 =	sld [smem:$0x3FAD];
	_ =	sdelay $0x3  }
0x33: {  	p0 =	seq.s32 s10, $0x1;
	s10 =	sld [smem:$0x3FAF];
	_ =	sdelay $0x3  }
0x34: {  	[smem:$0x3FAF] =	sst s10  }
0x35: {  	s10 =	sld [smem:$0x3FAE];
	_ =	sdelay $0x3  }
0x36: {  	p1 =	seq.s32 s10, $0x1;
	s10 =	sld [smem:$0x3FAF];
	_ =	sdelay $0x3  }
0x37: {  	[smem:$0x3FAF] =	sst s10  }
0x38: {  	s10 =	sld [smem:$0x3FB0]  }
0x39: {  	_ = 	snop;
	(pc) =	sbr.ind lr, $3  }
0x3a: {  	_ = 	snop  }
0x3b: {  	_ = 	snop  }
0x3c: {  	p2 =	seq.s32 s10, $0x1;
	s10 =	sld [smem:$0x3FAF]  }
0x3d: {  	_ =	shalt  }
0x3e: {  	_ =	shalt  }
0x3f: {  	_ =	shalt  }
0x40: {  	_ =	shalt  }
0x41: {  	_ =	shalt  }
0x42: {  	_ =	shalt  }
0x43: {  	_ =	shalt  }
0x44: {  	_ =	shalt  }
0x45: {  	_ =	shalt  }
0x46: {  	_ =	shalt  }
0x47: {  	_ =	shalt  }
0x48: {  	_ =	shalt  }
0x49: {  	_ =	shalt  }
0x4a: {  	_ =	shalt  }
0x4b: {  	_ =	shalt  }
0x4c: {  	_ =	shalt  }
0x4d: {  	_ =	shalt  }
0x4e: {  	_ =	shalt  }
0x4f: {  	_ =	shalt  }
0x50: {  	_ =	shalt  }
0x51: {  	_ =	shalt  }
0x52: {  	_ =	shalt  }
0x53: {  	_ =	shalt  }
0x54: {  	_ =	shalt  }
0x55: {  	_ =	shalt  }
0x56: {  	_ =	shalt  }
0x57: {  	_ =	shalt  }
0x58: {  	_ =	shalt  }
0x59: {  	_ =	shalt  }
0x5a: {  	_ =	shalt  }
0x5b: {  	_ =	shalt  }
0x5c: {  	_ =	shalt  }
0x5d: {  	_ =	shalt  }
0x5e: {  	_ =	shalt  }
0x5f: {  	_ =	shalt  }
0x60: {  	_ =	shalt  }
0x61: {  	_ =	shalt  }
0x62: {  	_ =	shalt  }
0x63: {  	_ =	shalt  }
0x64: {  	_ =	shalt  }
0x65: {  	_ =	shalt  }
0x66: {  	_ =	shalt  }
0x67: {  	_ =	shalt  }
0x68: {  	_ =	shalt  }
0x69: {  	_ =	shalt  }
0x6a: {  	_ =	shalt  }
0x6b: {  	_ =	shalt  }
0x6c: {  	_ =	shalt  }
0x6d: {  	_ =	shalt  }
0x6e: {  	_ =	shalt  }
0x6f: {  	_ =	shalt  }
0x70: {  	_ =	shalt  }
0x71: {  	_ =	shalt  }
0x72: {  	_ =	shalt  }
0x73: {  	_ =	shalt  }
0x74: {  	_ =	shalt  }
0x75: {  	_ =	shalt  }
0x76: {  	_ =	shalt  }
0x77: {  	_ =	shalt  }
0x78: {  	_ =	shalt  }
0x79: {  	_ =	shalt  }
0x7a: {  	_ =	shalt  }
0x7b: {  	_ =	shalt  }
0x7c: {  	_ =	shalt  }
0x7d: {  	_ =	shalt  }
0x7e: {  	_ =	shalt  }
0x7f: {  	_ =	shalt  }
0x80: {  	_ =	shalt  }
0x81: {  	_ =	shalt  }
0x82: {  	_ =	shalt  }
0x83: {  	_ =	shalt  }
0x84: {  	_ =	shalt  }
0x85: {  	_ =	shalt  }
0x86: {  	_ =	shalt  }
0x87: {  	_ =	shalt  }
.Lfunc_end0:
.L_simem_size_0:
called_computation_lowered:
.L_overlay_start_0:
0x88: {  	s2 =	sld [smem:$0x3FD9]  }
0x89: {  	s3 =	sld [smem:$0x3FFE];
	_ =	sdelay $0x1  }
0x8a: {  	s1 =	srdreg.scid  }
0x8b: {  	s0 =	sand.u32 $0x1, s1  }
0x8c: {  	s17 =	sshll.u32 s0, $0xA;
	s2 =	sadd.s32 s3, s2  }
0x8d: {  	s2 =	sadd.s32 s2, s17  }
0x8e: {  	[smem:$0x3FBB] =	sst s2  }
0x8f: {  	_ = 	snop  }
0x90: {  	s2 =	sld [smem:$0x3FD0];
	(tm) =	ssettm $0x1  }
0x91: {  	s18 =	sld [smem:$0x3FFB];
	_ =	sdelay $0x3  }
0x92: {  	_ =	strace s18  }
0x93: {  	s3 =	sld [smem:$0x3FFC];
	_ =	sdelay $0x3  }
0x94: {  	_ =	strace s3  }
0x95: {  	s3 =	sld [smem:$0x3FFD];
	_ =	sdelay $0x3  }
0x96: {  	_ =	strace s3  }
0x97: {  	_ =	strace $0x8FFFFFFF  }
0x98: {  	s19 =	sld [smem:$0x3FDB];
	_ =	sdelay $0x1  }
0x99: {  	s4 =	simm.s32 $_scs_section_size  }
0x9a: {  	s5 =	simm.s32 $_size__tile_overlayer_lowered;
	s6 =	simm.s32 $_tile_overlayer_lowered  }
0x9b: {  	s22 =	simm.s32 $0x1BFF;
	s21 =	sshll.u32 s6, $0x1;
	s3 =	sadd.s32 s4, s19  }
0x9c: {  	s7 =	simm.s32 $0x0;
	s20 =	sshll.u32 s5, $0x1;
	s5 =	sadd.s32 s21, s3  }
0x9d: {  	[timem:s7], [sflag:s22] =	dma.local [hbm:s5], s20  }
0x9e: {  	_ =	swait.ge [sflag:s22], s20  }
0x9f: {  	s4 =	ssub.s32 $0x0, s20;
	[sflag:s22] =	ssyncset.done $0x0  }
0xa0: {  	[sflag:s22] =	ssyncadd.s32 s4;
	_ =	sdelay $0x1  }
0xa1: {  	s23 =	simm.s32 $0x1B8B  }
0xa2: {  	_ =	swait.ge [sflag:s23], $0x1  }
0xa3: {  	[sflag:s23] =	ssyncset.done $0x0  }
0xa4: {  	s25 =	simm.s32 $0x1B8E;
	s24 =	sld [smem:$0x3FFE];
	[sflag:s23] =	ssyncadd.s32 $0xFFFFFFFF  }
0xa5: {  	s26 =	simm.s32 $execute0_lowered;
	[smem:$0x3FD2] =	sst s25  }
0xa6: {  	s5 =	sshll.u32 s26, $0x1;
	_ =	strace $0x80000046;
	[dreg:$0x1] =	wrdreg $0xFFFFFFFF  }
0xa7: {  	s28 =	simm.s32 $_size_execute0_lowered;
	s3 =	sadd.s32 s3, s5;
	[dreg:$0x0] =	wrdreg $0x0  }
0xa8: {  	s5 =	sshll.u32 s28, $0x1;
	[dreg:$0x2] =	wrdreg s3  }
0xa9: {  	[dreg:$0x3] =	wrdreg s5  }
0xaa: {  	[dreg:$0x4] =	wrdreg $0xC0  }
0xab: {  	_ =	task [dreg:s7], $0x5FFFF  }
0xac: {  	[dreg:$0x1] =	wrdreg $0xFFFFFFFF  }
0xad: {  	[dreg:$0x0] =	wrdreg $0x60  }
0xae: {  	[dreg:$0x2] =	wrdreg s24  }
0xaf: {  	[dreg:$0x3] =	wrdreg s2  }
0xb0: {  	[dreg:$0x4] =	wrdreg $0x105000  }
0xb1: {  	[dreg:$0x5] =	wrdreg $0x9  }
0xb2: {  	_ =	task.clear_ibuf [dreg:s7], $0x6FFFF;
	_ =	strace $0x90000046  }
0xb3: {  	s29 =	simm.s32 $0x9;
	_ =	strace $0x80000048  }
0xb4: {  	_ =	swait.ge [sflag:s29], $0x1  }
0xb5: {  	[sflag:s29] =	ssyncadd.s32 $0xFFFFFFFF  }
0xb6: {  	_ =	strace $0x90000048  }
0xb7: {  	_ =	sfence  }
0xb8: {  	s30 =	sld [smem:$0x0];
	_ =	sdelay $0x2  }
0xb9: {  	s31 =	sshll.u32 s1, $0xD;
	s1 =	sshrl.u32 s1, $0x2  }
0xba: {  	s3 =	sand.u32 $0x4000, s31;
	s1 =	sadd.s32 s1, s30  }
0xbb: {  	s0 =	sor.u32 s3, s0;
	s1 =	sshll.u32 s1, $0x11  }
0xbc: {  	s0 =	sor.u32 s1, s0  }
0xbd: {  	s0 =	sadd.s32 $0x8F2B, s0  }
0xbe: {  	[sflag:s0] =	ssyncadd.remote.s32 $0x1  }
0xbf: {  	_ =	sfence.sel $0xFFFF  }
0xc0: {  	[dreg:$0x0] =	wrdreg $0xFFFFFFFF;
	(pc) =	sbr.abs _section_cstart, $3  }
0xc1: {  	[dreg:$0x1] =	wrdreg $0xFFFFFFFF  }
0xc2: {  	_ =	task.clear_ibuf [dreg:s7], $0x2FFFF;
	_ =	strace $0x9FFFFFFF  }
0xc3: {  	(tm) =	ssettm $0x7FFFFFFF  }
tec
execute0_lowered:
.L_overlay_start_1:
0x0: {  	(tag) =	ssettag $0x1  }
0x1: {  	s4 =	rddreg [dreg:$0x0]  }
0x2: {  	s5 =	rddreg [dreg:$0x1]  }
0x3: {  	s1 =	rddreg [dreg:$0x2];
	s2 =	srdreg.scid  }
0x4: {  	s0 =	rddreg [dreg:$0x3];
	s3 =	simm.s32 $0x0;
	s22 =	simm.s32 $0x1  }
0x5: {  	s23 =	simm.s32 $0x80;
	s24 =	simm.s32 $0x9C80;
	s21 =	sand.u32 $0x1, s2  }
0x6: {  	s25 =	simm.s32 $0x0;
	s2 =	stileid.u32;
	s14 =	smul.u32 $0xA0000, s21  }
0x7: {  	[smem:$0x7FF] =	sst s3;
	s16 =	sadd.s32 $0x14DE00, s4;
	s6 =	smul.u32 $0x9D0, s2  }
0x8: {  	_ =	strace $0x80000047;
	s8 =	smul.u32 $0x500, s2;
	s9 =	ssub.s32 $0x2, s21  }
0x9: {  	s12 =	smul.u32 $0xA000, s2;
	p0 =	sne.s32 s21, $0x0;
	s21 =	simm.s32 $0x9D00  }
0xa: {  	s10 =	sshrl.u32 s9, $0x1;
	s11 =	sadd.s32 s14, s4;
	s7 =	sadd.s32 s6, s4  }
0xb: {  	s17 =	sadd.s32 s8, s4;
	s18 =	ssub.s32 s9, s10;
	s4 =	sadd.s32 s5, s6  }
0xc: {  	s6 =	sadd.s32 s12, s1;
	s13 =	sadd.s32 $0x2000, s12;
	s15 =	sadd.s32 $0x4000, s12  }
0xd: {  	s19 =	sadd.s32 $0x6000, s12;
	s20 =	sadd.s32 $0x8000, s12;
	s12 =	sadd.s32 s12, s14  }
0xe: {  	s5 =	sadd.s32 $0x4000, s7;
	s7 =	sadd.s32 s13, s1;
	s8 =	sadd.s32 s15, s1  }
0xf: {  	s9 =	sadd.s32 s19, s1;
	s10 =	sadd.s32 s20, s1;
	s13 =	sadd.s32 s14, s13  }
0x10: {  	s11 =	sadd.s32 $0xDE00, s11;
	s12 =	sshrl.u32 s12, $0x3;
	s15 =	sadd.s32 s14, s15  }
0x11: {  	s19 =	sadd.s32 s14, s19;
	s20 =	sadd.s32 s14, s20;
	s17 =	sadd.s32 $0x175E00, s17  }
0x12: {  	s18 =	smax.u32 s18, $0x1;
	s13 =	sshrl.u32 s13, $0x3;
	s12 =	sadd.s32 s16, s12  }
0x13: {  	s15 =	sshrl.u32 s15, $0x3;
	s30 =	sshrl.u32 s19, $0x3;
	s31 =	sshrl.u32 s20, $0x3  }
0x14: {  	s19 =	simm.s32 $0x2;
	s20 =	simm.s32 $0x4E80;
	s13 =	sadd.s32 s16, s13  }
0x15: {  	v0 =	vimm.f32 $0.0e+00;
	s14 =	sadd.s32 s16, s15;
	s15 =	sadd.s32 s16, s30;
	s16 =	sadd.s32 s16, s31  }
.LBB2_1:
0x16: {  	[tilespmem:s3], [sflag:$0x2] =	stream.linear.gather [hbm4b:s4+s3], $0x4E80, $0x38;
	[tilespmem:$0x1A500] =	vst v63  }
0x17: {  	_ =	swait.ge [sflag:s19], $0x4E80  }
0x18: {  	[sflag:s19] =	ssyncset.done $0x0  }
0x19: {  	[sflag:s19] =	ssyncadd.s32 $0xFFFFB180  }
0x1a: {  	[tilespmem:s20], [sflag:$0x2] =	stream.linear.gather [hbm4b:s5+s3], $0x4E80, $0x38;
	[tilespmem:$0x1A500] =	vst v63  }
0x1b: {  	_ =	swait.ge [sflag:s19], $0x4E80  }
0x1c: {  	[sflag:s19] =	ssyncset.done $0x0  }
0x1d: {  	s28 =	simm.s32 $0x100;
	s26 =	simm.s32 $0x0;
	[sflag:s19] =	ssyncadd.s32 $0xFFFFB180  }
.LBB2_2:
0x1e: {  	p1 =	sne.s32 s28, $0x7F00;
	[tilespmem:s26+$0x9D30] =	vst v0;
	s29 =	smov.u32 s28;
	s28 =	sadd.s32 $0x100, s28  }
.Ltmp0:
0x1f: {  	[tilespmem:s26+$0x9D20] =	vst v0;
	(pc) =	sbr.rel @p1 .LBB2_2-.Ltmp0, $3  }
0x20: {  	[tilespmem:s26+$0x9D00] =	vst v0  }
0x21: {  	[tilespmem:s26+$0x9D10] =	vst v0;
	_ =	sdelay $0x1  }
0x22: {  	s26 =	sshra.s32 s29, $0x2  }
0x23: {  	[tilespmem:s26+$0x9D30] =	vst v0  }
0x24: {  	[tilespmem:s26+$0x9D20] =	vst v0  }
0x25: {  	[tilespmem:s26+$0x9D00] =	vst v0  }
0x26: {  	[tilespmem:s26+$0x9D10] =	vst v0  }
0x27: {  	[spmem:s6] =	stream.linear.scatter [tilespmem:s21], [sflag:$0x2], $0x2000, $0x38;
	[tilespmem:$0x1A500] =	vst v63  }
0x28: {  	_ =	swait.ge [sflag:s19], $0x2000  }
0x29: {  	[sflag:s19] =	ssyncset.done $0x0  }
0x2a: {  	[sflag:s19] =	ssyncadd.s32 $0xFFFFE000  }
0x2b: {  	[spmem:s7] =	stream.linear.scatter [tilespmem:s21], [sflag:$0x2], $0x2000, $0x38;
	[tilespmem:$0x1A500] =	vst v63  }
0x2c: {  	_ =	swait.ge [sflag:s19], $0x2000  }
0x2d: {  	[sflag:s19] =	ssyncset.done $0x0  }
0x2e: {  	[sflag:s19] =	ssyncadd.s32 $0xFFFFE000  }
0x2f: {  	[spmem:s8] =	stream.linear.scatter [tilespmem:s21], [sflag:$0x2], $0x2000, $0x38;
	[tilespmem:$0x1A500] =	vst v63  }
0x30: {  	_ =	swait.ge [sflag:s19], $0x2000  }
0x31: {  	[sflag:s19] =	ssyncset.done $0x0  }
0x32: {  	[sflag:s19] =	ssyncadd.s32 $0xFFFFE000  }
0x33: {  	[spmem:s9] =	stream.linear.scatter [tilespmem:s21], [sflag:$0x2], $0x2000, $0x38;
	[tilespmem:$0x1A500] =	vst v63  }
0x34: {  	_ =	swait.ge [sflag:s19], $0x2000  }
0x35: {  	[sflag:s19] =	ssyncset.done $0x0  }
.Ltmp1:
0x36: {  	[sflag:s19] =	ssyncadd.s32 $0xFFFFE000;
	(pc) =	sbr.rel @p0 .LBB2_7-.Ltmp1, $4  }
0x37: {  	[spmem:s10] =	stream.linear.scatter [tilespmem:s21], [sflag:$0x2], $0x2000, $0x38;
	[tilespmem:$0x1A500] =	vst v63  }
0x38: {  	_ =	swait.ge [sflag:s19], $0x2000  }
0x39: {  	[sflag:s19] =	ssyncset.done $0x0  }
0x3a: {  	s28 =	simm.s32 $0x0;
	[sflag:s19] =	ssyncadd.s32 $0xFFFFE000  }
0x3b: {  	s26 =	simm.s32 $0x40;
	s29 =	simm.s32 $0x0  }
.LBB2_5:
0x3c: {  	p1 =	sne.s32 s26, $0x9FC0;
	[tilespmem:s29+$0xDD00] =	vst v0;
	s29 =	smov.u32 s26;
	s26 =	sadd.s32 $0x40, s26  }
.Ltmp2:
0x3d: {  	(pc) =	sbr.rel @p1 .LBB2_5-.Ltmp2, $2  }
0x3e: {  	_ =	sdelay $0x2  }
0x3f: {  	s29 =	sshra.s32 s29, $0x2  }
0x40: {  	[tilespmem:s29+$0xDD00] =	vst v0  }
.LBB2_7:
0x41: {  	[bflag:$0x0] =	sbarrier.arrive $0xFFFF;
	s29 =	simm.s32 $0x80;
	s30 =	simm.s32 $0x4E80  }
0x42: {  	[tilespmem:s21], [sflag:$0x1] =	stream.indirect.gather [hbm4b:s11+s29], $0x40, s28, s29, $0xb8;
	[tilespmem:$0x1A500] =	vst v63  }
.LBB2_8:
0x43: {  	_ =	swait.ge [sflag:s22], $0x2000;
	s26 =	sshll.u32 s28, $0xD  }
0x44: {  	[sflag:s22] =	ssyncset.done $0x0;
	s26 =	sand.u32 $0x2000, s26  }
0x45: {  	[sflag:s22] =	ssyncadd.s32 $0xFFFFE000;
	s31 =	sxor.u32 $0xBD00, s26  }
0x46: {  	[tilespmem:s31], [sflag:$0x1] =	stream.indirect.gather [hbm4b:s11+s23], $0x40, s29, s23, $0xb8;
	[tilespmem:$0x1A500] =	vst v63  }
0x47: {  	s26 =	sor.u32 $0x9D00, s26  }
0x48: {  	[spmem:s1] =	stream.indirect.scatter.add.f32 [tilespmem:s26], [sflag:$0x2], $0x40, s30, s23, $0xb8;
	[tilespmem:$0x1A500] =	vst v63  }
0x49: {  	_ =	swait.ge [sflag:s19], $0x2000  }
0x4a: {  	[sflag:s19] =	ssyncset.done $0x0  }
0x4b: {  	[sflag:s19] =	ssyncadd.s32 $0xFFFFE000  }
0x4c: {  	v2 =	vld @!p0 [tilespmem:s30+$0x0];
	_ =	sdelay $0x6  }
0x4d: {  	v1 =	vimm.f32 @!p0 $1.000000000e+00;
	s26 =	simm.s32 @!p0 $0xDD00  }
0x4e: {  	[tilespmem:v2+s26+$0x0] =	vst.idx.add.f32.msk @!p0 $0xffff, v1  }
0x4f: {  	v2 =	vld @!p0 [tilespmem:s30+$0x10];
	_ =	sdelay $0x7  }
0x50: {  	[tilespmem:v2+s26+$0x0] =	vst.idx.add.f32.msk @!p0 $0xffff, v1  }
0x51: {  	v2 =	vld @!p0 [tilespmem:s30+$0x20];
	_ =	sdelay $0x7  }
0x52: {  	[tilespmem:v2+s26+$0x0] =	vst.idx.add.f32.msk @!p0 $0xffff, v1  }
0x53: {  	v2 =	vld @!p0 [tilespmem:s30+$0x30];
	_ =	sdelay $0x7  }
0x54: {  	[tilespmem:v2+s26+$0x0] =	vst.idx.add.f32.msk @!p0 $0xffff, v1  }
0x55: {  	v2 =	vld @!p0 [tilespmem:s30+$0x40];
	_ =	sdelay $0x7  }
0x56: {  	[tilespmem:v2+s26+$0x0] =	vst.idx.add.f32.msk @!p0 $0xffff, v1  }
0x57: {  	v2 =	vld @!p0 [tilespmem:s30+$0x50];
	_ =	sdelay $0x7  }
0x58: {  	[tilespmem:v2+s26+$0x0] =	vst.idx.add.f32.msk @!p0 $0xffff, v1  }
0x59: {  	v2 =	vld @!p0 [tilespmem:s30+$0x60];
	_ =	sdelay $0x7  }
0x5a: {  	[tilespmem:v2+s26+$0x0] =	vst.idx.add.f32.msk @!p0 $0xffff, v1  }
0x5b: {  	v2 =	vld @!p0 [tilespmem:s30+$0x70];
	_ =	sdelay $0x1  }
0x5c: {  	s28 =	sadd.s32 $0x1, s28  }
0x5d: {  	p1 =	sne.s32 s28, $0x9C  }
.Ltmp3:
0x5e: {  	_ = 	snop;
	(pc) =	sbr.rel @p1 .LBB2_8-.Ltmp3, $2  }
0x5f: {  	_ =	sdelay $0x2  }
0x60: {  	s29 =	sadd.s32 $0x80, s29;
	s30 =	sadd.s32 $0x80, s30;
	[tilespmem:v2+s26+$0x0] =	vst.idx.add.f32.msk @!p0 $0xffff, v1  }
0x61: {  	_ =	swait.ge [sflag:s22], $0x2000  }
0x62: {  	[sflag:s22] =	ssyncset.done $0x0  }
0x63: {  	[sflag:s22] =	ssyncadd.s32 $0xFFFFE000  }
0x64: {  	[spmem:s1] =	stream.indirect.scatter.add.f32 [tilespmem:s21], [sflag:$0x2], $0x40, s24, s23, $0xb8;
	[tilespmem:$0x1A500] =	vst v63  }
0x65: {  	_ =	swait.ge [sflag:s19], $0x2000  }
0x66: {  	[sflag:s19] =	ssyncset.done $0x0  }
0x67: {  	[sflag:s19] =	ssyncadd.s32 $0xFFFFE000  }
0x68: {  	v2 =	vld @!p0 [tilespmem:$0x9C80];
	_ =	sdelay $0x7  }
0x69: {  	[tilespmem:v2+s26+$0x0] =	vst.idx.add.f32.msk @!p0 $0xffff, v1  }
0x6a: {  	v2 =	vld @!p0 [tilespmem:$0x9C90];
	_ =	sdelay $0x7  }
0x6b: {  	[tilespmem:v2+s26+$0x0] =	vst.idx.add.f32.msk @!p0 $0xffff, v1  }
0x6c: {  	v2 =	vld @!p0 [tilespmem:$0x9CA0];
	_ =	sdelay $0x7  }
0x6d: {  	[tilespmem:v2+s26+$0x0] =	vst.idx.add.f32.msk @!p0 $0xffff, v1  }
0x6e: {  	v2 =	vld @!p0 [tilespmem:$0x9CB0];
	_ =	sdelay $0x7  }
0x6f: {  	[tilespmem:v2+s26+$0x0] =	vst.idx.add.f32.msk @!p0 $0xffff, v1  }
0x70: {  	v2 =	vld @!p0 [tilespmem:$0x9CC0];
	_ =	sdelay $0x7  }
0x71: {  	[tilespmem:v2+s26+$0x0] =	vst.idx.add.f32.msk @!p0 $0xffff, v1  }
0x72: {  	v2 =	vld @!p0 [tilespmem:$0x9CD0];
	_ =	sdelay $0x7  }
0x73: {  	[tilespmem:v2+s26+$0x0] =	vst.idx.add.f32.msk @!p0 $0xffff, v1  }
0x74: {  	v2 =	vld @!p0 [tilespmem:$0x9CE0];
	_ =	sdelay $0x7  }
0x75: {  	[tilespmem:v2+s26+$0x0] =	vst.idx.add.f32.msk @!p0 $0xffff, v1  }
0x76: {  	v2 =	vld @!p0 [tilespmem:$0x9CF0];
	_ =	sdelay $0x7  }
0x77: {  	s28 =	sshll.u32 s2, $0x6;
	[tilespmem:v2+s26+$0x0] =	vst.idx.add.f32.msk @!p0 $0xffff, v1  }
0x78: {  	s29 =	sshrl.u32 s6, $0x3;
	s28 =	sor.u32 $0x1C02, s28;
	[bflag:$0x0] =	sbarrier.arrive $0xFFFF  }
0x79: {  	[hbm:s12], [sflag:s28] =	dma.local [spmem:s29], $0x400  }
0x7a: {  	_ =	swait.ge [sflag:s19], $0x400  }
0x7b: {  	[sflag:s19] =	ssyncset.done $0x0  }
0x7c: {  	s30 =	sshrl.u32 s7, $0x3;
	[sflag:s19] =	ssyncadd.s32 $0xFFFFFC00  }
0x7d: {  	[hbm:s13], [sflag:s28] =	dma.local [spmem:s30], $0x400  }
0x7e: {  	_ =	swait.ge [sflag:s19], $0x400  }
0x7f: {  	[sflag:s19] =	ssyncset.done $0x0  }
0x80: {  	s31 =	sshrl.u32 s8, $0x3;
	[sflag:s19] =	ssyncadd.s32 $0xFFFFFC00  }
0x81: {  	[hbm:s14], [sflag:s28] =	dma.local [spmem:s31], $0x400  }
0x82: {  	_ =	swait.ge [sflag:s19], $0x400  }
0x83: {  	[sflag:s19] =	ssyncset.done $0x0  }
0x84: {  	s30 =	sshrl.u32 s9, $0x3;
	[sflag:s19] =	ssyncadd.s32 $0xFFFFFC00  }
0x85: {  	[hbm:s15], [sflag:s28] =	dma.local [spmem:s30], $0x400  }
0x86: {  	_ =	swait.ge [sflag:s19], $0x400  }
0x87: {  	[sflag:s19] =	ssyncset.done $0x0  }
0x88: {  	s31 =	sshrl.u32 s10, $0x3;
	[sflag:s19] =	ssyncadd.s32 $0xFFFFFC00  }
0x89: {  	[hbm:s16], [sflag:s28] =	dma.local [spmem:s31], $0x400  }
0x8a: {  	_ =	swait.ge [sflag:s19], $0x400  }
0x8b: {  	s25 =	sadd.s32 $0x1, s25;
	[sflag:s19] =	ssyncset.done $0x0  }
0x8c: {  	p1 =	sne.s32 s25, s18;
	s28 =	simm.s32 @!p0 $0x0;
	[sflag:s19] =	ssyncadd.s32 $0xFFFFFC00  }
0x8d: {  	[hbm4b:s17+s28] =	stream.linear.scatter @!p0 [tilespmem:s26], [sflag:$0x2], $0x2800, $0x38;
	[tilespmem:$0x1A500] =	vst v63  }
.Ltmp4:
0x8e: {  	_ = 	snop;
	(pc) =	sbr.rel @p1 .LBB2_1-.Ltmp4, $4  }
0x8f: {  	s26 =	simm.s32 @!p0 $0x2  }
0x90: {  	_ =	swait.ge @!p0 [sflag:s26], $0x2800  }
0x91: {  	[sflag:s26] =	ssyncset.done @!p0 $0x0  }
0x92: {  	[sflag:s26] =	ssyncadd.s32 @!p0 $0xFFFFD800  }
0x93: {  	_ =	sfence.sel $0x180000  }
0x94: {  	[bflag:$0x0] =	sbarrier.arrive $0xFFFF  }
0x95: {  	p0 =	sne.s32 s2, $0x0;
	_ =	strace $0x90000047  }
0x96: {  	s0 =	sadd.s32 @!p0 $0x100000, s0;
	[bflag:$0x2] =	sbarrier.arrive $0xFFFF  }
0x97: {  	[sflag:s0] =	ssyncadd.tile.s32 @!p0 $0x1;
	_ =	shalt  }
.Lfunc_end2:
_tile_overlayer_lowered:
.L_overlay_start_2:
0x98: {  	(tag) =	ssettag $0x2  }
0x99: {  	s0 =	rddreg [dreg:$0x0];
	s2 =	stileid.u32  }
0x9a: {  	s1 =	rddreg [dreg:$0x1];
	p0 =	sne.s32 s2, $0x0  }
0x9b: {  	s3 =	rddreg [dreg:$0x2];
	[bflag:$0x3] =	sbarrier.arrive $0xFFFF;
	s2 =	simm.s32 @!p0 $0x1C02  }
0x9c: {  	[timem:s3], [sflag:s2] =	dma.local @!p0 [hbm:s0], s1  }
0x9d: {  	s0 =	simm.s32 @!p0 $0x2  }
0x9e: {  	_ =	swait.ge @!p0 [sflag:s0], s1  }
0x9f: {  	s1 =	ssub.s32 @!p0 $0x0, s1;
	[sflag:s0] =	ssyncset.done @!p0 $0x0  }
0xa0: {  	[sflag:s0] =	ssyncadd.s32 @!p0 s1  }
0xa1: {  	[bflag:$0x3] =	sbarrier.arrive $0xFFFF  }
0xa2: {  	_ =	shalt  }

</sc_bundles>
